<compile_context>
chip_gen: v7x
topology: tpu7x:2x2x1
jax: 0.10.2.dev20260603
libtpu: 0.0.44.dev20260713+nightly
codegen_flags: <defaults>
</compile_context>

<pallas_src>
import functools

import jax
import jax.numpy as jnp
from jax import lax
from jax.experimental import pallas as pl
from jax.experimental.pallas import tpu as pltpu
from jax.experimental.pallas import tpu_sc as plsc

VOCAB = 1000000
DIM = 64
BSZ = 16384
SEQLEN = 200

NC = 2
NS = 16
NW = NC * NS

BBLK = 512
NQ = BSZ // BBLK
NBLK = SEQLEN * NQ
PER_W = NBLK // NW
NBT = BSZ // 128


def _make_sc_gather():
    mesh = plsc.VectorSubcoreMesh(core_axis_name="c", subcore_axis_name="s")

    @functools.partial(
        pl.kernel,
        mesh=mesh,
        out_type=jax.ShapeDtypeStruct((SEQLEN, BSZ, DIM), jnp.float32),
        scratch_types=[
            pltpu.VMEM((BBLK,), jnp.int32),
            pltpu.VMEM((BBLK,), jnp.int32),
            pltpu.VMEM((BBLK, DIM), jnp.float32),
            pltpu.VMEM((BBLK, DIM), jnp.float32),
            pltpu.SemaphoreType.DMA,
            pltpu.SemaphoreType.DMA,
            pltpu.SemaphoreType.DMA,
            pltpu.SemaphoreType.DMA,
        ],
        compiler_params=pltpu.CompilerParams(use_tc_tiling_on_sc=False),
    )
    def sc_gather(xt_hbm, table_hbm, out_hbm,
                  idx0, idx1, rows0, rows1, g0, g1, o0, o1):
        wid = lax.axis_index("s") * NC + lax.axis_index("c")
        idx_b = (idx0, idx1)
        rows_b = (rows0, rows1)
        gsem = (g0, g1)
        osem = (o0, o1)

        def sq(i):
            g = i * NW + wid
            s = g // NQ
            q = g - s * NQ
            return s, q

        def gstart(i, b):
            s, q = sq(i)
            pltpu.sync_copy(xt_hbm.at[s, pl.ds(q * BBLK, BBLK)], idx_b[b])
            pltpu.async_copy(table_hbm.at[idx_b[b]], rows_b[b], gsem[b])

        def gwait(b):
            pltpu.make_async_copy(
                table_hbm.at[idx_b[b]], rows_b[b], gsem[b]).wait()

        def ostart(i, b):
            s, q = sq(i)
            pltpu.async_copy(
                rows_b[b], out_hbm.at[s, pl.ds(q * BBLK, BBLK), :], osem[b])

        def owait(i, b):
            s, q = sq(i)
            pltpu.make_async_copy(
                rows_b[b], out_hbm.at[s, pl.ds(q * BBLK, BBLK), :],
                osem[b]).wait()

        gstart(0, 0)

        def body(j, carry):
            for b in range(2):
                i = 2 * j + b
                nb = 1 - b
                pl.when(i >= 1)(lambda: owait(i - 1, nb))
                pl.when(i + 1 < PER_W)(lambda: gstart(i + 1, nb))
                gwait(b)
                ostart(i, b)
            return carry

        lax.fori_loop(0, PER_W // 2, body, 0)
        owait(PER_W - 1, 1)

    return sc_gather


TPB = 128


def _tc_body(in_ref, out_ref):
    ident = jax.lax.broadcasted_iota(jnp.int32, (128, 128), 0)
    ident = (ident == jax.lax.broadcasted_iota(jnp.int32, (128, 128), 1))
    ident = ident.astype(jnp.float32)
    for k in range(TPB):
        v = in_ref[pl.ds(k * DIM, DIM), :]
        rows = v.reshape(128, DIM)
        t = jax.lax.dot_general(
            rows, ident, (((0,), (0,)), ((), ())),
            preferred_element_type=jnp.float32)
        out_ref[0, :, k, :, :] = t.reshape(8, 8, 128)


def _make_tc_relayout():
    return pl.pallas_call(
        _tc_body,
        grid=(SEQLEN, NBT // TPB),
        in_specs=[pl.BlockSpec((TPB * DIM, 128),
                               lambda s, q: (s * (NBT // TPB) + q, 0))],
        out_specs=pl.BlockSpec((1, 8, TPB, 8, 128),
                               lambda s, q: (s, 0, q, 0, 0)),
        out_shape=jax.ShapeDtypeStruct((SEQLEN, 8, NBT, 8, 128),
                                       jnp.float32),
        compiler_params=pltpu.CompilerParams(
            vmem_limit_bytes=100 * 1024 * 1024),
    )


_SC_GATHER = _make_sc_gather()
_TC_RELAYOUT = _make_tc_relayout()


def kernel(x, weight):
    inter = _SC_GATHER(x.T, weight)
    flat2 = inter.reshape(SEQLEN * BSZ * DIM // 128, 128)
    out5 = _TC_RELAYOUT(flat2)
    return out5.transpose(2, 4, 0, 1, 3).reshape(BSZ, SEQLEN, DIM)

# --- scband reference (transcript-rebuilt; emitter-appended) ---
"""Pipeline reference for scband-my-embedding-13829794693835 (READ-ONLY COPY).

The authoritative reference and input builder live on the scoring server;
editing this copy changes nothing except your own understanding.
"""

import jax, jax.numpy as jnp
import numpy as np

VOCAB = 1000000
DIM = 64
BSZ = 16384
SEQLEN = 200

def setup_inputs(seed: int = 0) -> dict:
    key = jax.random.key(seed)
    k1, k2 = jax.random.split(key)
    x = jax.random.randint(k1, (BSZ, SEQLEN), 0, VOCAB, dtype=jnp.int32)
    weight = jax.random.normal(k2, (VOCAB, DIM), dtype=jnp.float32) * 0.02
    return {"x": x, "weight": weight}

def reference(x, weight):
    # myEmbedding with save_data=None simply calls self.layer(x), i.e. an
    # embedding table gather: out[b, s, :] = weight[x[b, s], :]
    return jnp.take(weight, x, axis=0)

if __name__ == "__main__":
    import jax
    _d = setup_inputs()
    print(jax.jit(kernel)(*tuple(_d.values())))

</pallas_src>

<mosaic_0001>
#map = affine_map<(d0, d1) -> (0, 0)>
#map1 = affine_map<(d0, d1) -> (0, 0, 0)>
module attributes {stable_mosaic.version = 14 : i64} {
  func.func @sc_gather(%arg0: i32, %arg1: i32, %arg2: memref<200x16384xi32, #tpu.memory_space<hbm>>, %arg3: memref<1000000x64xf32, #tpu.memory_space<hbm>>, %arg4: memref<200x16384x64xf32, #tpu.memory_space<hbm>>, %arg5: memref<512xi32, #tpu.memory_space<vmem>>, %arg6: memref<512xi32, #tpu.memory_space<vmem>>, %arg7: memref<512x64xf32, #tpu.memory_space<vmem>>, %arg8: memref<512x64xf32, #tpu.memory_space<vmem>>, %arg9: memref<!tpu.dma_semaphore, #tpu.memory_space<semaphore_mem>>, %arg10: memref<!tpu.dma_semaphore, #tpu.memory_space<semaphore_mem>>, %arg11: memref<!tpu.dma_semaphore, #tpu.memory_space<semaphore_mem>>, %arg12: memref<!tpu.dma_semaphore, #tpu.memory_space<semaphore_mem>>) attributes {dimension_semantics = [#tpu.dimension_semantics<core_parallel>, #tpu.dimension_semantics<subcore_parallel>], iteration_bounds = array<i64: 2, 16>, scalar_prefetch = 0 : i64, scratch_operands = 8 : i64, tpu.core_type = #tpu.core_type<sc_vector_subcore>, window_params = [{transform_indices = #map}, {transform_indices = #map}, {transform_indices = #map1}]} {
    %mul3A = arith.constant 2 : i32
    %mul3A_0 = arith.muli %arg1, %mul3A : i32
    %add3A = arith.addi %mul3A_0, %arg0 : i32
    %add3A_1 = arith.constant 0 : i32
    %add3A_2 = arith.addi %add3A_1, %add3A : i32
    %jit3A = arith.constant 32 : i32
    %div3A = arith.divsi %add3A_2, %jit3A : i32
    %sign3A = arith.constant 0 : i32
    %sign3A_3 = arith.cmpi sgt, %add3A_2, %sign3A : i32
    %sign3A_4 = arith.extui %sign3A_3 : i1 to i32
    %sign3A_5 = arith.constant 0 : i32
    %sign3A_6 = arith.cmpi slt, %add3A_2, %sign3A_5 : i32
    %sign3A_7 = arith.extui %sign3A_6 : i1 to i32
    %sign3A_8 = arith.subi %sign3A_4, %sign3A_7 : i32
    %sign3A_9 = arith.constant 0 : i32
    %sign3A_10 = arith.cmpi sgt, %jit3A, %sign3A_9 : i32
    %sign3A_11 = arith.extui %sign3A_10 : i1 to i32
    %sign3A_12 = arith.constant 0 : i32
    %sign3A_13 = arith.cmpi slt, %jit3A, %sign3A_12 : i32
    %sign3A_14 = arith.extui %sign3A_13 : i1 to i32
    %sign3A_15 = arith.subi %sign3A_11, %sign3A_14 : i32
    %ne3A = arith.cmpi ne, %sign3A_8, %sign3A_15 : i32
    %rem3A = arith.remsi %add3A_2, %jit3A : i32
    %ne3A_16 = arith.constant 0 : i32
    %ne3A_17 = arith.cmpi ne, %rem3A, %ne3A_16 : i32
    %and3A = arith.andi %ne3A, %ne3A_17 : i1
    %sub3A = arith.constant 1 : i32
    %sub3A_18 = arith.subi %div3A, %sub3A : i32
    %select_n3A = arith.select %and3A, %sub3A_18, %div3A : i32
    %mul3A_19 = arith.constant 32 : i32
    %mul3A_20 = arith.muli %select_n3A, %mul3A_19 : i32
    %sub3A_21 = arith.subi %add3A_2, %mul3A_20 : i32
    %mul3A_22 = arith.constant 512 : i32
    %mul3A_23 = arith.muli %sub3A_21, %mul3A_22 : i32
    "tpu.region"() ({
      %run_scoped3A = tpu.sem_alloc : memref<!tpu.dma_semaphore, #tpu.memory_space<semaphore_mem>>
      %dma_start3A_67 = tpu.memref_slice %arg2[%select_n3A, %mul3A_23] : memref<200x16384xi32, #tpu.memory_space<hbm>> -> memref<1x512xi32, #tpu.memory_space<hbm>>
      %dma_start3A_68 = tpu.memref_squeeze %dma_start3A_67 : memref<1x512xi32, #tpu.memory_space<hbm>> -> memref<512xi32, #tpu.memory_space<hbm>>
      %dma_start3A_69 = tpu.memref_slice %arg2[%select_n3A, %mul3A_23] : memref<200x16384xi32, #tpu.memory_space<hbm>> -> memref<1x512xi32, #tpu.memory_space<hbm>>
      %dma_start3A_70 = tpu.memref_squeeze %dma_start3A_69 : memref<1x512xi32, #tpu.memory_space<hbm>> -> memref<512xi32, #tpu.memory_space<hbm>>
      tpu.enqueue_dma source(%dma_start3A_70 : memref<512xi32, #tpu.memory_space<hbm>>) target(%arg5 : memref<512xi32, #tpu.memory_space<vmem>>) target_semaphore(%run_scoped3A : memref<!tpu.dma_semaphore, #tpu.memory_space<semaphore_mem>>)
      %dma_wait3A_71 = tpu.memref_slice %arg2[%select_n3A, %mul3A_23] : memref<200x16384xi32, #tpu.memory_space<hbm>> -> memref<1x512xi32, #tpu.memory_space<hbm>>
      %dma_wait3A_72 = tpu.memref_squeeze %dma_wait3A_71 : memref<1x512xi32, #tpu.memory_space<hbm>> -> memref<512xi32, #tpu.memory_space<hbm>>
      %dma_wait3A_73 = tpu.memref_slice %arg2[%select_n3A, %mul3A_23] : memref<200x16384xi32, #tpu.memory_space<hbm>> -> memref<1x512xi32, #tpu.memory_space<hbm>>
      %dma_wait3A_74 = tpu.memref_squeeze %dma_wait3A_73 : memref<1x512xi32, #tpu.memory_space<hbm>> -> memref<512xi32, #tpu.memory_space<hbm>>
      tpu.wait_dma2 semaphore(%run_scoped3A : memref<!tpu.dma_semaphore, #tpu.memory_space<semaphore_mem>>) src(%dma_wait3A_74 : memref<512xi32, #tpu.memory_space<hbm>>) dst(%arg5 : memref<512xi32, #tpu.memory_space<vmem>>)
      tpu.yield
    }) : () -> ()
    %dma_start3A = arith.constant 0 : i32
    %dma_start3A_24 = arith.constant 0 : i32
    %dma_start3A_25 = tpu.memref_slice %arg3[%dma_start3A, %dma_start3A_24] : memref<1000000x64xf32, #tpu.memory_space<hbm>> -> memref<1000000x64xf32, #tpu.memory_space<hbm>>
    tpu.enqueue_indirect_dma source(%dma_start3A_25 : memref<1000000x64xf32, #tpu.memory_space<hbm>>) target(%arg7 : memref<512x64xf32, #tpu.memory_space<vmem>>) offsets(%arg5 : memref<512xi32, #tpu.memory_space<vmem>>) semaphore(%arg9 : memref<!tpu.dma_semaphore, #tpu.memory_space<semaphore_mem>>)
    %scan3A = arith.constant 0 : i32
    %scan3A_26 = arith.constant 0 : i32
    %scan3A_27 = arith.constant 100 : i32
    %scan3A_28 = arith.addi %scan3A_26, %scan3A_27 : i32
    %scan3A_29 = arith.constant 1 : i32
    scf.for %scan3A_67 = %scan3A_26 to %scan3A_28 step %scan3A_29  : i32 {
      %mul3A_68 = arith.constant 2 : i32
      %mul3A_69 = arith.muli %mul3A_68, %scan3A_67 : i32
      %add3A_70 = arith.constant 0 : i32
      %add3A_71 = arith.addi %mul3A_69, %add3A_70 : i32
      %ge3A = arith.constant 1 : i32
      %ge3A_72 = arith.cmpi sge, %add3A_71, %ge3A : i32
      %convert_element_type3A = arith.extui %ge3A_72 : i1 to i32
      %cond3A = arith.constant 0 : i32
      %cond3A_73 = arith.cmpi ne, %convert_element_type3A, %cond3A : i32
      scf.if %cond3A_73 {
        %sub3A_178 = arith.constant 1 : i32
        %sub3A_179 = arith.subi %add3A_71, %sub3A_178 : i32
        %mul3A_180 = arith.constant 32 : i32
        %mul3A_181 = arith.muli %sub3A_179, %mul3A_180 : i32
        %add3A_182 = arith.addi %mul3A_181, %add3A : i32
        %jit3A_183 = arith.constant 32 : i32
        %div3A_184 = arith.divsi %add3A_182, %jit3A_183 : i32
        %sign3A_185 = arith.constant 0 : i32
        %sign3A_186 = arith.cmpi sgt, %add3A_182, %sign3A_185 : i32
        %sign3A_187 = arith.extui %sign3A_186 : i1 to i32
        %sign3A_188 = arith.constant 0 : i32
        %sign3A_189 = arith.cmpi slt, %add3A_182, %sign3A_188 : i32
        %sign3A_190 = arith.extui %sign3A_189 : i1 to i32
        %sign3A_191 = arith.subi %sign3A_187, %sign3A_190 : i32
        %sign3A_192 = arith.constant 0 : i32
        %sign3A_193 = arith.cmpi sgt, %jit3A_183, %sign3A_192 : i32
        %sign3A_194 = arith.extui %sign3A_193 : i1 to i32
        %sign3A_195 = arith.constant 0 : i32
        %sign3A_196 = arith.cmpi slt, %jit3A_183, %sign3A_195 : i32
        %sign3A_197 = arith.extui %sign3A_196 : i1 to i32
        %sign3A_198 = arith.subi %sign3A_194, %sign3A_197 : i32
        %ne3A_199 = arith.cmpi ne, %sign3A_191, %sign3A_198 : i32
        %rem3A_200 = arith.remsi %add3A_182, %jit3A_183 : i32
        %ne3A_201 = arith.constant 0 : i32
        %ne3A_202 = arith.cmpi ne, %rem3A_200, %ne3A_201 : i32
        %and3A_203 = arith.andi %ne3A_199, %ne3A_202 : i1
        %sub3A_204 = arith.constant 1 : i32
        %sub3A_205 = arith.subi %div3A_184, %sub3A_204 : i32
        %select_n3A_206 = arith.select %and3A_203, %sub3A_205, %div3A_184 : i32
        %mul3A_207 = arith.constant 32 : i32
        %mul3A_208 = arith.muli %select_n3A_206, %mul3A_207 : i32
        %sub3A_209 = arith.subi %add3A_182, %mul3A_208 : i32
        %mul3A_210 = arith.constant 512 : i32
        %mul3A_211 = arith.muli %sub3A_209, %mul3A_210 : i32
        %dma_wait3A_212 = arith.constant 0 : i32
        %dma_wait3A_213 = tpu.memref_slice %arg4[%select_n3A_206, %mul3A_211, %dma_wait3A_212] : memref<200x16384x64xf32, #tpu.memory_space<hbm>> -> memref<1x512x64xf32, #tpu.memory_space<hbm>>
        %dma_wait3A_214 = tpu.memref_squeeze %dma_wait3A_213 : memref<1x512x64xf32, #tpu.memory_space<hbm>> -> memref<512x64xf32, #tpu.memory_space<hbm>>
        %dma_wait3A_215 = arith.constant 0 : i32
        %dma_wait3A_216 = tpu.memref_slice %arg4[%select_n3A_206, %mul3A_211, %dma_wait3A_215] : memref<200x16384x64xf32, #tpu.memory_space<hbm>> -> memref<1x512x64xf32, #tpu.memory_space<hbm>>
        %dma_wait3A_217 = tpu.memref_squeeze %dma_wait3A_216 : memref<1x512x64xf32, #tpu.memory_space<hbm>> -> memref<512x64xf32, #tpu.memory_space<hbm>>
        tpu.wait_dma2 semaphore(%arg12 : memref<!tpu.dma_semaphore, #tpu.memory_space<semaphore_mem>>) src(%arg8 : memref<512x64xf32, #tpu.memory_space<vmem>>) dst(%dma_wait3A_217 : memref<512x64xf32, #tpu.memory_space<hbm>>)
      } else {
      }
      %add3A_74 = arith.constant 1 : i32
      %add3A_75 = arith.addi %add3A_71, %add3A_74 : i32
      %lt3A = arith.constant 200 : i32
      %lt3A_76 = arith.cmpi slt, %add3A_75, %lt3A : i32
      %convert_element_type3A_77 = arith.extui %lt3A_76 : i1 to i32
      %cond3A_78 = arith.constant 0 : i32
      %cond3A_79 = arith.cmpi ne, %convert_element_type3A_77, %cond3A_78 : i32
      scf.if %cond3A_79 {
        %add3A_178 = arith.constant 1 : i32
        %add3A_179 = arith.addi %add3A_71, %add3A_178 : i32
        %mul3A_180 = arith.constant 32 : i32
        %mul3A_181 = arith.muli %add3A_179, %mul3A_180 : i32
        %add3A_182 = arith.addi %mul3A_181, %add3A : i32
        %jit3A_183 = arith.constant 32 : i32
        %div3A_184 = arith.divsi %add3A_182, %jit3A_183 : i32
        %sign3A_185 = arith.constant 0 : i32
        %sign3A_186 = arith.cmpi sgt, %add3A_182, %sign3A_185 : i32
        %sign3A_187 = arith.extui %sign3A_186 : i1 to i32
        %sign3A_188 = arith.constant 0 : i32
        %sign3A_189 = arith.cmpi slt, %add3A_182, %sign3A_188 : i32
        %sign3A_190 = arith.extui %sign3A_189 : i1 to i32
        %sign3A_191 = arith.subi %sign3A_187, %sign3A_190 : i32
        %sign3A_192 = arith.constant 0 : i32
        %sign3A_193 = arith.cmpi sgt, %jit3A_183, %sign3A_192 : i32
        %sign3A_194 = arith.extui %sign3A_193 : i1 to i32
        %sign3A_195 = arith.constant 0 : i32
        %sign3A_196 = arith.cmpi slt, %jit3A_183, %sign3A_195 : i32
        %sign3A_197 = arith.extui %sign3A_196 : i1 to i32
        %sign3A_198 = arith.subi %sign3A_194, %sign3A_197 : i32
        %ne3A_199 = arith.cmpi ne, %sign3A_191, %sign3A_198 : i32
        %rem3A_200 = arith.remsi %add3A_182, %jit3A_183 : i32
        %ne3A_201 = arith.constant 0 : i32
        %ne3A_202 = arith.cmpi ne, %rem3A_200, %ne3A_201 : i32
        %and3A_203 = arith.andi %ne3A_199, %ne3A_202 : i1
        %sub3A_204 = arith.constant 1 : i32
        %sub3A_205 = arith.subi %div3A_184, %sub3A_204 : i32
        %select_n3A_206 = arith.select %and3A_203, %sub3A_205, %div3A_184 : i32
        %mul3A_207 = arith.constant 32 : i32
        %mul3A_208 = arith.muli %select_n3A_206, %mul3A_207 : i32
        %sub3A_209 = arith.subi %add3A_182, %mul3A_208 : i32
        %mul3A_210 = arith.constant 512 : i32
        %mul3A_211 = arith.muli %sub3A_209, %mul3A_210 : i32
        "tpu.region"() ({
          %run_scoped3A = tpu.sem_alloc : memref<!tpu.dma_semaphore, #tpu.memory_space<semaphore_mem>>
          %dma_start3A_215 = tpu.memref_slice %arg2[%select_n3A_206, %mul3A_211] : memref<200x16384xi32, #tpu.memory_space<hbm>> -> memref<1x512xi32, #tpu.memory_space<hbm>>
          %dma_start3A_216 = tpu.memref_squeeze %dma_start3A_215 : memref<1x512xi32, #tpu.memory_space<hbm>> -> memref<512xi32, #tpu.memory_space<hbm>>
          %dma_start3A_217 = tpu.memref_slice %arg2[%select_n3A_206, %mul3A_211] : memref<200x16384xi32, #tpu.memory_space<hbm>> -> memref<1x512xi32, #tpu.memory_space<hbm>>
          %dma_start3A_218 = tpu.memref_squeeze %dma_start3A_217 : memref<1x512xi32, #tpu.memory_space<hbm>> -> memref<512xi32, #tpu.memory_space<hbm>>
          tpu.enqueue_dma source(%dma_start3A_218 : memref<512xi32, #tpu.memory_space<hbm>>) target(%arg6 : memref<512xi32, #tpu.memory_space<vmem>>) target_semaphore(%run_scoped3A : memref<!tpu.dma_semaphore, #tpu.memory_space<semaphore_mem>>)
          %dma_wait3A_219 = tpu.memref_slice %arg2[%select_n3A_206, %mul3A_211] : memref<200x16384xi32, #tpu.memory_space<hbm>> -> memref<1x512xi32, #tpu.memory_space<hbm>>
          %dma_wait3A_220 = tpu.memref_squeeze %dma_wait3A_219 : memref<1x512xi32, #tpu.memory_space<hbm>> -> memref<512xi32, #tpu.memory_space<hbm>>
          %dma_wait3A_221 = tpu.memref_slice %arg2[%select_n3A_206, %mul3A_211] : memref<200x16384xi32, #tpu.memory_space<hbm>> -> memref<1x512xi32, #tpu.memory_space<hbm>>
          %dma_wait3A_222 = tpu.memref_squeeze %dma_wait3A_221 : memref<1x512xi32, #tpu.memory_space<hbm>> -> memref<512xi32, #tpu.memory_space<hbm>>
          tpu.wait_dma2 semaphore(%run_scoped3A : memref<!tpu.dma_semaphore, #tpu.memory_space<semaphore_mem>>) src(%dma_wait3A_222 : memref<512xi32, #tpu.memory_space<hbm>>) dst(%arg6 : memref<512xi32, #tpu.memory_space<vmem>>)
          tpu.yield
        }) : () -> ()
        %dma_start3A_212 = arith.constant 0 : i32
        %dma_start3A_213 = arith.constant 0 : i32
        %dma_start3A_214 = tpu.memref_slice %arg3[%dma_start3A_212, %dma_start3A_213] : memref<1000000x64xf32, #tpu.memory_space<hbm>> -> memref<1000000x64xf32, #tpu.memory_space<hbm>>
        tpu.enqueue_indirect_dma source(%dma_start3A_214 : memref<1000000x64xf32, #tpu.memory_space<hbm>>) target(%arg8 : memref<512x64xf32, #tpu.memory_space<vmem>>) offsets(%arg6 : memref<512xi32, #tpu.memory_space<vmem>>) semaphore(%arg10 : memref<!tpu.dma_semaphore, #tpu.memory_space<semaphore_mem>>)
      } else {
      }
      %dma_wait3A_80 = arith.constant 0 : i32
      %dma_wait3A_81 = arith.constant 0 : i32
      %dma_wait3A_82 = tpu.memref_slice %arg3[%dma_wait3A_80, %dma_wait3A_81] : memref<1000000x64xf32, #tpu.memory_space<hbm>> -> memref<1000000x64xf32, #tpu.memory_space<hbm>>
      tpu.wait_indirect_dma semaphore(%arg9 : memref<!tpu.dma_semaphore, #tpu.memory_space<semaphore_mem>>) src(%dma_wait3A_82 : memref<1000000x64xf32, #tpu.memory_space<hbm>>) dst(%arg7 : memref<512x64xf32, #tpu.memory_space<vmem>>)
      %mul3A_83 = arith.constant 32 : i32
      %mul3A_84 = arith.muli %add3A_71, %mul3A_83 : i32
      %add3A_85 = arith.addi %mul3A_84, %add3A : i32
      %jit3A_86 = arith.constant 32 : i32
      %div3A_87 = arith.divsi %add3A_85, %jit3A_86 : i32
      %sign3A_88 = arith.constant 0 : i32
      %sign3A_89 = arith.cmpi sgt, %add3A_85, %sign3A_88 : i32
      %sign3A_90 = arith.extui %sign3A_89 : i1 to i32
      %sign3A_91 = arith.constant 0 : i32
      %sign3A_92 = arith.cmpi slt, %add3A_85, %sign3A_91 : i32
      %sign3A_93 = arith.extui %sign3A_92 : i1 to i32
      %sign3A_94 = arith.subi %sign3A_90, %sign3A_93 : i32
      %sign3A_95 = arith.constant 0 : i32
      %sign3A_96 = arith.cmpi sgt, %jit3A_86, %sign3A_95 : i32
      %sign3A_97 = arith.extui %sign3A_96 : i1 to i32
      %sign3A_98 = arith.constant 0 : i32
      %sign3A_99 = arith.cmpi slt, %jit3A_86, %sign3A_98 : i32
      %sign3A_100 = arith.extui %sign3A_99 : i1 to i32
      %sign3A_101 = arith.subi %sign3A_97, %sign3A_100 : i32
      %ne3A_102 = arith.cmpi ne, %sign3A_94, %sign3A_101 : i32
      %rem3A_103 = arith.remsi %add3A_85, %jit3A_86 : i32
      %ne3A_104 = arith.constant 0 : i32
      %ne3A_105 = arith.cmpi ne, %rem3A_103, %ne3A_104 : i32
      %and3A_106 = arith.andi %ne3A_102, %ne3A_105 : i1
      %sub3A_107 = arith.constant 1 : i32
      %sub3A_108 = arith.subi %div3A_87, %sub3A_107 : i32
      %select_n3A_109 = arith.select %and3A_106, %sub3A_108, %div3A_87 : i32
      %mul3A_110 = arith.constant 32 : i32
      %mul3A_111 = arith.muli %select_n3A_109, %mul3A_110 : i32
      %sub3A_112 = arith.subi %add3A_85, %mul3A_111 : i32
      %mul3A_113 = arith.constant 512 : i32
      %mul3A_114 = arith.muli %sub3A_112, %mul3A_113 : i32
      %dma_start3A_115 = arith.constant 0 : i32
      %dma_start3A_116 = tpu.memref_slice %arg4[%select_n3A_109, %mul3A_114, %dma_start3A_115] : memref<200x16384x64xf32, #tpu.memory_space<hbm>> -> memref<1x512x64xf32, #tpu.memory_space<hbm>>
      %dma_start3A_117 = tpu.memref_squeeze %dma_start3A_116 : memref<1x512x64xf32, #tpu.memory_space<hbm>> -> memref<512x64xf32, #tpu.memory_space<hbm>>
      %dma_start3A_118 = arith.constant 0 : i32
      %dma_start3A_119 = tpu.memref_slice %arg4[%select_n3A_109, %mul3A_114, %dma_start3A_118] : memref<200x16384x64xf32, #tpu.memory_space<hbm>> -> memref<1x512x64xf32, #tpu.memory_space<hbm>>
      %dma_start3A_120 = tpu.memref_squeeze %dma_start3A_119 : memref<1x512x64xf32, #tpu.memory_space<hbm>> -> memref<512x64xf32, #tpu.memory_space<hbm>>
      tpu.enqueue_dma source(%arg7 : memref<512x64xf32, #tpu.memory_space<vmem>>) target(%dma_start3A_120 : memref<512x64xf32, #tpu.memory_space<hbm>>) target_semaphore(%arg11 : memref<!tpu.dma_semaphore, #tpu.memory_space<semaphore_mem>>)
      %mul3A_121 = arith.constant 2 : i32
      %mul3A_122 = arith.muli %mul3A_121, %scan3A_67 : i32
      %add3A_123 = arith.constant 1 : i32
      %add3A_124 = arith.addi %mul3A_122, %add3A_123 : i32
      %ge3A_125 = arith.constant 1 : i32
      %ge3A_126 = arith.cmpi sge, %add3A_124, %ge3A_125 : i32
      %convert_element_type3A_127 = arith.extui %ge3A_126 : i1 to i32
      %cond3A_128 = arith.constant 0 : i32
      %cond3A_129 = arith.cmpi ne, %convert_element_type3A_127, %cond3A_128 : i32
      scf.if %cond3A_129 {
        %sub3A_178 = arith.constant 1 : i32
        %sub3A_179 = arith.subi %add3A_124, %sub3A_178 : i32
        %mul3A_180 = arith.constant 32 : i32
        %mul3A_181 = arith.muli %sub3A_179, %mul3A_180 : i32
        %add3A_182 = arith.addi %mul3A_181, %add3A : i32
        %jit3A_183 = arith.constant 32 : i32
        %div3A_184 = arith.divsi %add3A_182, %jit3A_183 : i32
        %sign3A_185 = arith.constant 0 : i32
        %sign3A_186 = arith.cmpi sgt, %add3A_182, %sign3A_185 : i32
        %sign3A_187 = arith.extui %sign3A_186 : i1 to i32
        %sign3A_188 = arith.constant 0 : i32
        %sign3A_189 = arith.cmpi slt, %add3A_182, %sign3A_188 : i32
        %sign3A_190 = arith.extui %sign3A_189 : i1 to i32
        %sign3A_191 = arith.subi %sign3A_187, %sign3A_190 : i32
        %sign3A_192 = arith.constant 0 : i32
        %sign3A_193 = arith.cmpi sgt, %jit3A_183, %sign3A_192 : i32
        %sign3A_194 = arith.extui %sign3A_193 : i1 to i32
        %sign3A_195 = arith.constant 0 : i32
        %sign3A_196 = arith.cmpi slt, %jit3A_183, %sign3A_195 : i32
        %sign3A_197 = arith.extui %sign3A_196 : i1 to i32
        %sign3A_198 = arith.subi %sign3A_194, %sign3A_197 : i32
        %ne3A_199 = arith.cmpi ne, %sign3A_191, %sign3A_198 : i32
        %rem3A_200 = arith.remsi %add3A_182, %jit3A_183 : i32
        %ne3A_201 = arith.constant 0 : i32
        %ne3A_202 = arith.cmpi ne, %rem3A_200, %ne3A_201 : i32
        %and3A_203 = arith.andi %ne3A_199, %ne3A_202 : i1
        %sub3A_204 = arith.constant 1 : i32
        %sub3A_205 = arith.subi %div3A_184, %sub3A_204 : i32
        %select_n3A_206 = arith.select %and3A_203, %sub3A_205, %div3A_184 : i32
        %mul3A_207 = arith.constant 32 : i32
        %mul3A_208 = arith.muli %select_n3A_206, %mul3A_207 : i32
        %sub3A_209 = arith.subi %add3A_182, %mul3A_208 : i32
        %mul3A_210 = arith.constant 512 : i32
        %mul3A_211 = arith.muli %sub3A_209, %mul3A_210 : i32
        %dma_wait3A_212 = arith.constant 0 : i32
        %dma_wait3A_213 = tpu.memref_slice %arg4[%select_n3A_206, %mul3A_211, %dma_wait3A_212] : memref<200x16384x64xf32, #tpu.memory_space<hbm>> -> memref<1x512x64xf32, #tpu.memory_space<hbm>>
        %dma_wait3A_214 = tpu.memref_squeeze %dma_wait3A_213 : memref<1x512x64xf32, #tpu.memory_space<hbm>> -> memref<512x64xf32, #tpu.memory_space<hbm>>
        %dma_wait3A_215 = arith.constant 0 : i32
        %dma_wait3A_216 = tpu.memref_slice %arg4[%select_n3A_206, %mul3A_211, %dma_wait3A_215] : memref<200x16384x64xf32, #tpu.memory_space<hbm>> -> memref<1x512x64xf32, #tpu.memory_space<hbm>>
        %dma_wait3A_217 = tpu.memref_squeeze %dma_wait3A_216 : memref<1x512x64xf32, #tpu.memory_space<hbm>> -> memref<512x64xf32, #tpu.memory_space<hbm>>
        tpu.wait_dma2 semaphore(%arg11 : memref<!tpu.dma_semaphore, #tpu.memory_space<semaphore_mem>>) src(%arg7 : memref<512x64xf32, #tpu.memory_space<vmem>>) dst(%dma_wait3A_217 : memref<512x64xf32, #tpu.memory_space<hbm>>)
      } else {
      }
      %add3A_130 = arith.constant 1 : i32
      %add3A_131 = arith.addi %add3A_124, %add3A_130 : i32
      %lt3A_132 = arith.constant 200 : i32
      %lt3A_133 = arith.cmpi slt, %add3A_131, %lt3A_132 : i32
      %convert_element_type3A_134 = arith.extui %lt3A_133 : i1 to i32
      %cond3A_135 = arith.constant 0 : i32
      %cond3A_136 = arith.cmpi ne, %convert_element_type3A_134, %cond3A_135 : i32
      scf.if %cond3A_136 {
        %add3A_178 = arith.constant 1 : i32
        %add3A_179 = arith.addi %add3A_124, %add3A_178 : i32
        %mul3A_180 = arith.constant 32 : i32
        %mul3A_181 = arith.muli %add3A_179, %mul3A_180 : i32
        %add3A_182 = arith.addi %mul3A_181, %add3A : i32
        %jit3A_183 = arith.constant 32 : i32
        %div3A_184 = arith.divsi %add3A_182, %jit3A_183 : i32
        %sign3A_185 = arith.constant 0 : i32
        %sign3A_186 = arith.cmpi sgt, %add3A_182, %sign3A_185 : i32
        %sign3A_187 = arith.extui %sign3A_186 : i1 to i32
        %sign3A_188 = arith.constant 0 : i32
        %sign3A_189 = arith.cmpi slt, %add3A_182, %sign3A_188 : i32
        %sign3A_190 = arith.extui %sign3A_189 : i1 to i32
        %sign3A_191 = arith.subi %sign3A_187, %sign3A_190 : i32
        %sign3A_192 = arith.constant 0 : i32
        %sign3A_193 = arith.cmpi sgt, %jit3A_183, %sign3A_192 : i32
        %sign3A_194 = arith.extui %sign3A_193 : i1 to i32
        %sign3A_195 = arith.constant 0 : i32
        %sign3A_196 = arith.cmpi slt, %jit3A_183, %sign3A_195 : i32
        %sign3A_197 = arith.extui %sign3A_196 : i1 to i32
        %sign3A_198 = arith.subi %sign3A_194, %sign3A_197 : i32
        %ne3A_199 = arith.cmpi ne, %sign3A_191, %sign3A_198 : i32
        %rem3A_200 = arith.remsi %add3A_182, %jit3A_183 : i32
        %ne3A_201 = arith.constant 0 : i32
        %ne3A_202 = arith.cmpi ne, %rem3A_200, %ne3A_201 : i32
        %and3A_203 = arith.andi %ne3A_199, %ne3A_202 : i1
        %sub3A_204 = arith.constant 1 : i32
        %sub3A_205 = arith.subi %div3A_184, %sub3A_204 : i32
        %select_n3A_206 = arith.select %and3A_203, %sub3A_205, %div3A_184 : i32
        %mul3A_207 = arith.constant 32 : i32
        %mul3A_208 = arith.muli %select_n3A_206, %mul3A_207 : i32
        %sub3A_209 = arith.subi %add3A_182, %mul3A_208 : i32
        %mul3A_210 = arith.constant 512 : i32
        %mul3A_211 = arith.muli %sub3A_209, %mul3A_210 : i32
        "tpu.region"() ({
          %run_scoped3A = tpu.sem_alloc : memref<!tpu.dma_semaphore, #tpu.memory_space<semaphore_mem>>
          %dma_start3A_215 = tpu.memref_slice %arg2[%select_n3A_206, %mul3A_211] : memref<200x16384xi32, #tpu.memory_space<hbm>> -> memref<1x512xi32, #tpu.memory_space<hbm>>
          %dma_start3A_216 = tpu.memref_squeeze %dma_start3A_215 : memref<1x512xi32, #tpu.memory_space<hbm>> -> memref<512xi32, #tpu.memory_space<hbm>>
          %dma_start3A_217 = tpu.memref_slice %arg2[%select_n3A_206, %mul3A_211] : memref<200x16384xi32, #tpu.memory_space<hbm>> -> memref<1x512xi32, #tpu.memory_space<hbm>>
          %dma_start3A_218 = tpu.memref_squeeze %dma_start3A_217 : memref<1x512xi32, #tpu.memory_space<hbm>> -> memref<512xi32, #tpu.memory_space<hbm>>
          tpu.enqueue_dma source(%dma_start3A_218 : memref<512xi32, #tpu.memory_space<hbm>>) target(%arg5 : memref<512xi32, #tpu.memory_space<vmem>>) target_semaphore(%run_scoped3A : memref<!tpu.dma_semaphore, #tpu.memory_space<semaphore_mem>>)
          %dma_wait3A_219 = tpu.memref_slice %arg2[%select_n3A_206, %mul3A_211] : memref<200x16384xi32, #tpu.memory_space<hbm>> -> memref<1x512xi32, #tpu.memory_space<hbm>>
          %dma_wait3A_220 = tpu.memref_squeeze %dma_wait3A_219 : memref<1x512xi32, #tpu.memory_space<hbm>> -> memref<512xi32, #tpu.memory_space<hbm>>
          %dma_wait3A_221 = tpu.memref_slice %arg2[%select_n3A_206, %mul3A_211] : memref<200x16384xi32, #tpu.memory_space<hbm>> -> memref<1x512xi32, #tpu.memory_space<hbm>>
          %dma_wait3A_222 = tpu.memref_squeeze %dma_wait3A_221 : memref<1x512xi32, #tpu.memory_space<hbm>> -> memref<512xi32, #tpu.memory_space<hbm>>
          tpu.wait_dma2 semaphore(%run_scoped3A : memref<!tpu.dma_semaphore, #tpu.memory_space<semaphore_mem>>) src(%dma_wait3A_222 : memref<512xi32, #tpu.memory_space<hbm>>) dst(%arg5 : memref<512xi32, #tpu.memory_space<vmem>>)
          tpu.yield
        }) : () -> ()
        %dma_start3A_212 = arith.constant 0 : i32
        %dma_start3A_213 = arith.constant 0 : i32
        %dma_start3A_214 = tpu.memref_slice %arg3[%dma_start3A_212, %dma_start3A_213] : memref<1000000x64xf32, #tpu.memory_space<hbm>> -> memref<1000000x64xf32, #tpu.memory_space<hbm>>
        tpu.enqueue_indirect_dma source(%dma_start3A_214 : memref<1000000x64xf32, #tpu.memory_space<hbm>>) target(%arg7 : memref<512x64xf32, #tpu.memory_space<vmem>>) offsets(%arg5 : memref<512xi32, #tpu.memory_space<vmem>>) semaphore(%arg9 : memref<!tpu.dma_semaphore, #tpu.memory_space<semaphore_mem>>)
      } else {
      }
      %dma_wait3A_137 = arith.constant 0 : i32
      %dma_wait3A_138 = arith.constant 0 : i32
      %dma_wait3A_139 = tpu.memref_slice %arg3[%dma_wait3A_137, %dma_wait3A_138] : memref<1000000x64xf32, #tpu.memory_space<hbm>> -> memref<1000000x64xf32, #tpu.memory_space<hbm>>
      tpu.wait_indirect_dma semaphore(%arg10 : memref<!tpu.dma_semaphore, #tpu.memory_space<semaphore_mem>>) src(%dma_wait3A_139 : memref<1000000x64xf32, #tpu.memory_space<hbm>>) dst(%arg8 : memref<512x64xf32, #tpu.memory_space<vmem>>)
      %mul3A_140 = arith.constant 32 : i32
      %mul3A_141 = arith.muli %add3A_124, %mul3A_140 : i32
      %add3A_142 = arith.addi %mul3A_141, %add3A : i32
      %jit3A_143 = arith.constant 32 : i32
      %div3A_144 = arith.divsi %add3A_142, %jit3A_143 : i32
      %sign3A_145 = arith.constant 0 : i32
      %sign3A_146 = arith.cmpi sgt, %add3A_142, %sign3A_145 : i32
      %sign3A_147 = arith.extui %sign3A_146 : i1 to i32
      %sign3A_148 = arith.constant 0 : i32
      %sign3A_149 = arith.cmpi slt, %add3A_142, %sign3A_148 : i32
      %sign3A_150 = arith.extui %sign3A_149 : i1 to i32
      %sign3A_151 = arith.subi %sign3A_147, %sign3A_150 : i32
      %sign3A_152 = arith.constant 0 : i32
      %sign3A_153 = arith.cmpi sgt, %jit3A_143, %sign3A_152 : i32
      %sign3A_154 = arith.extui %sign3A_153 : i1 to i32
      %sign3A_155 = arith.constant 0 : i32
      %sign3A_156 = arith.cmpi slt, %jit3A_143, %sign3A_155 : i32
      %sign3A_157 = arith.extui %sign3A_156 : i1 to i32
      %sign3A_158 = arith.subi %sign3A_154, %sign3A_157 : i32
      %ne3A_159 = arith.cmpi ne, %sign3A_151, %sign3A_158 : i32
      %rem3A_160 = arith.remsi %add3A_142, %jit3A_143 : i32
      %ne3A_161 = arith.constant 0 : i32
      %ne3A_162 = arith.cmpi ne, %rem3A_160, %ne3A_161 : i32
      %and3A_163 = arith.andi %ne3A_159, %ne3A_162 : i1
      %sub3A_164 = arith.constant 1 : i32
      %sub3A_165 = arith.subi %div3A_144, %sub3A_164 : i32
      %select_n3A_166 = arith.select %and3A_163, %sub3A_165, %div3A_144 : i32
      %mul3A_167 = arith.constant 32 : i32
      %mul3A_168 = arith.muli %select_n3A_166, %mul3A_167 : i32
      %sub3A_169 = arith.subi %add3A_142, %mul3A_168 : i32
      %mul3A_170 = arith.constant 512 : i32
      %mul3A_171 = arith.muli %sub3A_169, %mul3A_170 : i32
      %dma_start3A_172 = arith.constant 0 : i32
      %dma_start3A_173 = tpu.memref_slice %arg4[%select_n3A_166, %mul3A_171, %dma_start3A_172] : memref<200x16384x64xf32, #tpu.memory_space<hbm>> -> memref<1x512x64xf32, #tpu.memory_space<hbm>>
      %dma_start3A_174 = tpu.memref_squeeze %dma_start3A_173 : memref<1x512x64xf32, #tpu.memory_space<hbm>> -> memref<512x64xf32, #tpu.memory_space<hbm>>
      %dma_start3A_175 = arith.constant 0 : i32
      %dma_start3A_176 = tpu.memref_slice %arg4[%select_n3A_166, %mul3A_171, %dma_start3A_175] : memref<200x16384x64xf32, #tpu.memory_space<hbm>> -> memref<1x512x64xf32, #tpu.memory_space<hbm>>
      %dma_start3A_177 = tpu.memref_squeeze %dma_start3A_176 : memref<1x512x64xf32, #tpu.memory_space<hbm>> -> memref<512x64xf32, #tpu.memory_space<hbm>>
      tpu.enqueue_dma source(%arg8 : memref<512x64xf32, #tpu.memory_space<vmem>>) target(%dma_start3A_177 : memref<512x64xf32, #tpu.memory_space<hbm>>) target_semaphore(%arg12 : memref<!tpu.dma_semaphore, #tpu.memory_space<semaphore_mem>>)
    }
    %scan3A_30 = arith.constant 100 : i32
    %add3A_31 = arith.constant 6368 : i32
    %add3A_32 = arith.addi %add3A_31, %add3A : i32
    %jit3A_33 = arith.constant 32 : i32
    %div3A_34 = arith.divsi %add3A_32, %jit3A_33 : i32
    %sign3A_35 = arith.constant 0 : i32
    %sign3A_36 = arith.cmpi sgt, %add3A_32, %sign3A_35 : i32
    %sign3A_37 = arith.extui %sign3A_36 : i1 to i32
    %sign3A_38 = arith.constant 0 : i32
    %sign3A_39 = arith.cmpi slt, %add3A_32, %sign3A_38 : i32
    %sign3A_40 = arith.extui %sign3A_39 : i1 to i32
    %sign3A_41 = arith.subi %sign3A_37, %sign3A_40 : i32
    %sign3A_42 = arith.constant 0 : i32
    %sign3A_43 = arith.cmpi sgt, %jit3A_33, %sign3A_42 : i32
    %sign3A_44 = arith.extui %sign3A_43 : i1 to i32
    %sign3A_45 = arith.constant 0 : i32
    %sign3A_46 = arith.cmpi slt, %jit3A_33, %sign3A_45 : i32
    %sign3A_47 = arith.extui %sign3A_46 : i1 to i32
    %sign3A_48 = arith.subi %sign3A_44, %sign3A_47 : i32
    %ne3A_49 = arith.cmpi ne, %sign3A_41, %sign3A_48 : i32
    %rem3A_50 = arith.remsi %add3A_32, %jit3A_33 : i32
    %ne3A_51 = arith.constant 0 : i32
    %ne3A_52 = arith.cmpi ne, %rem3A_50, %ne3A_51 : i32
    %and3A_53 = arith.andi %ne3A_49, %ne3A_52 : i1
    %sub3A_54 = arith.constant 1 : i32
    %sub3A_55 = arith.subi %div3A_34, %sub3A_54 : i32
    %select_n3A_56 = arith.select %and3A_53, %sub3A_55, %div3A_34 : i32
    %mul3A_57 = arith.constant 32 : i32
    %mul3A_58 = arith.muli %select_n3A_56, %mul3A_57 : i32
    %sub3A_59 = arith.subi %add3A_32, %mul3A_58 : i32
    %mul3A_60 = arith.constant 512 : i32
    %mul3A_61 = arith.muli %sub3A_59, %mul3A_60 : i32
    %dma_wait3A = arith.constant 0 : i32
    %dma_wait3A_62 = tpu.memref_slice %arg4[%select_n3A_56, %mul3A_61, %dma_wait3A] : memref<200x16384x64xf32, #tpu.memory_space<hbm>> -> memref<1x512x64xf32, #tpu.memory_space<hbm>>
    %dma_wait3A_63 = tpu.memref_squeeze %dma_wait3A_62 : memref<1x512x64xf32, #tpu.memory_space<hbm>> -> memref<512x64xf32, #tpu.memory_space<hbm>>
    %dma_wait3A_64 = arith.constant 0 : i32
    %dma_wait3A_65 = tpu.memref_slice %arg4[%select_n3A_56, %mul3A_61, %dma_wait3A_64] : memref<200x16384x64xf32, #tpu.memory_space<hbm>> -> memref<1x512x64xf32, #tpu.memory_space<hbm>>
    %dma_wait3A_66 = tpu.memref_squeeze %dma_wait3A_65 : memref<1x512x64xf32, #tpu.memory_space<hbm>> -> memref<512x64xf32, #tpu.memory_space<hbm>>
    tpu.wait_dma2 semaphore(%arg12 : memref<!tpu.dma_semaphore, #tpu.memory_space<semaphore_mem>>) src(%arg8 : memref<512x64xf32, #tpu.memory_space<vmem>>) dst(%dma_wait3A_66 : memref<512x64xf32, #tpu.memory_space<hbm>>)
    return
  }
}

module attributes {stable_mosaic.version = 14 : i64} {
  func.func @_tc_body(%arg0: i32, %arg1: i32, %arg2: memref<8192x128xf32, #tpu.memory_space<vmem>>, %arg3: memref<1x8x128x8x128xf32, #tpu.memory_space<vmem>>) attributes {dimension_semantics = [#tpu.dimension_semantics<arbitrary>, #tpu.dimension_semantics<arbitrary>], iteration_bounds = array<i64: 200, 1>, scalar_prefetch = 0 : i64, scratch_operands = 0 : i64, tpu.core_type = #tpu.core_type<tc>, window_params = [{transform_indices = @transform_0, window_bounds = array<i64: 8192, 128>}, {transform_indices = @transform_1, window_bounds = array<i64: 1, 8, 128, 8, 128>}]} {
    %iota3A = tpu.iota {dimensions = array<i32: 0>} : vector<128x128xi32>
    %iota3A_0 = tpu.iota {dimensions = array<i32: 1>} : vector<128x128xi32>
    %eq3A = arith.cmpi eq, %iota3A, %iota3A_0 : vector<128x128xi32>
    %convert_element_type3A = arith.extui %eq3A : vector<128x128xi1> to vector<128x128xi32>
    %convert_element_type3A_1 = arith.sitofp %convert_element_type3A : vector<128x128xi32> to vector<128x128xf32>
    %get3A = arith.constant 0 : index
    %get3A_2 = arith.constant 0 : index
    %get3A_3 = vector.load %arg2[%get3A, %get3A_2] : memref<8192x128xf32, #tpu.memory_space<vmem>>, vector<64x128xf32>
    %reshape3A = vector.shape_cast %get3A_3 : vector<64x128xf32> to vector<128x64xf32>
    %dot_general3A = arith.constant dense<0.000000e+00> : vector<64x128xf32>
    %dot_general3A_4 = tpu.matmul %reshape3A, %convert_element_type3A_1, %dot_general3A {dimension_numbers = #tpu.dot_dimension_numbers<[0], [0], [1], [1], [0, 1, 1, 1], [], []>, transpose_lhs_hint = false} : vector<128x64xf32>, vector<128x128xf32>, vector<64x128xf32> -> vector<64x128xf32>
    %reshape3A_5 = vector.shape_cast %dot_general3A_4 : vector<64x128xf32> to vector<8x8x128xf32>
    %swap3A = arith.constant 0 : index
    %swap3A_6 = arith.constant 0 : index
    %swap3A_7 = arith.constant 0 : index
    %swap3A_8 = arith.constant 0 : index
    %swap3A_9 = arith.constant 0 : index
    %swap3A_10 = vector.load %arg3[%swap3A, %swap3A_6, %swap3A_7, %swap3A_8, %swap3A_9] : memref<1x8x128x8x128xf32, #tpu.memory_space<vmem>>, vector<1x8x1x8x128xf32>
    %swap3A_11 = vector.shape_cast %swap3A_10 : vector<1x8x1x8x128xf32> to vector<8x8x128xf32>
    %swap3A_12 = vector.shape_cast %reshape3A_5 : vector<8x8x128xf32> to vector<1x8x1x8x128xf32>
    tpu.vector_store %arg3[%swap3A, %swap3A_6, %swap3A_7, %swap3A_8, %swap3A_9], %swap3A_12 {strides = array<i32>} : memref<1x8x128x8x128xf32, #tpu.memory_space<vmem>>, vector<1x8x1x8x128xf32>,
    %get3A_13 = arith.constant 64 : index
    %get3A_14 = arith.constant 0 : index
    %get3A_15 = vector.load %arg2[%get3A_13, %get3A_14] : memref<8192x128xf32, #tpu.memory_space<vmem>>, vector<64x128xf32>
    %reshape3A_16 = vector.shape_cast %get3A_15 : vector<64x128xf32> to vector<128x64xf32>
    %dot_general3A_17 = arith.constant dense<0.000000e+00> : vector<64x128xf32>
    %dot_general3A_18 = tpu.matmul %reshape3A_16, %convert_element_type3A_1, %dot_general3A_17 {dimension_numbers = #tpu.dot_dimension_numbers<[0], [0], [1], [1], [0, 1, 1, 1], [], []>, transpose_lhs_hint = false} : vector<128x64xf32>, vector<128x128xf32>, vector<64x128xf32> -> vector<64x128xf32>
    %reshape3A_19 = vector.shape_cast %dot_general3A_18 : vector<64x128xf32> to vector<8x8x128xf32>
    %swap3A_20 = arith.constant 0 : index
    %swap3A_21 = arith.constant 0 : index
    %swap3A_22 = arith.constant 1 : index
    %swap3A_23 = arith.constant 0 : index
    %swap3A_24 = arith.constant 0 : index
    %swap3A_25 = vector.load %arg3[%swap3A_20, %swap3A_21, %swap3A_22, %swap3A_23, %swap3A_24] : memref<1x8x128x8x128xf32, #tpu.memory_space<vmem>>, vector<1x8x1x8x128xf32>
    %swap3A_26 = vector.shape_cast %swap3A_25 : vector<1x8x1x8x128xf32> to vector<8x8x128xf32>
    %swap3A_27 = vector.shape_cast %reshape3A_19 : vector<8x8x128xf32> to vector<1x8x1x8x128xf32>
    tpu.vector_store %arg3[%swap3A_20, %swap3A_21, %swap3A_22, %swap3A_23, %swap3A_24], %swap3A_27 {strides = array<i32>} : memref<1x8x128x8x128xf32, #tpu.memory_space<vmem>>, vector<1x8x1x8x128xf32>,
    %get3A_28 = arith.constant 128 : index
    %get3A_29 = arith.constant 0 : index
    %get3A_30 = vector.load %arg2[%get3A_28, %get3A_29] : memref<8192x128xf32, #tpu.memory_space<vmem>>, vector<64x128xf32>
    %reshape3A_31 = vector.shape_cast %get3A_30 : vector<64x128xf32> to vector<128x64xf32>
    %dot_general3A_32 = arith.constant dense<0.000000e+00> : vector<64x128xf32>
    %dot_general3A_33 = tpu.matmul %reshape3A_31, %convert_element_type3A_1, %dot_general3A_32 {dimension_numbers = #tpu.dot_dimension_numbers<[0], [0], [1], [1], [0, 1, 1, 1], [], []>, transpose_lhs_hint = false} : vector<128x64xf32>, vector<128x128xf32>, vector<64x128xf32> -> vector<64x128xf32>
    %reshape3A_34 = vector.shape_cast %dot_general3A_33 : vector<64x128xf32> to vector<8x8x128xf32>
    %swap3A_35 = arith.constant 0 : index
    %swap3A_36 = arith.constant 0 : index
    %swap3A_37 = arith.constant 2 : index
    %swap3A_38 = arith.constant 0 : index
    %swap3A_39 = arith.constant 0 : index
    %swap3A_40 = vector.load %arg3[%swap3A_35, %swap3A_36, %swap3A_37, %swap3A_38, %swap3A_39] : memref<1x8x128x8x128xf32, #tpu.memory_space<vmem>>, vector<1x8x1x8x128xf32>
    %swap3A_41 = vector.shape_cast %swap3A_40 : vector<1x8x1x8x128xf32> to vector<8x8x128xf32>
    %swap3A_42 = vector.shape_cast %reshape3A_34 : vector<8x8x128xf32> to vector<1x8x1x8x128xf32>
    tpu.vector_store %arg3[%swap3A_35, %swap3A_36, %swap3A_37, %swap3A_38, %swap3A_39], %swap3A_42 {strides = array<i32>} : memref<1x8x128x8x128xf32, #tpu.memory_space<vmem>>, vector<1x8x1x8x128xf32>,
    %get3A_43 = arith.constant 192 : index
    %get3A_44 = arith.constant 0 : index
    %get3A_45 = vector.load %arg2[%get3A_43, %get3A_44] : memref<8192x128xf32, #tpu.memory_space<vmem>>, vector<64x128xf32>
    %reshape3A_46 = vector.shape_cast %get3A_45 : vector<64x128xf32> to vector<128x64xf32>
    %dot_general3A_47 = arith.constant dense<0.000000e+00> : vector<64x128xf32>
    %dot_general3A_48 = tpu.matmul %reshape3A_46, %convert_element_type3A_1, %dot_general3A_47 {dimension_numbers = #tpu.dot_dimension_numbers<[0], [0], [1], [1], [0, 1, 1, 1], [], []>, transpose_lhs_hint = false} : vector<128x64xf32>, vector<128x128xf32>, vector<64x128xf32> -> vector<64x128xf32>
    %reshape3A_49 = vector.shape_cast %dot_general3A_48 : vector<64x128xf32> to vector<8x8x128xf32>
    %swap3A_50 = arith.constant 0 : index
    %swap3A_51 = arith.constant 0 : index
    %swap3A_52 = arith.constant 3 : index
    %swap3A_53 = arith.constant 0 : index
    %swap3A_54 = arith.constant 0 : index
    %swap3A_55 = vector.load %arg3[%swap3A_50, %swap3A_51, %swap3A_52, %swap3A_53, %swap3A_54] : memref<1x8x128x8x128xf32, #tpu.memory_space<vmem>>, vector<1x8x1x8x128xf32>
    %swap3A_56 = vector.shape_cast %swap3A_55 : vector<1x8x1x8x128xf32> to vector<8x8x128xf32>
    %swap3A_57 = vector.shape_cast %reshape3A_49 : vector<8x8x128xf32> to vector<1x8x1x8x128xf32>
    tpu.vector_store %arg3[%swap3A_50, %swap3A_51, %swap3A_52, %swap3A_53, %swap3A_54], %swap3A_57 {strides = array<i32>} : memref<1x8x128x8x128xf32, #tpu.memory_space<vmem>>, vector<1x8x1x8x128xf32>,
    %get3A_58 = arith.constant 256 : index
    %get3A_59 = arith.constant 0 : index
    %get3A_60 = vector.load %arg2[%get3A_58, %get3A_59] : memref<8192x128xf32, #tpu.memory_space<vmem>>, vector<64x128xf32>
    %reshape3A_61 = vector.shape_cast %get3A_60 : vector<64x128xf32> to vector<128x64xf32>
    %dot_general3A_62 = arith.constant dense<0.000000e+00> : vector<64x128xf32>
    %dot_general3A_63 = tpu.matmul %reshape3A_61, %convert_element_type3A_1, %dot_general3A_62 {dimension_numbers = #tpu.dot_dimension_numbers<[0], [0], [1], [1], [0, 1, 1, 1], [], []>, transpose_lhs_hint = false} : vector<128x64xf32>, vector<128x128xf32>, vector<64x128xf32> -> vector<64x128xf32>
    %reshape3A_64 = vector.shape_cast %dot_general3A_63 : vector<64x128xf32> to vector<8x8x128xf32>
    %swap3A_65 = arith.constant 0 : index
    %swap3A_66 = arith.constant 0 : index
    %swap3A_67 = arith.constant 4 : index
    %swap3A_68 = arith.constant 0 : index
    %swap3A_69 = arith.constant 0 : index
    %swap3A_70 = vector.load %arg3[%swap3A_65, %swap3A_66, %swap3A_67, %swap3A_68, %swap3A_69] : memref<1x8x128x8x128xf32, #tpu.memory_space<vmem>>, vector<1x8x1x8x128xf32>
    %swap3A_71 = vector.shape_cast %swap3A_70 : vector<1x8x1x8x128xf32> to vector<8x8x128xf32>
    %swap3A_72 = vector.shape_cast %reshape3A_64 : vector<8x8x128xf32> to vector<1x8x1x8x128xf32>
    tpu.vector_store %arg3[%swap3A_65, %swap3A_66, %swap3A_67, %swap3A_68, %swap3A_69], %swap3A_72 {strides = array<i32>} : memref<1x8x128x8x128xf32, #tpu.memory_space<vmem>>, vector<1x8x1x8x128xf32>,
    %get3A_73 = arith.constant 320 : index
    %get3A_74 = arith.constant 0 : index
    %get3A_75 = vector.load %arg2[%get3A_73, %get3A_74] : memref<8192x128xf32, #tpu.memory_space<vmem>>, vector<64x128xf32>
    %reshape3A_76 = vector.shape_cast %get3A_75 : vector<64x128xf32> to vector<128x64xf32>
    %dot_general3A_77 = arith.constant dense<0.000000e+00> : vector<64x128xf32>
    %dot_general3A_78 = tpu.matmul %reshape3A_76, %convert_element_type3A_1, %dot_general3A_77 {dimension_numbers = #tpu.dot_dimension_numbers<[0], [0], [1], [1], [0, 1, 1, 1], [], []>, transpose_lhs_hint = false} : vector<128x64xf32>, vector<128x128xf32>, vector<64x128xf32> -> vector<64x128xf32>
    %reshape3A_79 = vector.shape_cast %dot_general3A_78 : vector<64x128xf32> to vector<8x8x128xf32>
    %swap3A_80 = arith.constant 0 : index
    %swap3A_81 = arith.constant 0 : index
    %swap3A_82 = arith.constant 5 : index
    %swap3A_83 = arith.constant 0 : index
    %swap3A_84 = arith.constant 0 : index
    %swap3A_85 = vector.load %arg3[%swap3A_80, %swap3A_81, %swap3A_82, %swap3A_83, %swap3A_84] : memref<1x8x128x8x128xf32, #tpu.memory_space<vmem>>, vector<1x8x1x8x128xf32>
    %swap3A_86 = vector.shape_cast %swap3A_85 : vector<1x8x1x8x128xf32> to vector<8x8x128xf32>
    %swap3A_87 = vector.shape_cast %reshape3A_79 : vector<8x8x128xf32> to vector<1x8x1x8x128xf32>
    tpu.vector_store %arg3[%swap3A_80, %swap3A_81, %swap3A_82, %swap3A_83, %swap3A_84], %swap3A_87 {strides = array<i32>} : memref<1x8x128x8x128xf32, #tpu.memory_space<vmem>>, vector<1x8x1x8x128xf32>,
    %get3A_88 = arith.constant 384 : index
    %get3A_89 = arith.constant 0 : index
    %get3A_90 = vector.load %arg2[%get3A_88, %get3A_89] : memref<8192x128xf32, #tpu.memory_space<vmem>>, vector<64x128xf32>
    %reshape3A_91 = vector.shape_cast %get3A_90 : vector<64x128xf32> to vector<128x64xf32>
    %dot_general3A_92 = arith.constant dense<0.000000e+00> : vector<64x128xf32>
    %dot_general3A_93 = tpu.matmul %reshape3A_91, %convert_element_type3A_1, %dot_general3A_92 {dimension_numbers = #tpu.dot_dimension_numbers<[0], [0], [1], [1], [0, 1, 1, 1], [], []>, transpose_lhs_hint = false} : vector<128x64xf32>, vector<128x128xf32>, vector<64x128xf32> -> vector<64x128xf32>
    %reshape3A_94 = vector.shape_cast %dot_general3A_93 : vector<64x128xf32> to vector<8x8x128xf32>
    %swap3A_95 = arith.constant 0 : index
    %swap3A_96 = arith.constant 0 : index
    %swap3A_97 = arith.constant 6 : index
    %swap3A_98 = arith.constant 0 : index
    %swap3A_99 = arith.constant 0 : index
    %swap3A_100 = vector.load %arg3[%swap3A_95, %swap3A_96, %swap3A_97, %swap3A_98, %swap3A_99] : memref<1x8x128x8x128xf32, #tpu.memory_space<vmem>>, vector<1x8x1x8x128xf32>
    %swap3A_101 = vector.shape_cast %swap3A_100 : vector<1x8x1x8x128xf32> to vector<8x8x128xf32>
    %swap3A_102 = vector.shape_cast %reshape3A_94 : vector<8x8x128xf32> to vector<1x8x1x8x128xf32>
    tpu.vector_store %arg3[%swap3A_95, %swap3A_96, %swap3A_97, %swap3A_98, %swap3A_99], %swap3A_102 {strides = array<i32>} : memref<1x8x128x8x128xf32, #tpu.memory_space<vmem>>, vector<1x8x1x8x128xf32>,
    %get3A_103 = arith.constant 448 : index
    %get3A_104 = arith.constant 0 : index
    %get3A_105 = vector.load %arg2[%get3A_103, %get3A_104] : memref<8192x128xf32, #tpu.memory_space<vmem>>, vector<64x128xf32>
    %reshape3A_106 = vector.shape_cast %get3A_105 : vector<64x128xf32> to vector<128x64xf32>
    %dot_general3A_107 = arith.constant dense<0.000000e+00> : vector<64x128xf32>
    %dot_general3A_108 = tpu.matmul %reshape3A_106, %convert_element_type3A_1, %dot_general3A_107 {dimension_numbers = #tpu.dot_dimension_numbers<[0], [0], [1], [1], [0, 1, 1, 1], [], []>, transpose_lhs_hint = false} : vector<128x64xf32>, vector<128x128xf32>, vector<64x128xf32> -> vector<64x128xf32>
    %reshape3A_109 = vector.shape_cast %dot_general3A_108 : vector<64x128xf32> to vector<8x8x128xf32>
    %swap3A_110 = arith.constant 0 : index
    %swap3A_111 = arith.constant 0 : index
    %swap3A_112 = arith.constant 7 : index
    %swap3A_113 = arith.constant 0 : index
    %swap3A_114 = arith.constant 0 : index
    %swap3A_115 = vector.load %arg3[%swap3A_110, %swap3A_111, %swap3A_112, %swap3A_113, %swap3A_114] : memref<1x8x128x8x128xf32, #tpu.memory_space<vmem>>, vector<1x8x1x8x128xf32>
    %swap3A_116 = vector.shape_cast %swap3A_115 : vector<1x8x1x8x128xf32> to vector<8x8x128xf32>
    %swap3A_117 = vector.shape_cast %reshape3A_109 : vector<8x8x128xf32> to vector<1x8x1x8x128xf32>
    tpu.vector_store %arg3[%swap3A_110, %swap3A_111, %swap3A_112, %swap3A_113, %swap3A_114], %swap3A_117 {strides = array<i32>} : memref<1x8x128x8x128xf32, #tpu.memory_space<vmem>>, vector<1x8x1x8x128xf32>,
    %get3A_118 = arith.constant 512 : index
    %get3A_119 = arith.constant 0 : index
    %get3A_120 = vector.load %arg2[%get3A_118, %get3A_119] : memref<8192x128xf32, #tpu.memory_space<vmem>>, vector<64x128xf32>
    %reshape3A_121 = vector.shape_cast %get3A_120 : vector<64x128xf32> to vector<128x64xf32>
    %dot_general3A_122 = arith.constant dense<0.000000e+00> : vector<64x128xf32>
    %dot_general3A_123 = tpu.matmul %reshape3A_121, %convert_element_type3A_1, %dot_general3A_122 {dimension_numbers = #tpu.dot_dimension_numbers<[0], [0], [1], [1], [0, 1, 1, 1], [], []>, transpose_lhs_hint = false} : vector<128x64xf32>, vector<128x128xf32>, vector<64x128xf32> -> vector<64x128xf32>
    %reshape3A_124 = vector.shape_cast %dot_general3A_123 : vector<64x128xf32> to vector<8x8x128xf32>
    %swap3A_125 = arith.constant 0 : index
    %swap3A_126 = arith.constant 0 : index
    %swap3A_127 = arith.constant 8 : index
    %swap3A_128 = arith.constant 0 : index
    %swap3A_129 = arith.constant 0 : index
    %swap3A_130 = vector.load %arg3[%swap3A_125, %swap3A_126, %swap3A_127, %swap3A_128, %swap3A_129] : memref<1x8x128x8x128xf32, #tpu.memory_space<vmem>>, vector<1x8x1x8x128xf32>
    %swap3A_131 = vector.shape_cast %swap3A_130 : vector<1x8x1x8x128xf32> to vector<8x8x128xf32>
    %swap3A_132 = vector.shape_cast %reshape3A_124 : vector<8x8x128xf32> to vector<1x8x1x8x128xf32>
    tpu.vector_store %arg3[%swap3A_125, %swap3A_126, %swap3A_127, %swap3A_128, %swap3A_129], %swap3A_132 {strides = array<i32>} : memref<1x8x128x8x128xf32, #tpu.memory_space<vmem>>, vector<1x8x1x8x128xf32>,
    %get3A_133 = arith.constant 576 : index
    %get3A_134 = arith.constant 0 : index
    %get3A_135 = vector.load %arg2[%get3A_133, %get3A_134] : memref<8192x128xf32, #tpu.memory_space<vmem>>, vector<64x128xf32>
    %reshape3A_136 = vector.shape_cast %get3A_135 : vector<64x128xf32> to vector<128x64xf32>
    %dot_general3A_137 = arith.constant dense<0.000000e+00> : vector<64x128xf32>
    %dot_general3A_138 = tpu.matmul %reshape3A_136, %convert_element_type3A_1, %dot_general3A_137 {dimension_numbers = #tpu.dot_dimension_numbers<[0], [0], [1], [1], [0, 1, 1, 1], [], []>, transpose_lhs_hint = false} : vector<128x64xf32>, vector<128x128xf32>, vector<64x128xf32> -> vector<64x128xf32>
    %reshape3A_139 = vector.shape_cast %dot_general3A_138 : vector<64x128xf32> to vector<8x8x128xf32>
    %swap3A_140 = arith.constant 0 : index
    %swap3A_141 = arith.constant 0 : index
    %swap3A_142 = arith.constant 9 : index
    %swap3A_143 = arith.constant 0 : index
    %swap3A_144 = arith.constant 0 : index
    %swap3A_145 = vector.load %arg3[%swap3A_140, %swap3A_141, %swap3A_142, %swap3A_143, %swap3A_144] : memref<1x8x128x8x128xf32, #tpu.memory_space<vmem>>, vector<1x8x1x8x128xf32>
    %swap3A_146 = vector.shape_cast %swap3A_145 : vector<1x8x1x8x128xf32> to vector<8x8x128xf32>
    %swap3A_147 = vector.shape_cast %reshape3A_139 : vector<8x8x128xf32> to vector<1x8x1x8x128xf32>
    tpu.vector_store %arg3[%swap3A_140, %swap3A_141, %swap3A_142, %swap3A_143, %swap3A_144], %swap3A_147 {strides = array<i32>} : memref<1x8x128x8x128xf32, #tpu.memory_space<vmem>>, vector<1x8x1x8x128xf32>,
    %get3A_148 = arith.constant 640 : index
    %get3A_149 = arith.constant 0 : index
    %get3A_150 = vector.load %arg2[%get3A_148, %get3A_149] : memref<8192x128xf32, #tpu.memory_space<vmem>>, vector<64x128xf32>
    %reshape3A_151 = vector.shape_cast %get3A_150 : vector<64x128xf32> to vector<128x64xf32>
    %dot_general3A_152 = arith.constant dense<0.000000e+00> : vector<64x128xf32>
    %dot_general3A_153 = tpu.matmul %reshape3A_151, %convert_element_type3A_1, %dot_general3A_152 {dimension_numbers = #tpu.dot_dimension_numbers<[0], [0], [1], [1], [0, 1, 1, 1], [], []>, transpose_lhs_hint = false} : vector<128x64xf32>, vector<128x128xf32>, vector<64x128xf32> -> vector<64x128xf32>
    %reshape3A_154 = vector.shape_cast %dot_general3A_153 : vector<64x128xf32> to vector<8x8x128xf32>
    %swap3A_155 = arith.constant 0 : index
    %swap3A_156 = arith.constant 0 : index
    %swap3A_157 = arith.constant 10 : index
    %swap3A_158 = arith.constant 0 : index
    %swap3A_159 = arith.constant 0 : index
    %swap3A_160 = vector.load %arg3[%swap3A_155, %swap3A_156, %swap3A_157, %swap3A_158, %swap3A_159] : memref<1x8x128x8x128xf32, #tpu.memory_space<vmem>>, vector<1x8x1x8x128xf32>
    %swap3A_161 = vector.shape_cast %swap3A_160 : vector<1x8x1x8x128xf32> to vector<8x8x128xf32>
    %swap3A_162 = vector.shape_cast %reshape3A_154 : vector<8x8x128xf32> to vector<1x8x1x8x128xf32>
    tpu.vector_store %arg3[%swap3A_155, %swap3A_156, %swap3A_157, %swap3A_158, %swap3A_159], %swap3A_162 {strides = array<i32>} : memref<1x8x128x8x128xf32, #tpu.memory_space<vmem>>, vector<1x8x1x8x128xf32>,
    %get3A_163 = arith.constant 704 : index
    %get3A_164 = arith.constant 0 : index
    %get3A_165 = vector.load %arg2[%get3A_163, %get3A_164] : memref<8192x128xf32, #tpu.memory_space<vmem>>, vector<64x128xf32>
    %reshape3A_166 = vector.shape_cast %get3A_165 : vector<64x128xf32> to vector<128x64xf32>
    %dot_general3A_167 = arith.constant dense<0.000000e+00> : vector<64x128xf32>
    %dot_general3A_168 = tpu.matmul %reshape3A_166, %convert_element_type3A_1, %dot_general3A_167 {dimension_numbers = #tpu.dot_dimension_numbers<[0], [0], [1], [1], [0, 1, 1, 1], [], []>, transpose_lhs_hint = false} : vector<128x64xf32>, vector<128x128xf32>, vector<64x128xf32> -> vector<64x128xf32>
    %reshape3A_169 = vector.shape_cast %dot_general3A_168 : vector<64x128xf32> to vector<8x8x128xf32>
    %swap3A_170 = arith.constant 0 : index
    %swap3A_171 = arith.constant 0 : index
    %swap3A_172 = arith.constant 11 : index
    %swap3A_173 = arith.constant 0 : index
    %swap3A_174 = arith.constant 0 : index
    %swap3A_175 = vector.load %arg3[%swap3A_170, %swap3A_171, %swap3A_172, %swap3A_173, %swap3A_174] : memref<1x8x128x8x128xf32, #tpu.memory_space<vmem>>, vector<1x8x1x8x128xf32>
    %swap3A_176 = vector.shape_cast %swap3A_175 : vector<1x8x1x8x128xf32> to vector<8x8x128xf32>
    %swap3A_177 = vector.shape_cast %reshape3A_169 : vector<8x8x128xf32> to vector<1x8x1x8x128xf32>
    tpu.vector_store %arg3[%swap3A_170, %swap3A_171, %swap3A_172, %swap3A_173, %swap3A_174], %swap3A_177 {strides = array<i32>} : memref<1x8x128x8x128xf32, #tpu.memory_space<vmem>>, vector<1x8x1x8x128xf32>,
    %get3A_178 = arith.constant 768 : index
    %get3A_179 = arith.constant 0 : index
    %get3A_180 = vector.load %arg2[%get3A_178, %get3A_179] : memref<8192x128xf32, #tpu.memory_space<vmem>>, vector<64x128xf32>
    %reshape3A_181 = vector.shape_cast %get3A_180 : vector<64x128xf32> to vector<128x64xf32>
    %dot_general3A_182 = arith.constant dense<0.000000e+00> : vector<64x128xf32>
    %dot_general3A_183 = tpu.matmul %reshape3A_181, %convert_element_type3A_1, %dot_general3A_182 {dimension_numbers = #tpu.dot_dimension_numbers<[0], [0], [1], [1], [0, 1, 1, 1], [], []>, transpose_lhs_hint = false} : vector<128x64xf32>, vector<128x128xf32>, vector<64x128xf32> -> vector<64x128xf32>
    %reshape3A_184 = vector.shape_cast %dot_general3A_183 : vector<64x128xf32> to vector<8x8x128xf32>
    %swap3A_185 = arith.constant 0 : index
    %swap3A_186 = arith.constant 0 : index
    %swap3A_187 = arith.constant 12 : index
    %swap3A_188 = arith.constant 0 : index
    %swap3A_189 = arith.constant 0 : index
    %swap3A_190 = vector.load %arg3[%swap3A_185, %swap3A_186, %swap3A_187, %swap3A_188, %swap3A_189] : memref<1x8x128x8x128xf32, #tpu.memory_space<vmem>>, vector<1x8x1x8x128xf32>
    %swap3A_191 = vector.shape_cast %swap3A_190 : vector<1x8x1x8x128xf32> to vector<8x8x128xf32>
    %swap3A_192 = vector.shape_cast %reshape3A_184 : vector<8x8x128xf32> to vector<1x8x1x8x128xf32>
    tpu.vector_store %arg3[%swap3A_185, %swap3A_186, %swap3A_187, %swap3A_188, %swap3A_189], %swap3A_192 {strides = array<i32>} : memref<1x8x128x8x128xf32, #tpu.memory_space<vmem>>, vector<1x8x1x8x128xf32>,
    %get3A_193 = arith.constant 832 : index
    %get3A_194 = arith.constant 0 : index
    %get3A_195 = vector.load %arg2[%get3A_193, %get3A_194] : memref<8192x128xf32, #tpu.memory_space<vmem>>, vector<64x128xf32>
    %reshape3A_196 = vector.shape_cast %get3A_195 : vector<64x128xf32> to vector<128x64xf32>
    %dot_general3A_197 = arith.constant dense<0.000000e+00> : vector<64x128xf32>
    %dot_general3A_198 = tpu.matmul %reshape3A_196, %convert_element_type3A_1, %dot_general3A_197 {dimension_numbers = #tpu.dot_dimension_numbers<[0], [0], [1], [1], [0, 1, 1, 1], [], []>, transpose_lhs_hint = false} : vector<128x64xf32>, vector<128x128xf32>, vector<64x128xf32> -> vector<64x128xf32>
    %reshape3A_199 = vector.shape_cast %dot_general3A_198 : vector<64x128xf32> to vector<8x8x128xf32>
    %swap3A_200 = arith.constant 0 : index
    %swap3A_201 = arith.constant 0 : index
    %swap3A_202 = arith.constant 13 : index
    %swap3A_203 = arith.constant 0 : index
    %swap3A_204 = arith.constant 0 : index
    %swap3A_205 = vector.load %arg3[%swap3A_200, %swap3A_201, %swap3A_202, %swap3A_203, %swap3A_204] : memref<1x8x128x8x128xf32, #tpu.memory_space<vmem>>, vector<1x8x1x8x128xf32>
    %swap3A_206 = vector.shape_cast %swap3A_205 : vector<1x8x1x8x128xf32> to vector<8x8x128xf32>
    %swap3A_207 = vector.shape_cast %reshape3A_199 : vector<8x8x128xf32> to vector<1x8x1x8x128xf32>
    tpu.vector_store %arg3[%swap3A_200, %swap3A_201, %swap3A_202, %swap3A_203, %swap3A_204], %swap3A_207 {strides = array<i32>} : memref<1x8x128x8x128xf32, #tpu.memory_space<vmem>>, vector<1x8x1x8x128xf32>,
    %get3A_208 = arith.constant 896 : index
    %get3A_209 = arith.constant 0 : index
    %get3A_210 = vector.load %arg2[%get3A_208, %get3A_209] : memref<8192x128xf32, #tpu.memory_space<vmem>>, vector<64x128xf32>
    %reshape3A_211 = vector.shape_cast %get3A_210 : vector<64x128xf32> to vector<128x64xf32>
    %dot_general3A_212 = arith.constant dense<0.000000e+00> : vector<64x128xf32>
    %dot_general3A_213 = tpu.matmul %reshape3A_211, %convert_element_type3A_1, %dot_general3A_212 {dimension_numbers = #tpu.dot_dimension_numbers<[0], [0], [1], [1], [0, 1, 1, 1], [], []>, transpose_lhs_hint = false} : vector<128x64xf32>, vector<128x128xf32>, vector<64x128xf32> -> vector<64x128xf32>
    %reshape3A_214 = vector.shape_cast %dot_general3A_213 : vector<64x128xf32> to vector<8x8x128xf32>
    %swap3A_215 = arith.constant 0 : index
    %swap3A_216 = arith.constant 0 : index
    %swap3A_217 = arith.constant 14 : index
    %swap3A_218 = arith.constant 0 : index
    %swap3A_219 = arith.constant 0 : index
    %swap3A_220 = vector.load %arg3[%swap3A_215, %swap3A_216, %swap3A_217, %swap3A_218, %swap3A_219] : memref<1x8x128x8x128xf32, #tpu.memory_space<vmem>>, vector<1x8x1x8x128xf32>
    %swap3A_221 = vector.shape_cast %swap3A_220 : vector<1x8x1x8x128xf32> to vector<8x8x128xf32>
    %swap3A_222 = vector.shape_cast %reshape3A_214 : vector<8x8x128xf32> to vector<1x8x1x8x128xf32>
    tpu.vector_store %arg3[%swap3A_215, %swap3A_216, %swap3A_217, %swap3A_218, %swap3A_219], %swap3A_222 {strides = array<i32>} : memref<1x8x128x8x128xf32, #tpu.memory_space<vmem>>, vector<1x8x1x8x128xf32>,
    %get3A_223 = arith.constant 960 : index
    %get3A_224 = arith.constant 0 : index
    %get3A_225 = vector.load %arg2[%get3A_223, %get3A_224] : memref<8192x128xf32, #tpu.memory_space<vmem>>, vector<64x128xf32>
    %reshape3A_226 = vector.shape_cast %get3A_225 : vector<64x128xf32> to vector<128x64xf32>
    %dot_general3A_227 = arith.constant dense<0.000000e+00> : vector<64x128xf32>
    %dot_general3A_228 = tpu.matmul %reshape3A_226, %convert_element_type3A_1, %dot_general3A_227 {dimension_numbers = #tpu.dot_dimension_numbers<[0], [0], [1], [1], [0, 1, 1, 1], [], []>, transpose_lhs_hint = false} : vector<128x64xf32>, vector<128x128xf32>, vector<64x128xf32> -> vector<64x128xf32>
    %reshape3A_229 = vector.shape_cast %dot_general3A_228 : vector<64x128xf32> to vector<8x8x128xf32>
    %swap3A_230 = arith.constant 0 : index
    %swap3A_231 = arith.constant 0 : index
    %swap3A_232 = arith.constant 15 : index
    %swap3A_233 = arith.constant 0 : index
    %swap3A_234 = arith.constant 0 : index
    %swap3A_235 = vector.load %arg3[%swap3A_230, %swap3A_231, %swap3A_232, %swap3A_233, %swap3A_234] : memref<1x8x128x8x128xf32, #tpu.memory_space<vmem>>, vector<1x8x1x8x128xf32>
    %swap3A_236 = vector.shape_cast %swap3A_235 : vector<1x8x1x8x128xf32> to vector<8x8x128xf32>
    %swap3A_237 = vector.shape_cast %reshape3A_229 : vector<8x8x128xf32> to vector<1x8x1x8x128xf32>
    tpu.vector_store %arg3[%swap3A_230, %swap3A_231, %swap3A_232, %swap3A_233, %swap3A_234], %swap3A_237 {strides = array<i32>} : memref<1x8x128x8x128xf32, #tpu.memory_space<vmem>>, vector<1x8x1x8x128xf32>,
    %get3A_238 = arith.constant 1024 : index
    %get3A_239 = arith.constant 0 : index
    %get3A_240 = vector.load %arg2[%get3A_238, %get3A_239] : memref<8192x128xf32, #tpu.memory_space<vmem>>, vector<64x128xf32>
    %reshape3A_241 = vector.shape_cast %get3A_240 : vector<64x128xf32> to vector<128x64xf32>
    %dot_general3A_242 = arith.constant dense<0.000000e+00> : vector<64x128xf32>
    %dot_general3A_243 = tpu.matmul %reshape3A_241, %convert_element_type3A_1, %dot_general3A_242 {dimension_numbers = #tpu.dot_dimension_numbers<[0], [0], [1], [1], [0, 1, 1, 1], [], []>, transpose_lhs_hint = false} : vector<128x64xf32>, vector<128x128xf32>, vector<64x128xf32> -> vector<64x128xf32>
    %reshape3A_244 = vector.shape_cast %dot_general3A_243 : vector<64x128xf32> to vector<8x8x128xf32>
    %swap3A_245 = arith.constant 0 : index
    %swap3A_246 = arith.constant 0 : index
    %swap3A_247 = arith.constant 16 : index
    %swap3A_248 = arith.constant 0 : index
    %swap3A_249 = arith.constant 0 : index
    %swap3A_250 = vector.load %arg3[%swap3A_245, %swap3A_246, %swap3A_247, %swap3A_248, %swap3A_249] : memref<1x8x128x8x128xf32, #tpu.memory_space<vmem>>, vector<1x8x1x8x128xf32>
    %swap3A_251 = vector.shape_cast %swap3A_250 : vector<1x8x1x8x128xf32> to vector<8x8x128xf32>
    %swap3A_252 = vector.shape_cast %reshape3A_244 : vector<8x8x128xf32> to vector<1x8x1x8x128xf32>
    tpu.vector_store %arg3[%swap3A_245, %swap3A_246, %swap3A_247, %swap3A_248, %swap3A_249], %swap3A_252 {strides = array<i32>} : memref<1x8x128x8x128xf32, #tpu.memory_space<vmem>>, vector<1x8x1x8x128xf32>,
    %get3A_253 = arith.constant 1088 : index
    %get3A_254 = arith.constant 0 : index
    %get3A_255 = vector.load %arg2[%get3A_253, %get3A_254] : memref<8192x128xf32, #tpu.memory_space<vmem>>, vector<64x128xf32>
    %reshape3A_256 = vector.shape_cast %get3A_255 : vector<64x128xf32> to vector<128x64xf32>
    %dot_general3A_257 = arith.constant dense<0.000000e+00> : vector<64x128xf32>
    %dot_general3A_258 = tpu.matmul %reshape3A_256, %convert_element_type3A_1, %dot_general3A_257 {dimension_numbers = #tpu.dot_dimension_numbers<[0], [0], [1], [1], [0, 1, 1, 1], [], []>, transpose_lhs_hint = false} : vector<128x64xf32>, vector<128x128xf32>, vector<64x128xf32> -> vector<64x128xf32>
    %reshape3A_259 = vector.shape_cast %dot_general3A_258 : vector<64x128xf32> to vector<8x8x128xf32>
    %swap3A_260 = arith.constant 0 : index
    %swap3A_261 = arith.constant 0 : index
    %swap3A_262 = arith.constant 17 : index
    %swap3A_263 = arith.constant 0 : index
    %swap3A_264 = arith.constant 0 : index
    %swap3A_265 = vector.load %arg3[%swap3A_260, %swap3A_261, %swap3A_262, %swap3A_263, %swap3A_264] : memref<1x8x128x8x128xf32, #tpu.memory_space<vmem>>, vector<1x8x1x8x128xf32>
    %swap3A_266 = vector.shape_cast %swap3A_265 : vector<1x8x1x8x128xf32> to vector<8x8x128xf32>
    %swap3A_267 = vector.shape_cast %reshape3A_259 : vector<8x8x128xf32> to vector<1x8x1x8x128xf32>
    tpu.vector_store %arg3[%swap3A_260, %swap3A_261, %swap3A_262, %swap3A_263, %swap3A_264], %swap3A_267 {strides = array<i32>} : memref<1x8x128x8x128xf32, #tpu.memory_space<vmem>>, vector<1x8x1x8x128xf32>,
    %get3A_268 = arith.constant 1152 : index
    %get3A_269 = arith.constant 0 : index
    %get3A_270 = vector.load %arg2[%get3A_268, %get3A_269] : memref<8192x128xf32, #tpu.memory_space<vmem>>, vector<64x128xf32>
    %reshape3A_271 = vector.shape_cast %get3A_270 : vector<64x128xf32> to vector<128x64xf32>
    %dot_general3A_272 = arith.constant dense<0.000000e+00> : vector<64x128xf32>
    %dot_general3A_273 = tpu.matmul %reshape3A_271, %convert_element_type3A_1, %dot_general3A_272 {dimension_numbers = #tpu.dot_dimension_numbers<[0], [0], [1], [1], [0, 1, 1, 1], [], []>, transpose_lhs_hint = false} : vector<128x64xf32>, vector<128x128xf32>, vector<64x128xf32> -> vector<64x128xf32>
    %reshape3A_274 = vector.shape_cast %dot_general3A_273 : vector<64x128xf32> to vector<8x8x128xf32>
    %swap3A_275 = arith.constant 0 : index
    %swap3A_276 = arith.constant 0 : index
    %swap3A_277 = arith.constant 18 : index
    %swap3A_278 = arith.constant 0 : index
    %swap3A_279 = arith.constant 0 : index
    %swap3A_280 = vector.load %arg3[%swap3A_275, %swap3A_276, %swap3A_277, %swap3A_278, %swap3A_279] : memref<1x8x128x8x128xf32, #tpu.memory_space<vmem>>, vector<1x8x1x8x128xf32>
    %swap3A_281 = vector.shape_cast %swap3A_280 : vector<1x8x1x8x128xf32> to vector<8x8x128xf32>
    %swap3A_282 = vector.shape_cast %reshape3A_274 : vector<8x8x128xf32> to vector<1x8x1x8x128xf32>
    tpu.vector_store %arg3[%swap3A_275, %swap3A_276, %swap3A_277, %swap3A_278, %swap3A_279], %swap3A_282 {strides = array<i32>} : memref<1x8x128x8x128xf32, #tpu.memory_space<vmem>>, vector<1x8x1x8x128xf32>,
    %get3A_283 = arith.constant 1216 : index
    %get3A_284 = arith.constant 0 : index
    %get3A_285 = vector.load %arg2[%get3A_283, %get3A_284] : memref<8192x128xf32, #tpu.memory_space<vmem>>, vector<64x128xf32>
    %reshape3A_286 = vector.shape_cast %get3A_285 : vector<64x128xf32> to vector<128x64xf32>
    %dot_general3A_287 = arith.constant dense<0.000000e+00> : vector<64x128xf32>
    %dot_general3A_288 = tpu.matmul %reshape3A_286, %convert_element_type3A_1, %dot_general3A_287 {dimension_numbers = #tpu.dot_dimension_numbers<[0], [0], [1], [1], [0, 1, 1, 1], [], []>, transpose_lhs_hint = false} : vector<128x64xf32>, vector<128x128xf32>, vector<64x128xf32> -> vector<64x128xf32>
    %reshape3A_289 = vector.shape_cast %dot_general3A_288 : vector<64x128xf32> to vector<8x8x128xf32>
    %swap3A_290 = arith.constant 0 : index
    %swap3A_291 = arith.constant 0 : index
    %swap3A_292 = arith.constant 19 : index
    %swap3A_293 = arith.constant 0 : index
    %swap3A_294 = arith.constant 0 : index
    %swap3A_295 = vector.load %arg3[%swap3A_290, %swap3A_291, %swap3A_292, %swap3A_293, %swap3A_294] : memref<1x8x128x8x128xf32, #tpu.memory_space<vmem>>, vector<1x8x1x8x128xf32>
    %swap3A_296 = vector.shape_cast %swap3A_295 : vector<1x8x1x8x128xf32> to vector<8x8x128xf32>
    %swap3A_297 = vector.shape_cast %reshape3A_289 : vector<8x8x128xf32> to vector<1x8x1x8x128xf32>
    tpu.vector_store %arg3[%swap3A_290, %swap3A_291, %swap3A_292, %swap3A_293, %swap3A_294], %swap3A_297 {strides = array<i32>} : memref<1x8x128x8x128xf32, #tpu.memory_space<vmem>>, vector<1x8x1x8x128xf32>,
    %get3A_298 = arith.constant 1280 : index
    %get3A_299 = arith.constant 0 : index
    %get3A_300 = vector.load %arg2[%get3A_298, %get3A_299] : memref<8192x128xf32, #tpu.memory_space<vmem>>, vector<64x128xf32>
    %reshape3A_301 = vector.shape_cast %get3A_300 : vector<64x128xf32> to vector<128x64xf32>
    %dot_general3A_302 = arith.constant dense<0.000000e+00> : vector<64x128xf32>
    %dot_general3A_303 = tpu.matmul %reshape3A_301, %convert_element_type3A_1, %dot_general3A_302 {dimension_numbers = #tpu.dot_dimension_numbers<[0], [0], [1], [1], [0, 1, 1, 1], [], []>, transpose_lhs_hint = false} : vector<128x64xf32>, vector<128x128xf32>, vector<64x128xf32> -> vector<64x128xf32>
    %reshape3A_304 = vector.shape_cast %dot_general3A_303 : vector<64x128xf32> to vector<8x8x128xf32>
    %swap3A_305 = arith.constant 0 : index
    %swap3A_306 = arith.constant 0 : index
    %swap3A_307 = arith.constant 20 : index
    %swap3A_308 = arith.constant 0 : index
    %swap3A_309 = arith.constant 0 : index
    %swap3A_310 = vector.load %arg3[%swap3A_305, %swap3A_306, %swap3A_307, %swap3A_308, %swap3A_309] : memref<1x8x128x8x128xf32, #tpu.memory_space<vmem>>, vector<1x8x1x8x128xf32>
    %swap3A_311 = vector.shape_cast %swap3A_310 : vector<1x8x1x8x128xf32> to vector<8x8x128xf32>
    %swap3A_312 = vector.shape_cast %reshape3A_304 : vector<8x8x128xf32> to vector<1x8x1x8x128xf32>
    tpu.vector_store %arg3[%swap3A_305, %swap3A_306, %swap3A_307, %swap3A_308, %swap3A_309], %swap3A_312 {strides = array<i32>} : memref<1x8x128x8x128xf32, #tpu.memory_space<vmem>>, vector<1x8x1x8x128xf32>,
    %get3A_313 = arith.constant 1344 : index
    %get3A_314 = arith.constant 0 : index
    %get3A_315 = vector.load %arg2[%get3A_313, %get3A_314] : memref<8192x128xf32, #tpu.memory_space<vmem>>, vector<64x128xf32>
    %reshape3A_316 = vector.shape_cast %get3A_315 : vector<64x128xf32> to vector<128x64xf32>
    %dot_general3A_317 = arith.constant dense<0.000000e+00> : vector<64x128xf32>
    %dot_general3A_318 = tpu.matmul %reshape3A_316, %convert_element_type3A_1, %dot_general3A_317 {dimension_numbers = #tpu.dot_dimension_numbers<[0], [0], [1], [1], [0, 1, 1, 1], [], []>, transpose_lhs_hint = false} : vector<128x64xf32>, vector<128x128xf32>, vector<64x128xf32> -> vector<64x128xf32>
    %reshape3A_319 = vector.shape_cast %dot_general3A_318 : vector<64x128xf32> to vector<8x8x128xf32>
    %swap3A_320 = arith.constant 0 : index
    %swap3A_321 = arith.constant 0 : index
    %swap3A_322 = arith.constant 21 : index
    %swap3A_323 = arith.constant 0 : index
    %swap3A_324 = arith.constant 0 : index
    %swap3A_325 = vector.load %arg3[%swap3A_320, %swap3A_321, %swap3A_322, %swap3A_323, %swap3A_324] : memref<1x8x128x8x128xf32, #tpu.memory_space<vmem>>, vector<1x8x1x8x128xf32>
    %swap3A_326 = vector.shape_cast %swap3A_325 : vector<1x8x1x8x128xf32> to vector<8x8x128xf32>
    %swap3A_327 = vector.shape_cast %reshape3A_319 : vector<8x8x128xf32> to vector<1x8x1x8x128xf32>
    tpu.vector_store %arg3[%swap3A_320, %swap3A_321, %swap3A_322, %swap3A_323, %swap3A_324], %swap3A_327 {strides = array<i32>} : memref<1x8x128x8x128xf32, #tpu.memory_space<vmem>>, vector<1x8x1x8x128xf32>,
    %get3A_328 = arith.constant 1408 : index
    %get3A_329 = arith.constant 0 : index
    %get3A_330 = vector.load %arg2[%get3A_328, %get3A_329] : memref<8192x128xf32, #tpu.memory_space<vmem>>, vector<64x128xf32>
    %reshape3A_331 = vector.shape_cast %get3A_330 : vector<64x128xf32> to vector<128x64xf32>
    %dot_general3A_332 = arith.constant dense<0.000000e+00> : vector<64x128xf32>
    %dot_general3A_333 = tpu.matmul %reshape3A_331, %convert_element_type3A_1, %dot_general3A_332 {dimension_numbers = #tpu.dot_dimension_numbers<[0], [0], [1], [1], [0, 1, 1, 1], [], []>, transpose_lhs_hint = false} : vector<128x64xf32>, vector<128x128xf32>, vector<64x128xf32> -> vector<64x128xf32>
    %reshape3A_334 = vector.shape_cast %dot_general3A_333 : vector<64x128xf32> to vector<8x8x128xf32>
    %swap3A_335 = arith.constant 0 : index
    %swap3A_336 = arith.constant 0 : index
    %swap3A_337 = arith.constant 22 : index
    %swap3A_338 = arith.constant 0 : index
    %swap3A_339 = arith.constant 0 : index
    %swap3A_340 = vector.load %arg3[%swap3A_335, %swap3A_336, %swap3A_337, %swap3A_338, %swap3A_339] : memref<1x8x128x8x128xf32, #tpu.memory_space<vmem>>, vector<1x8x1x8x128xf32>
    %swap3A_341 = vector.shape_cast %swap3A_340 : vector<1x8x1x8x128xf32> to vector<8x8x128xf32>
    %swap3A_342 = vector.shape_cast %reshape3A_334 : vector<8x8x128xf32> to vector<1x8x1x8x128xf32>
    tpu.vector_store %arg3[%swap3A_335, %swap3A_336, %swap3A_337, %swap3A_338, %swap3A_339], %swap3A_342 {strides = array<i32>} : memref<1x8x128x8x128xf32, #tpu.memory_space<vmem>>, vector<1x8x1x8x128xf32>,
    %get3A_343 = arith.constant 1472 : index
    %get3A_344 = arith.constant 0 : index
    %get3A_345 = vector.load %arg2[%get3A_343, %get3A_344] : memref<8192x128xf32, #tpu.memory_space<vmem>>, vector<64x128xf32>
    %reshape3A_346 = vector.shape_cast %get3A_345 : vector<64x128xf32> to vector<128x64xf32>
    %dot_general3A_347 = arith.constant dense<0.000000e+00> : vector<64x128xf32>
    %dot_general3A_348 = tpu.matmul %reshape3A_346, %convert_element_type3A_1, %dot_general3A_347 {dimension_numbers = #tpu.dot_dimension_numbers<[0], [0], [1], [1], [0, 1, 1, 1], [], []>, transpose_lhs_hint = false} : vector<128x64xf32>, vector<128x128xf32>, vector<64x128xf32> -> vector<64x128xf32>
    %reshape3A_349 = vector.shape_cast %dot_general3A_348 : vector<64x128xf32> to vector<8x8x128xf32>
    %swap3A_350 = arith.constant 0 : index
    %swap3A_351 = arith.constant 0 : index
    %swap3A_352 = arith.constant 23 : index
    %swap3A_353 = arith.constant 0 : index
    %swap3A_354 = arith.constant 0 : index
    %swap3A_355 = vector.load %arg3[%swap3A_350, %swap3A_351, %swap3A_352, %swap3A_353, %swap3A_354] : memref<1x8x128x8x128xf32, #tpu.memory_space<vmem>>, vector<1x8x1x8x128xf32>
    %swap3A_356 = vector.shape_cast %swap3A_355 : vector<1x8x1x8x128xf32> to vector<8x8x128xf32>
    %swap3A_357 = vector.shape_cast %reshape3A_349 : vector<8x8x128xf32> to vector<1x8x1x8x128xf32>
    tpu.vector_store %arg3[%swap3A_350, %swap3A_351, %swap3A_352, %swap3A_353, %swap3A_354], %swap3A_357 {strides = array<i32>} : memref<1x8x128x8x128xf32, #tpu.memory_space<vmem>>, vector<1x8x1x8x128xf32>,
    %get3A_358 = arith.constant 1536 : index
    %get3A_359 = arith.constant 0 : index
    %get3A_360 = vector.load %arg2[%get3A_358, %get3A_359] : memref<8192x128xf32, #tpu.memory_space<vmem>>, vector<64x128xf32>
    %reshape3A_361 = vector.shape_cast %get3A_360 : vector<64x128xf32> to vector<128x64xf32>
    %dot_general3A_362 = arith.constant dense<0.000000e+00> : vector<64x128xf32>
    %dot_general3A_363 = tpu.matmul %reshape3A_361, %convert_element_type3A_1, %dot_general3A_362 {dimension_numbers = #tpu.dot_dimension_numbers<[0], [0], [1], [1], [0, 1, 1, 1], [], []>, transpose_lhs_hint = false} : vector<128x64xf32>, vector<128x128xf32>, vector<64x128xf32> -> vector<64x128xf32>
    %reshape3A_364 = vector.shape_cast %dot_general3A_363 : vector<64x128xf32> to vector<8x8x128xf32>
    %swap3A_365 = arith.constant 0 : index
    %swap3A_366 = arith.constant 0 : index
    %swap3A_367 = arith.constant 24 : index
    %swap3A_368 = arith.constant 0 : index
    %swap3A_369 = arith.constant 0 : index
    %swap3A_370 = vector.load %arg3[%swap3A_365, %swap3A_366, %swap3A_367, %swap3A_368, %swap3A_369] : memref<1x8x128x8x128xf32, #tpu.memory_space<vmem>>, vector<1x8x1x8x128xf32>
    %swap3A_371 = vector.shape_cast %swap3A_370 : vector<1x8x1x8x128xf32> to vector<8x8x128xf32>
    %swap3A_372 = vector.shape_cast %reshape3A_364 : vector<8x8x128xf32> to vector<1x8x1x8x128xf32>
    tpu.vector_store %arg3[%swap3A_365, %swap3A_366, %swap3A_367, %swap3A_368, %swap3A_369], %swap3A_372 {strides = array<i32>} : memref<1x8x128x8x128xf32, #tpu.memory_space<vmem>>, vector<1x8x1x8x128xf32>,
    %get3A_373 = arith.constant 1600 : index
    %get3A_374 = arith.constant 0 : index
    %get3A_375 = vector.load %arg2[%get3A_373, %get3A_374] : memref<8192x128xf32, #tpu.memory_space<vmem>>, vector<64x128xf32>
    %reshape3A_376 = vector.shape_cast %get3A_375 : vector<64x128xf32> to vector<128x64xf32>
    %dot_general3A_377 = arith.constant dense<0.000000e+00> : vector<64x128xf32>
    %dot_general3A_378 = tpu.matmul %reshape3A_376, %convert_element_type3A_1, %dot_general3A_377 {dimension_numbers = #tpu.dot_dimension_numbers<[0], [0], [1], [1], [0, 1, 1, 1], [], []>, transpose_lhs_hint = false} : vector<128x64xf32>, vector<128x128xf32>, vector<64x128xf32> -> vector<64x128xf32>
    %reshape3A_379 = vector.shape_cast %dot_general3A_378 : vector<64x128xf32> to vector<8x8x128xf32>
    %swap3A_380 = arith.constant 0 : index
    %swap3A_381 = arith.constant 0 : index
    %swap3A_382 = arith.constant 25 : index
    %swap3A_383 = arith.constant 0 : index
    %swap3A_384 = arith.constant 0 : index
    %swap3A_385 = vector.load %arg3[%swap3A_380, %swap3A_381, %swap3A_382, %swap3A_383, %swap3A_384] : memref<1x8x128x8x128xf32, #tpu.memory_space<vmem>>, vector<1x8x1x8x128xf32>
    %swap3A_386 = vector.shape_cast %swap3A_385 : vector<1x8x1x8x128xf32> to vector<8x8x128xf32>
    %swap3A_387 = vector.shape_cast %reshape3A_379 : vector<8x8x128xf32> to vector<1x8x1x8x128xf32>
    tpu.vector_store %arg3[%swap3A_380, %swap3A_381, %swap3A_382, %swap3A_383, %swap3A_384], %swap3A_387 {strides = array<i32>} : memref<1x8x128x8x128xf32, #tpu.memory_space<vmem>>, vector<1x8x1x8x128xf32>,
    %get3A_388 = arith.constant 1664 : index
    %get3A_389 = arith.constant 0 : index
    %get3A_390 = vector.load %arg2[%get3A_388, %get3A_389] : memref<8192x128xf32, #tpu.memory_space<vmem>>, vector<64x128xf32>
    %reshape3A_391 = vector.shape_cast %get3A_390 : vector<64x128xf32> to vector<128x64xf32>
    %dot_general3A_392 = arith.constant dense<0.000000e+00> : vector<64x128xf32>
    %dot_general3A_393 = tpu.matmul %reshape3A_391, %convert_element_type3A_1, %dot_general3A_392 {dimension_numbers = #tpu.dot_dimension_numbers<[0], [0], [1], [1], [0, 1, 1, 1], [], []>, transpose_lhs_hint = false} : vector<128x64xf32>, vector<128x128xf32>, vector<64x128xf32> -> vector<64x128xf32>
    %reshape3A_394 = vector.shape_cast %dot_general3A_393 : vector<64x128xf32> to vector<8x8x128xf32>
    %swap3A_395 = arith.constant 0 : index
    %swap3A_396 = arith.constant 0 : index
    %swap3A_397 = arith.constant 26 : index
    %swap3A_398 = arith.constant 0 : index
    %swap3A_399 = arith.constant 0 : index
    %swap3A_400 = vector.load %arg3[%swap3A_395, %swap3A_396, %swap3A_397, %swap3A_398, %swap3A_399] : memref<1x8x128x8x128xf32, #tpu.memory_space<vmem>>, vector<1x8x1x8x128xf32>
    %swap3A_401 = vector.shape_cast %swap3A_400 : vector<1x8x1x8x128xf32> to vector<8x8x128xf32>
    %swap3A_402 = vector.shape_cast %reshape3A_394 : vector<8x8x128xf32> to vector<1x8x1x8x128xf32>
    tpu.vector_store %arg3[%swap3A_395, %swap3A_396, %swap3A_397, %swap3A_398, %swap3A_399], %swap3A_402 {strides = array<i32>} : memref<1x8x128x8x128xf32, #tpu.memory_space<vmem>>, vector<1x8x1x8x128xf32>,
    %get3A_403 = arith.constant 1728 : index
    %get3A_404 = arith.constant 0 : index
    %get3A_405 = vector.load %arg2[%get3A_403, %get3A_404] : memref<8192x128xf32, #tpu.memory_space<vmem>>, vector<64x128xf32>
    %reshape3A_406 = vector.shape_cast %get3A_405 : vector<64x128xf32> to vector<128x64xf32>
    %dot_general3A_407 = arith.constant dense<0.000000e+00> : vector<64x128xf32>
    %dot_general3A_408 = tpu.matmul %reshape3A_406, %convert_element_type3A_1, %dot_general3A_407 {dimension_numbers = #tpu.dot_dimension_numbers<[0], [0], [1], [1], [0, 1, 1, 1], [], []>, transpose_lhs_hint = false} : vector<128x64xf32>, vector<128x128xf32>, vector<64x128xf32> -> vector<64x128xf32>
    %reshape3A_409 = vector.shape_cast %dot_general3A_408 : vector<64x128xf32> to vector<8x8x128xf32>
    %swap3A_410 = arith.constant 0 : index
    %swap3A_411 = arith.constant 0 : index
    %swap3A_412 = arith.constant 27 : index
    %swap3A_413 = arith.constant 0 : index
    %swap3A_414 = arith.constant 0 : index
    %swap3A_415 = vector.load %arg3[%swap3A_410, %swap3A_411, %swap3A_412, %swap3A_413, %swap3A_414] : memref<1x8x128x8x128xf32, #tpu.memory_space<vmem>>, vector<1x8x1x8x128xf32>
    %swap3A_416 = vector.shape_cast %swap3A_415 : vector<1x8x1x8x128xf32> to vector<8x8x128xf32>
    %swap3A_417 = vector.shape_cast %reshape3A_409 : vector<8x8x128xf32> to vector<1x8x1x8x128xf32>
    tpu.vector_store %arg3[%swap3A_410, %swap3A_411, %swap3A_412, %swap3A_413, %swap3A_414], %swap3A_417 {strides = array<i32>} : memref<1x8x128x8x128xf32, #tpu.memory_space<vmem>>, vector<1x8x1x8x128xf32>,
    %get3A_418 = arith.constant 1792 : index
    %get3A_419 = arith.constant 0 : index
    %get3A_420 = vector.load %arg2[%get3A_418, %get3A_419] : memref<8192x128xf32, #tpu.memory_space<vmem>>, vector<64x128xf32>
    %reshape3A_421 = vector.shape_cast %get3A_420 : vector<64x128xf32> to vector<128x64xf32>
    %dot_general3A_422 = arith.constant dense<0.000000e+00> : vector<64x128xf32>
    %dot_general3A_423 = tpu.matmul %reshape3A_421, %convert_element_type3A_1, %dot_general3A_422 {dimension_numbers = #tpu.dot_dimension_numbers<[0], [0], [1], [1], [0, 1, 1, 1], [], []>, transpose_lhs_hint = false} : vector<128x64xf32>, vector<128x128xf32>, vector<64x128xf32> -> vector<64x128xf32>
    %reshape3A_424 = vector.shape_cast %dot_general3A_423 : vector<64x128xf32> to vector<8x8x128xf32>
    %swap3A_425 = arith.constant 0 : index
    %swap3A_426 = arith.constant 0 : index
    %swap3A_427 = arith.constant 28 : index
    %swap3A_428 = arith.constant 0 : index
    %swap3A_429 = arith.constant 0 : index
    %swap3A_430 = vector.load %arg3[%swap3A_425, %swap3A_426, %swap3A_427, %swap3A_428, %swap3A_429] : memref<1x8x128x8x128xf32, #tpu.memory_space<vmem>>, vector<1x8x1x8x128xf32>
    %swap3A_431 = vector.shape_cast %swap3A_430 : vector<1x8x1x8x128xf32> to vector<8x8x128xf32>
    %swap3A_432 = vector.shape_cast %reshape3A_424 : vector<8x8x128xf32> to vector<1x8x1x8x128xf32>
    tpu.vector_store %arg3[%swap3A_425, %swap3A_426, %swap3A_427, %swap3A_428, %swap3A_429], %swap3A_432 {strides = array<i32>} : memref<1x8x128x8x128xf32, #tpu.memory_space<vmem>>, vector<1x8x1x8x128xf32>,
    %get3A_433 = arith.constant 1856 : index
    %get3A_434 = arith.constant 0 : index
    %get3A_435 = vector.load %arg2[%get3A_433, %get3A_434] : memref<8192x128xf32, #tpu.memory_space<vmem>>, vector<64x128xf32>
    %reshape3A_436 = vector.shape_cast %get3A_435 : vector<64x128xf32> to vector<128x64xf32>
    %dot_general3A_437 = arith.constant dense<0.000000e+00> : vector<64x128xf32>
    %dot_general3A_438 = tpu.matmul %reshape3A_436, %convert_element_type3A_1, %dot_general3A_437 {dimension_numbers = #tpu.dot_dimension_numbers<[0], [0], [1], [1], [0, 1, 1, 1], [], []>, transpose_lhs_hint = false} : vector<128x64xf32>, vector<128x128xf32>, vector<64x128xf32> -> vector<64x128xf32>
    %reshape3A_439 = vector.shape_cast %dot_general3A_438 : vector<64x128xf32> to vector<8x8x128xf32>
    %swap3A_440 = arith.constant 0 : index
    %swap3A_441 = arith.constant 0 : index
    %swap3A_442 = arith.constant 29 : index
    %swap3A_443 = arith.constant 0 : index
    %swap3A_444 = arith.constant 0 : index
    %swap3A_445 = vector.load %arg3[%swap3A_440, %swap3A_441, %swap3A_442, %swap3A_443, %swap3A_444] : memref<1x8x128x8x128xf32, #tpu.memory_space<vmem>>, vector<1x8x1x8x128xf32>
    %swap3A_446 = vector.shape_cast %swap3A_445 : vector<1x8x1x8x128xf32> to vector<8x8x128xf32>
    %swap3A_447 = vector.shape_cast %reshape3A_439 : vector<8x8x128xf32> to vector<1x8x1x8x128xf32>
    tpu.vector_store %arg3[%swap3A_440, %swap3A_441, %swap3A_442, %swap3A_443, %swap3A_444], %swap3A_447 {strides = array<i32>} : memref<1x8x128x8x128xf32, #tpu.memory_space<vmem>>, vector<1x8x1x8x128xf32>,
    %get3A_448 = arith.constant 1920 : index
    %get3A_449 = arith.constant 0 : index
    %get3A_450 = vector.load %arg2[%get3A_448, %get3A_449] : memref<8192x128xf32, #tpu.memory_space<vmem>>, vector<64x128xf32>
    %reshape3A_451 = vector.shape_cast %get3A_450 : vector<64x128xf32> to vector<128x64xf32>
    %dot_general3A_452 = arith.constant dense<0.000000e+00> : vector<64x128xf32>
    %dot_general3A_453 = tpu.matmul %reshape3A_451, %convert_element_type3A_1, %dot_general3A_452 {dimension_numbers = #tpu.dot_dimension_numbers<[0], [0], [1], [1], [0, 1, 1, 1], [], []>, transpose_lhs_hint = false} : vector<128x64xf32>, vector<128x128xf32>, vector<64x128xf32> -> vector<64x128xf32>
    %reshape3A_454 = vector.shape_cast %dot_general3A_453 : vector<64x128xf32> to vector<8x8x128xf32>
    %swap3A_455 = arith.constant 0 : index
    %swap3A_456 = arith.constant 0 : index
    %swap3A_457 = arith.constant 30 : index
    %swap3A_458 = arith.constant 0 : index
    %swap3A_459 = arith.constant 0 : index
    %swap3A_460 = vector.load %arg3[%swap3A_455, %swap3A_456, %swap3A_457, %swap3A_458, %swap3A_459] : memref<1x8x128x8x128xf32, #tpu.memory_space<vmem>>, vector<1x8x1x8x128xf32>
    %swap3A_461 = vector.shape_cast %swap3A_460 : vector<1x8x1x8x128xf32> to vector<8x8x128xf32>
    %swap3A_462 = vector.shape_cast %reshape3A_454 : vector<8x8x128xf32> to vector<1x8x1x8x128xf32>
    tpu.vector_store %arg3[%swap3A_455, %swap3A_456, %swap3A_457, %swap3A_458, %swap3A_459], %swap3A_462 {strides = array<i32>} : memref<1x8x128x8x128xf32, #tpu.memory_space<vmem>>, vector<1x8x1x8x128xf32>,
    %get3A_463 = arith.constant 1984 : index
    %get3A_464 = arith.constant 0 : index
    %get3A_465 = vector.load %arg2[%get3A_463, %get3A_464] : memref<8192x128xf32, #tpu.memory_space<vmem>>, vector<64x128xf32>
    %reshape3A_466 = vector.shape_cast %get3A_465 : vector<64x128xf32> to vector<128x64xf32>
    %dot_general3A_467 = arith.constant dense<0.000000e+00> : vector<64x128xf32>
    %dot_general3A_468 = tpu.matmul %reshape3A_466, %convert_element_type3A_1, %dot_general3A_467 {dimension_numbers = #tpu.dot_dimension_numbers<[0], [0], [1], [1], [0, 1, 1, 1], [], []>, transpose_lhs_hint = false} : vector<128x64xf32>, vector<128x128xf32>, vector<64x128xf32> -> vector<64x128xf32>
    %reshape3A_469 = vector.shape_cast %dot_general3A_468 : vector<64x128xf32> to vector<8x8x128xf32>
    %swap3A_470 = arith.constant 0 : index
    %swap3A_471 = arith.constant 0 : index
    %swap3A_472 = arith.constant 31 : index
    %swap3A_473 = arith.constant 0 : index
    %swap3A_474 = arith.constant 0 : index
    %swap3A_475 = vector.load %arg3[%swap3A_470, %swap3A_471, %swap3A_472, %swap3A_473, %swap3A_474] : memref<1x8x128x8x128xf32, #tpu.memory_space<vmem>>, vector<1x8x1x8x128xf32>
    %swap3A_476 = vector.shape_cast %swap3A_475 : vector<1x8x1x8x128xf32> to vector<8x8x128xf32>
    %swap3A_477 = vector.shape_cast %reshape3A_469 : vector<8x8x128xf32> to vector<1x8x1x8x128xf32>
    tpu.vector_store %arg3[%swap3A_470, %swap3A_471, %swap3A_472, %swap3A_473, %swap3A_474], %swap3A_477 {strides = array<i32>} : memref<1x8x128x8x128xf32, #tpu.memory_space<vmem>>, vector<1x8x1x8x128xf32>,
    %get3A_478 = arith.constant 2048 : index
    %get3A_479 = arith.constant 0 : index
    %get3A_480 = vector.load %arg2[%get3A_478, %get3A_479] : memref<8192x128xf32, #tpu.memory_space<vmem>>, vector<64x128xf32>
    %reshape3A_481 = vector.shape_cast %get3A_480 : vector<64x128xf32> to vector<128x64xf32>
    %dot_general3A_482 = arith.constant dense<0.000000e+00> : vector<64x128xf32>
    %dot_general3A_483 = tpu.matmul %reshape3A_481, %convert_element_type3A_1, %dot_general3A_482 {dimension_numbers = #tpu.dot_dimension_numbers<[0], [0], [1], [1], [0, 1, 1, 1], [], []>, transpose_lhs_hint = false} : vector<128x64xf32>, vector<128x128xf32>, vector<64x128xf32> -> vector<64x128xf32>
    %reshape3A_484 = vector.shape_cast %dot_general3A_483 : vector<64x128xf32> to vector<8x8x128xf32>
    %swap3A_485 = arith.constant 0 : index
    %swap3A_486 = arith.constant 0 : index
    %swap3A_487 = arith.constant 32 : index
    %swap3A_488 = arith.constant 0 : index
    %swap3A_489 = arith.constant 0 : index
    %swap3A_490 = vector.load %arg3[%swap3A_485, %swap3A_486, %swap3A_487, %swap3A_488, %swap3A_489] : memref<1x8x128x8x128xf32, #tpu.memory_space<vmem>>, vector<1x8x1x8x128xf32>
    %swap3A_491 = vector.shape_cast %swap3A_490 : vector<1x8x1x8x128xf32> to vector<8x8x128xf32>
    %swap3A_492 = vector.shape_cast %reshape3A_484 : vector<8x8x128xf32> to vector<1x8x1x8x128xf32>
    tpu.vector_store %arg3[%swap3A_485, %swap3A_486, %swap3A_487, %swap3A_488, %swap3A_489], %swap3A_492 {strides = array<i32>} : memref<1x8x128x8x128xf32, #tpu.memory_space<vmem>>, vector<1x8x1x8x128xf32>,
    %get3A_493 = arith.constant 2112 : index
    %get3A_494 = arith.constant 0 : index
    %get3A_495 = vector.load %arg2[%get3A_493, %get3A_494] : memref<8192x128xf32, #tpu.memory_space<vmem>>, vector<64x128xf32>
    %reshape3A_496 = vector.shape_cast %get3A_495 : vector<64x128xf32> to vector<128x64xf32>
    %dot_general3A_497 = arith.constant dense<0.000000e+00> : vector<64x128xf32>
    %dot_general3A_498 = tpu.matmul %reshape3A_496, %convert_element_type3A_1, %dot_general3A_497 {dimension_numbers = #tpu.dot_dimension_numbers<[0], [0], [1], [1], [0, 1, 1, 1], [], []>, transpose_lhs_hint = false} : vector<128x64xf32>, vector<128x128xf32>, vector<64x128xf32> -> vector<64x128xf32>
    %reshape3A_499 = vector.shape_cast %dot_general3A_498 : vector<64x128xf32> to vector<8x8x128xf32>
    %swap3A_500 = arith.constant 0 : index
    %swap3A_501 = arith.constant 0 : index
    %swap3A_502 = arith.constant 33 : index
    %swap3A_503 = arith.constant 0 : index
    %swap3A_504 = arith.constant 0 : index
    %swap3A_505 = vector.load %arg3[%swap3A_500, %swap3A_501, %swap3A_502, %swap3A_503, %swap3A_504] : memref<1x8x128x8x128xf32, #tpu.memory_space<vmem>>, vector<1x8x1x8x128xf32>
    %swap3A_506 = vector.shape_cast %swap3A_505 : vector<1x8x1x8x128xf32> to vector<8x8x128xf32>
    %swap3A_507 = vector.shape_cast %reshape3A_499 : vector<8x8x128xf32> to vector<1x8x1x8x128xf32>
    tpu.vector_store %arg3[%swap3A_500, %swap3A_501, %swap3A_502, %swap3A_503, %swap3A_504], %swap3A_507 {strides = array<i32>} : memref<1x8x128x8x128xf32, #tpu.memory_space<vmem>>, vector<1x8x1x8x128xf32>,
    %get3A_508 = arith.constant 2176 : index
    %get3A_509 = arith.constant 0 : index
    %get3A_510 = vector.load %arg2[%get3A_508, %get3A_509] : memref<8192x128xf32, #tpu.memory_space<vmem>>, vector<64x128xf32>
    %reshape3A_511 = vector.shape_cast %get3A_510 : vector<64x128xf32> to vector<128x64xf32>
    %dot_general3A_512 = arith.constant dense<0.000000e+00> : vector<64x128xf32>
    %dot_general3A_513 = tpu.matmul %reshape3A_511, %convert_element_type3A_1, %dot_general3A_512 {dimension_numbers = #tpu.dot_dimension_numbers<[0], [0], [1], [1], [0, 1, 1, 1], [], []>, transpose_lhs_hint = false} : vector<128x64xf32>, vector<128x128xf32>, vector<64x128xf32> -> vector<64x128xf32>
    %reshape3A_514 = vector.shape_cast %dot_general3A_513 : vector<64x128xf32> to vector<8x8x128xf32>
    %swap3A_515 = arith.constant 0 : index
    %swap3A_516 = arith.constant 0 : index
    %swap3A_517 = arith.constant 34 : index
    %swap3A_518 = arith.constant 0 : index
    %swap3A_519 = arith.constant 0 : index
    %swap3A_520 = vector.load %arg3[%swap3A_515, %swap3A_516, %swap3A_517, %swap3A_518, %swap3A_519] : memref<1x8x128x8x128xf32, #tpu.memory_space<vmem>>, vector<1x8x1x8x128xf32>
    %swap3A_521 = vector.shape_cast %swap3A_520 : vector<1x8x1x8x128xf32> to vector<8x8x128xf32>
    %swap3A_522 = vector.shape_cast %reshape3A_514 : vector<8x8x128xf32> to vector<1x8x1x8x128xf32>
    tpu.vector_store %arg3[%swap3A_515, %swap3A_516, %swap3A_517, %swap3A_518, %swap3A_519], %swap3A_522 {strides = array<i32>} : memref<1x8x128x8x128xf32, #tpu.memory_space<vmem>>, vector<1x8x1x8x128xf32>,
    %get3A_523 = arith.constant 2240 : index
    %get3A_524 = arith.constant 0 : index
    %get3A_525 = vector.load %arg2[%get3A_523, %get3A_524] : memref<8192x128xf32, #tpu.memory_space<vmem>>, vector<64x128xf32>
    %reshape3A_526 = vector.shape_cast %get3A_525 : vector<64x128xf32> to vector<128x64xf32>
    %dot_general3A_527 = arith.constant dense<0.000000e+00> : vector<64x128xf32>
    %dot_general3A_528 = tpu.matmul %reshape3A_526, %convert_element_type3A_1, %dot_general3A_527 {dimension_numbers = #tpu.dot_dimension_numbers<[0], [0], [1], [1], [0, 1, 1, 1], [], []>, transpose_lhs_hint = false} : vector<128x64xf32>, vector<128x128xf32>, vector<64x128xf32> -> vector<64x128xf32>
    %reshape3A_529 = vector.shape_cast %dot_general3A_528 : vector<64x128xf32> to vector<8x8x128xf32>
    %swap3A_530 = arith.constant 0 : index
    %swap3A_531 = arith.constant 0 : index
    %swap3A_532 = arith.constant 35 : index
    %swap3A_533 = arith.constant 0 : index
    %swap3A_534 = arith.constant 0 : index
    %swap3A_535 = vector.load %arg3[%swap3A_530, %swap3A_531, %swap3A_532, %swap3A_533, %swap3A_534] : memref<1x8x128x8x128xf32, #tpu.memory_space<vmem>>, vector<1x8x1x8x128xf32>
    %swap3A_536 = vector.shape_cast %swap3A_535 : vector<1x8x1x8x128xf32> to vector<8x8x128xf32>
    %swap3A_537 = vector.shape_cast %reshape3A_529 : vector<8x8x128xf32> to vector<1x8x1x8x128xf32>
    tpu.vector_store %arg3[%swap3A_530, %swap3A_531, %swap3A_532, %swap3A_533, %swap3A_534], %swap3A_537 {strides = array<i32>} : memref<1x8x128x8x128xf32, #tpu.memory_space<vmem>>, vector<1x8x1x8x128xf32>,
    %get3A_538 = arith.constant 2304 : index
    %get3A_539 = arith.constant 0 : index
    %get3A_540 = vector.load %arg2[%get3A_538, %get3A_539] : memref<8192x128xf32, #tpu.memory_space<vmem>>, vector<64x128xf32>
    %reshape3A_541 = vector.shape_cast %get3A_540 : vector<64x128xf32> to vector<128x64xf32>
    %dot_general3A_542 = arith.constant dense<0.000000e+00> : vector<64x128xf32>
    %dot_general3A_543 = tpu.matmul %reshape3A_541, %convert_element_type3A_1, %dot_general3A_542 {dimension_numbers = #tpu.dot_dimension_numbers<[0], [0], [1], [1], [0, 1, 1, 1], [], []>, transpose_lhs_hint = false} : vector<128x64xf32>, vector<128x128xf32>, vector<64x128xf32> -> vector<64x128xf32>
    %reshape3A_544 = vector.shape_cast %dot_general3A_543 : vector<64x128xf32> to vector<8x8x128xf32>
    %swap3A_545 = arith.constant 0 : index
    %swap3A_546 = arith.constant 0 : index
    %swap3A_547 = arith.constant 36 : index
    %swap3A_548 = arith.constant 0 : index
    %swap3A_549 = arith.constant 0 : index
    %swap3A_550 = vector.load %arg3[%swap3A_545, %swap3A_546, %swap3A_547, %swap3A_548, %swap3A_549] : memref<1x8x128x8x128xf32, #tpu.memory_space<vmem>>, vector<1x8x1x8x128xf32>
    %swap3A_551 = vector.shape_cast %swap3A_550 : vector<1x8x1x8x128xf32> to vector<8x8x128xf32>
    %swap3A_552 = vector.shape_cast %reshape3A_544 : vector<8x8x128xf32> to vector<1x8x1x8x128xf32>
    tpu.vector_store %arg3[%swap3A_545, %swap3A_546, %swap3A_547, %swap3A_548, %swap3A_549], %swap3A_552 {strides = array<i32>} : memref<1x8x128x8x128xf32, #tpu.memory_space<vmem>>, vector<1x8x1x8x128xf32>,
    %get3A_553 = arith.constant 2368 : index
    %get3A_554 = arith.constant 0 : index
    %get3A_555 = vector.load %arg2[%get3A_553, %get3A_554] : memref<8192x128xf32, #tpu.memory_space<vmem>>, vector<64x128xf32>
    %reshape3A_556 = vector.shape_cast %get3A_555 : vector<64x128xf32> to vector<128x64xf32>
    %dot_general3A_557 = arith.constant dense<0.000000e+00> : vector<64x128xf32>
    %dot_general3A_558 = tpu.matmul %reshape3A_556, %convert_element_type3A_1, %dot_general3A_557 {dimension_numbers = #tpu.dot_dimension_numbers<[0], [0], [1], [1], [0, 1, 1, 1], [], []>, transpose_lhs_hint = false} : vector<128x64xf32>, vector<128x128xf32>, vector<64x128xf32> -> vector<64x128xf32>
    %reshape3A_559 = vector.shape_cast %dot_general3A_558 : vector<64x128xf32> to vector<8x8x128xf32>
    %swap3A_560 = arith.constant 0 : index
    %swap3A_561 = arith.constant 0 : index
    %swap3A_562 = arith.constant 37 : index
    %swap3A_563 = arith.constant 0 : index
    %swap3A_564 = arith.constant 0 : index
    %swap3A_565 = vector.load %arg3[%swap3A_560, %swap3A_561, %swap3A_562, %swap3A_563, %swap3A_564] : memref<1x8x128x8x128xf32, #tpu.memory_space<vmem>>, vector<1x8x1x8x128xf32>
    %swap3A_566 = vector.shape_cast %swap3A_565 : vector<1x8x1x8x128xf32> to vector<8x8x128xf32>
    %swap3A_567 = vector.shape_cast %reshape3A_559 : vector<8x8x128xf32> to vector<1x8x1x8x128xf32>
    tpu.vector_store %arg3[%swap3A_560, %swap3A_561, %swap3A_562, %swap3A_563, %swap3A_564], %swap3A_567 {strides = array<i32>} : memref<1x8x128x8x128xf32, #tpu.memory_space<vmem>>, vector<1x8x1x8x128xf32>,
    %get3A_568 = arith.constant 2432 : index
    %get3A_569 = arith.constant 0 : index
    %get3A_570 = vector.load %arg2[%get3A_568, %get3A_569] : memref<8192x128xf32, #tpu.memory_space<vmem>>, vector<64x128xf32>
    %reshape3A_571 = vector.shape_cast %get3A_570 : vector<64x128xf32> to vector<128x64xf32>
    %dot_general3A_572 = arith.constant dense<0.000000e+00> : vector<64x128xf32>
    %dot_general3A_573 = tpu.matmul %reshape3A_571, %convert_element_type3A_1, %dot_general3A_572 {dimension_numbers = #tpu.dot_dimension_numbers<[0], [0], [1], [1], [0, 1, 1, 1], [], []>, transpose_lhs_hint = false} : vector<128x64xf32>, vector<128x128xf32>, vector<64x128xf32> -> vector<64x128xf32>
    %reshape3A_574 = vector.shape_cast %dot_general3A_573 : vector<64x128xf32> to vector<8x8x128xf32>
    %swap3A_575 = arith.constant 0 : index
    %swap3A_576 = arith.constant 0 : index
    %swap3A_577 = arith.constant 38 : index
    %swap3A_578 = arith.constant 0 : index
    %swap3A_579 = arith.constant 0 : index
    %swap3A_580 = vector.load %arg3[%swap3A_575, %swap3A_576, %swap3A_577, %swap3A_578, %swap3A_579] : memref<1x8x128x8x128xf32, #tpu.memory_space<vmem>>, vector<1x8x1x8x128xf32>
    %swap3A_581 = vector.shape_cast %swap3A_580 : vector<1x8x1x8x128xf32> to vector<8x8x128xf32>
    %swap3A_582 = vector.shape_cast %reshape3A_574 : vector<8x8x128xf32> to vector<1x8x1x8x128xf32>
    tpu.vector_store %arg3[%swap3A_575, %swap3A_576, %swap3A_577, %swap3A_578, %swap3A_579], %swap3A_582 {strides = array<i32>} : memref<1x8x128x8x128xf32, #tpu.memory_space<vmem>>, vector<1x8x1x8x128xf32>,
    %get3A_583 = arith.constant 2496 : index
    %get3A_584 = arith.constant 0 : index
    %get3A_585 = vector.load %arg2[%get3A_583, %get3A_584] : memref<8192x128xf32, #tpu.memory_space<vmem>>, vector<64x128xf32>
    %reshape3A_586 = vector.shape_cast %get3A_585 : vector<64x128xf32> to vector<128x64xf32>
    %dot_general3A_587 = arith.constant dense<0.000000e+00> : vector<64x128xf32>
    %dot_general3A_588 = tpu.matmul %reshape3A_586, %convert_element_type3A_1, %dot_general3A_587 {dimension_numbers = #tpu.dot_dimension_numbers<[0], [0], [1], [1], [0, 1, 1, 1], [], []>, transpose_lhs_hint = false} : vector<128x64xf32>, vector<128x128xf32>, vector<64x128xf32> -> vector<64x128xf32>
    %reshape3A_589 = vector.shape_cast %dot_general3A_588 : vector<64x128xf32> to vector<8x8x128xf32>
    %swap3A_590 = arith.constant 0 : index
    %swap3A_591 = arith.constant 0 : index
    %swap3A_592 = arith.constant 39 : index
    %swap3A_593 = arith.constant 0 : index
    %swap3A_594 = arith.constant 0 : index
    %swap3A_595 = vector.load %arg3[%swap3A_590, %swap3A_591, %swap3A_592, %swap3A_593, %swap3A_594] : memref<1x8x128x8x128xf32, #tpu.memory_space<vmem>>, vector<1x8x1x8x128xf32>
    %swap3A_596 = vector.shape_cast %swap3A_595 : vector<1x8x1x8x128xf32> to vector<8x8x128xf32>
    %swap3A_597 = vector.shape_cast %reshape3A_589 : vector<8x8x128xf32> to vector<1x8x1x8x128xf32>
    tpu.vector_store %arg3[%swap3A_590, %swap3A_591, %swap3A_592, %swap3A_593, %swap3A_594], %swap3A_597 {strides = array<i32>} : memref<1x8x128x8x128xf32, #tpu.memory_space<vmem>>, vector<1x8x1x8x128xf32>,
    %get3A_598 = arith.constant 2560 : index
    %get3A_599 = arith.constant 0 : index
    %get3A_600 = vector.load %arg2[%get3A_598, %get3A_599] : memref<8192x128xf32, #tpu.memory_space<vmem>>, vector<64x128xf32>
    %reshape3A_601 = vector.shape_cast %get3A_600 : vector<64x128xf32> to vector<128x64xf32>
    %dot_general3A_602 = arith.constant dense<0.000000e+00> : vector<64x128xf32>
    %dot_general3A_603 = tpu.matmul %reshape3A_601, %convert_element_type3A_1, %dot_general3A_602 {dimension_numbers = #tpu.dot_dimension_numbers<[0], [0], [1], [1], [0, 1, 1, 1], [], []>, transpose_lhs_hint = false} : vector<128x64xf32>, vector<128x128xf32>, vector<64x128xf32> -> vector<64x128xf32>
    %reshape3A_604 = vector.shape_cast %dot_general3A_603 : vector<64x128xf32> to vector<8x8x128xf32>
    %swap3A_605 = arith.constant 0 : index
    %swap3A_606 = arith.constant 0 : index
    %swap3A_607 = arith.constant 40 : index
    %swap3A_608 = arith.constant 0 : index
    %swap3A_609 = arith.constant 0 : index
    %swap3A_610 = vector.load %arg3[%swap3A_605, %swap3A_606, %swap3A_607, %swap3A_608, %swap3A_609] : memref<1x8x128x8x128xf32, #tpu.memory_space<vmem>>, vector<1x8x1x8x128xf32>
    %swap3A_611 = vector.shape_cast %swap3A_610 : vector<1x8x1x8x128xf32> to vector<8x8x128xf32>
    %swap3A_612 = vector.shape_cast %reshape3A_604 : vector<8x8x128xf32> to vector<1x8x1x8x128xf32>
    tpu.vector_store %arg3[%swap3A_605, %swap3A_606, %swap3A_607, %swap3A_608, %swap3A_609], %swap3A_612 {strides = array<i32>} : memref<1x8x128x8x128xf32, #tpu.memory_space<vmem>>, vector<1x8x1x8x128xf32>,
    %get3A_613 = arith.constant 2624 : index
    %get3A_614 = arith.constant 0 : index
    %get3A_615 = vector.load %arg2[%get3A_613, %get3A_614] : memref<8192x128xf32, #tpu.memory_space<vmem>>, vector<64x128xf32>
    %reshape3A_616 = vector.shape_cast %get3A_615 : vector<64x128xf32> to vector<128x64xf32>
    %dot_general3A_617 = arith.constant dense<0.000000e+00> : vector<64x128xf32>
    %dot_general3A_618 = tpu.matmul %reshape3A_616, %convert_element_type3A_1, %dot_general3A_617 {dimension_numbers = #tpu.dot_dimension_numbers<[0], [0], [1], [1], [0, 1, 1, 1], [], []>, transpose_lhs_hint = false} : vector<128x64xf32>, vector<128x128xf32>, vector<64x128xf32> -> vector<64x128xf32>
    %reshape3A_619 = vector.shape_cast %dot_general3A_618 : vector<64x128xf32> to vector<8x8x128xf32>
    %swap3A_620 = arith.constant 0 : index
    %swap3A_621 = arith.constant 0 : index
    %swap3A_622 = arith.constant 41 : index
    %swap3A_623 = arith.constant 0 : index
    %swap3A_624 = arith.constant 0 : index
    %swap3A_625 = vector.load %arg3[%swap3A_620, %swap3A_621, %swap3A_622, %swap3A_623, %swap3A_624] : memref<1x8x128x8x128xf32, #tpu.memory_space<vmem>>, vector<1x8x1x8x128xf32>
    %swap3A_626 = vector.shape_cast %swap3A_625 : vector<1x8x1x8x128xf32> to vector<8x8x128xf32>
    %swap3A_627 = vector.shape_cast %reshape3A_619 : vector<8x8x128xf32> to vector<1x8x1x8x128xf32>
    tpu.vector_store %arg3[%swap3A_620, %swap3A_621, %swap3A_622, %swap3A_623, %swap3A_624], %swap3A_627 {strides = array<i32>} : memref<1x8x128x8x128xf32, #tpu.memory_space<vmem>>, vector<1x8x1x8x128xf32>,
    %get3A_628 = arith.constant 2688 : index
    %get3A_629 = arith.constant 0 : index
    %get3A_630 = vector.load %arg2[%get3A_628, %get3A_629] : memref<8192x128xf32, #tpu.memory_space<vmem>>, vector<64x128xf32>
    %reshape3A_631 = vector.shape_cast %get3A_630 : vector<64x128xf32> to vector<128x64xf32>
    %dot_general3A_632 = arith.constant dense<0.000000e+00> : vector<64x128xf32>
    %dot_general3A_633 = tpu.matmul %reshape3A_631, %convert_element_type3A_1, %dot_general3A_632 {dimension_numbers = #tpu.dot_dimension_numbers<[0], [0], [1], [1], [0, 1, 1, 1], [], []>, transpose_lhs_hint = false} : vector<128x64xf32>, vector<128x128xf32>, vector<64x128xf32> -> vector<64x128xf32>
    %reshape3A_634 = vector.shape_cast %dot_general3A_633 : vector<64x128xf32> to vector<8x8x128xf32>
    %swap3A_635 = arith.constant 0 : index
    %swap3A_636 = arith.constant 0 : index
    %swap3A_637 = arith.constant 42 : index
    %swap3A_638 = arith.constant 0 : index
    %swap3A_639 = arith.constant 0 : index
    %swap3A_640 = vector.load %arg3[%swap3A_635, %swap3A_636, %swap3A_637, %swap3A_638, %swap3A_639] : memref<1x8x128x8x128xf32, #tpu.memory_space<vmem>>, vector<1x8x1x8x128xf32>
    %swap3A_641 = vector.shape_cast %swap3A_640 : vector<1x8x1x8x128xf32> to vector<8x8x128xf32>
    %swap3A_642 = vector.shape_cast %reshape3A_634 : vector<8x8x128xf32> to vector<1x8x1x8x128xf32>
    tpu.vector_store %arg3[%swap3A_635, %swap3A_636, %swap3A_637, %swap3A_638, %swap3A_639], %swap3A_642 {strides = array<i32>} : memref<1x8x128x8x128xf32, #tpu.memory_space<vmem>>, vector<1x8x1x8x128xf32>,
    %get3A_643 = arith.constant 2752 : index
    %get3A_644 = arith.constant 0 : index
    %get3A_645 = vector.load %arg2[%get3A_643, %get3A_644] : memref<8192x128xf32, #tpu.memory_space<vmem>>, vector<64x128xf32>
    %reshape3A_646 = vector.shape_cast %get3A_645 : vector<64x128xf32> to vector<128x64xf32>
    %dot_general3A_647 = arith.constant dense<0.000000e+00> : vector<64x128xf32>
    %dot_general3A_648 = tpu.matmul %reshape3A_646, %convert_element_type3A_1, %dot_general3A_647 {dimension_numbers = #tpu.dot_dimension_numbers<[0], [0], [1], [1], [0, 1, 1, 1], [], []>, transpose_lhs_hint = false} : vector<128x64xf32>, vector<128x128xf32>, vector<64x128xf32> -> vector<64x128xf32>
    %reshape3A_649 = vector.shape_cast %dot_general3A_648 : vector<64x128xf32> to vector<8x8x128xf32>
    %swap3A_650 = arith.constant 0 : index
    %swap3A_651 = arith.constant 0 : index
    %swap3A_652 = arith.constant 43 : index
    %swap3A_653 = arith.constant 0 : index
    %swap3A_654 = arith.constant 0 : index
    %swap3A_655 = vector.load %arg3[%swap3A_650, %swap3A_651, %swap3A_652, %swap3A_653, %swap3A_654] : memref<1x8x128x8x128xf32, #tpu.memory_space<vmem>>, vector<1x8x1x8x128xf32>
    %swap3A_656 = vector.shape_cast %swap3A_655 : vector<1x8x1x8x128xf32> to vector<8x8x128xf32>
    %swap3A_657 = vector.shape_cast %reshape3A_649 : vector<8x8x128xf32> to vector<1x8x1x8x128xf32>
    tpu.vector_store %arg3[%swap3A_650, %swap3A_651, %swap3A_652, %swap3A_653, %swap3A_654], %swap3A_657 {strides = array<i32>} : memref<1x8x128x8x128xf32, #tpu.memory_space<vmem>>, vector<1x8x1x8x128xf32>,
    %get3A_658 = arith.constant 2816 : index
    %get3A_659 = arith.constant 0 : index
    %get3A_660 = vector.load %arg2[%get3A_658, %get3A_659] : memref<8192x128xf32, #tpu.memory_space<vmem>>, vector<64x128xf32>
    %reshape3A_661 = vector.shape_cast %get3A_660 : vector<64x128xf32> to vector<128x64xf32>
    %dot_general3A_662 = arith.constant dense<0.000000e+00> : vector<64x128xf32>
    %dot_general3A_663 = tpu.matmul %reshape3A_661, %convert_element_type3A_1, %dot_general3A_662 {dimension_numbers = #tpu.dot_dimension_numbers<[0], [0], [1], [1], [0, 1, 1, 1], [], []>, transpose_lhs_hint = false} : vector<128x64xf32>, vector<128x128xf32>, vector<64x128xf32> -> vector<64x128xf32>
    %reshape3A_664 = vector.shape_cast %dot_general3A_663 : vector<64x128xf32> to vector<8x8x128xf32>
    %swap3A_665 = arith.constant 0 : index
    %swap3A_666 = arith.constant 0 : index
    %swap3A_667 = arith.constant 44 : index
    %swap3A_668 = arith.constant 0 : index
    %swap3A_669 = arith.constant 0 : index
    %swap3A_670 = vector.load %arg3[%swap3A_665, %swap3A_666, %swap3A_667, %swap3A_668, %swap3A_669] : memref<1x8x128x8x128xf32, #tpu.memory_space<vmem>>, vector<1x8x1x8x128xf32>
    %swap3A_671 = vector.shape_cast %swap3A_670 : vector<1x8x1x8x128xf32> to vector<8x8x128xf32>
    %swap3A_672 = vector.shape_cast %reshape3A_664 : vector<8x8x128xf32> to vector<1x8x1x8x128xf32>
    tpu.vector_store %arg3[%swap3A_665, %swap3A_666, %swap3A_667, %swap3A_668, %swap3A_669], %swap3A_672 {strides = array<i32>} : memref<1x8x128x8x128xf32, #tpu.memory_space<vmem>>, vector<1x8x1x8x128xf32>,
    %get3A_673 = arith.constant 2880 : index
    %get3A_674 = arith.constant 0 : index
    %get3A_675 = vector.load %arg2[%get3A_673, %get3A_674] : memref<8192x128xf32, #tpu.memory_space<vmem>>, vector<64x128xf32>
    %reshape3A_676 = vector.shape_cast %get3A_675 : vector<64x128xf32> to vector<128x64xf32>
    %dot_general3A_677 = arith.constant dense<0.000000e+00> : vector<64x128xf32>
    %dot_general3A_678 = tpu.matmul %reshape3A_676, %convert_element_type3A_1, %dot_general3A_677 {dimension_numbers = #tpu.dot_dimension_numbers<[0], [0], [1], [1], [0, 1, 1, 1], [], []>, transpose_lhs_hint = false} : vector<128x64xf32>, vector<128x128xf32>, vector<64x128xf32> -> vector<64x128xf32>
    %reshape3A_679 = vector.shape_cast %dot_general3A_678 : vector<64x128xf32> to vector<8x8x128xf32>
    %swap3A_680 = arith.constant 0 : index
    %swap3A_681 = arith.constant 0 : index
    %swap3A_682 = arith.constant 45 : index
    %swap3A_683 = arith.constant 0 : index
    %swap3A_684 = arith.constant 0 : index
    %swap3A_685 = vector.load %arg3[%swap3A_680, %swap3A_681, %swap3A_682, %swap3A_683, %swap3A_684] : memref<1x8x128x8x128xf32, #tpu.memory_space<vmem>>, vector<1x8x1x8x128xf32>
    %swap3A_686 = vector.shape_cast %swap3A_685 : vector<1x8x1x8x128xf32> to vector<8x8x128xf32>
    %swap3A_687 = vector.shape_cast %reshape3A_679 : vector<8x8x128xf32> to vector<1x8x1x8x128xf32>
    tpu.vector_store %arg3[%swap3A_680, %swap3A_681, %swap3A_682, %swap3A_683, %swap3A_684], %swap3A_687 {strides = array<i32>} : memref<1x8x128x8x128xf32, #tpu.memory_space<vmem>>, vector<1x8x1x8x128xf32>,
    %get3A_688 = arith.constant 2944 : index
    %get3A_689 = arith.constant 0 : index
    %get3A_690 = vector.load %arg2[%get3A_688, %get3A_689] : memref<8192x128xf32, #tpu.memory_space<vmem>>, vector<64x128xf32>
    %reshape3A_691 = vector.shape_cast %get3A_690 : vector<64x128xf32> to vector<128x64xf32>
    %dot_general3A_692 = arith.constant dense<0.000000e+00> : vector<64x128xf32>
    %dot_general3A_693 = tpu.matmul %reshape3A_691, %convert_element_type3A_1, %dot_general3A_692 {dimension_numbers = #tpu.dot_dimension_numbers<[0], [0], [1], [1], [0, 1, 1, 1], [], []>, transpose_lhs_hint = false} : vector<128x64xf32>, vector<128x128xf32>, vector<64x128xf32> -> vector<64x128xf32>
    %reshape3A_694 = vector.shape_cast %dot_general3A_693 : vector<64x128xf32> to vector<8x8x128xf32>
    %swap3A_695 = arith.constant 0 : index
    %swap3A_696 = arith.constant 0 : index
    %swap3A_697 = arith.constant 46 : index
    %swap3A_698 = arith.constant 0 : index
    %swap3A_699 = arith.constant 0 : index
    %swap3A_700 = vector.load %arg3[%swap3A_695, %swap3A_696, %swap3A_697, %swap3A_698, %swap3A_699] : memref<1x8x128x8x128xf32, #tpu.memory_space<vmem>>, vector<1x8x1x8x128xf32>
    %swap3A_701 = vector.shape_cast %swap3A_700 : vector<1x8x1x8x128xf32> to vector<8x8x128xf32>
    %swap3A_702 = vector.shape_cast %reshape3A_694 : vector<8x8x128xf32> to vector<1x8x1x8x128xf32>
    tpu.vector_store %arg3[%swap3A_695, %swap3A_696, %swap3A_697, %swap3A_698, %swap3A_699], %swap3A_702 {strides = array<i32>} : memref<1x8x128x8x128xf32, #tpu.memory_space<vmem>>, vector<1x8x1x8x128xf32>,
    %get3A_703 = arith.constant 3008 : index
    %get3A_704 = arith.constant 0 : index
    %get3A_705 = vector.load %arg2[%get3A_703, %get3A_704] : memref<8192x128xf32, #tpu.memory_space<vmem>>, vector<64x128xf32>
    %reshape3A_706 = vector.shape_cast %get3A_705 : vector<64x128xf32> to vector<128x64xf32>
    %dot_general3A_707 = arith.constant dense<0.000000e+00> : vector<64x128xf32>
    %dot_general3A_708 = tpu.matmul %reshape3A_706, %convert_element_type3A_1, %dot_general3A_707 {dimension_numbers = #tpu.dot_dimension_numbers<[0], [0], [1], [1], [0, 1, 1, 1], [], []>, transpose_lhs_hint = false} : vector<128x64xf32>, vector<128x128xf32>, vector<64x128xf32> -> vector<64x128xf32>
    %reshape3A_709 = vector.shape_cast %dot_general3A_708 : vector<64x128xf32> to vector<8x8x128xf32>
    %swap3A_710 = arith.constant 0 : index
    %swap3A_711 = arith.constant 0 : index
    %swap3A_712 = arith.constant 47 : index
    %swap3A_713 = arith.constant 0 : index
    %swap3A_714 = arith.constant 0 : index
    %swap3A_715 = vector.load %arg3[%swap3A_710, %swap3A_711, %swap3A_712, %swap3A_713, %swap3A_714] : memref<1x8x128x8x128xf32, #tpu.memory_space<vmem>>, vector<1x8x1x8x128xf32>
    %swap3A_716 = vector.shape_cast %swap3A_715 : vector<1x8x1x8x128xf32> to vector<8x8x128xf32>
    %swap3A_717 = vector.shape_cast %reshape3A_709 : vector<8x8x128xf32> to vector<1x8x1x8x128xf32>
    tpu.vector_store %arg3[%swap3A_710, %swap3A_711, %swap3A_712, %swap3A_713, %swap3A_714], %swap3A_717 {strides = array<i32>} : memref<1x8x128x8x128xf32, #tpu.memory_space<vmem>>, vector<1x8x1x8x128xf32>,
    %get3A_718 = arith.constant 3072 : index
    %get3A_719 = arith.constant 0 : index
    %get3A_720 = vector.load %arg2[%get3A_718, %get3A_719] : memref<8192x128xf32, #tpu.memory_space<vmem>>, vector<64x128xf32>
    %reshape3A_721 = vector.shape_cast %get3A_720 : vector<64x128xf32> to vector<128x64xf32>
    %dot_general3A_722 = arith.constant dense<0.000000e+00> : vector<64x128xf32>
    %dot_general3A_723 = tpu.matmul %reshape3A_721, %convert_element_type3A_1, %dot_general3A_722 {dimension_numbers = #tpu.dot_dimension_numbers<[0], [0], [1], [1], [0, 1, 1, 1], [], []>, transpose_lhs_hint = false} : vector<128x64xf32>, vector<128x128xf32>, vector<64x128xf32> -> vector<64x128xf32>
    %reshape3A_724 = vector.shape_cast %dot_general3A_723 : vector<64x128xf32> to vector<8x8x128xf32>
    %swap3A_725 = arith.constant 0 : index
    %swap3A_726 = arith.constant 0 : index
    %swap3A_727 = arith.constant 48 : index
    %swap3A_728 = arith.constant 0 : index
    %swap3A_729 = arith.constant 0 : index
    %swap3A_730 = vector.load %arg3[%swap3A_725, %swap3A_726, %swap3A_727, %swap3A_728, %swap3A_729] : memref<1x8x128x8x128xf32, #tpu.memory_space<vmem>>, vector<1x8x1x8x128xf32>
    %swap3A_731 = vector.shape_cast %swap3A_730 : vector<1x8x1x8x128xf32> to vector<8x8x128xf32>
    %swap3A_732 = vector.shape_cast %reshape3A_724 : vector<8x8x128xf32> to vector<1x8x1x8x128xf32>
    tpu.vector_store %arg3[%swap3A_725, %swap3A_726, %swap3A_727, %swap3A_728, %swap3A_729], %swap3A_732 {strides = array<i32>} : memref<1x8x128x8x128xf32, #tpu.memory_space<vmem>>, vector<1x8x1x8x128xf32>,
    %get3A_733 = arith.constant 3136 : index
    %get3A_734 = arith.constant 0 : index
    %get3A_735 = vector.load %arg2[%get3A_733, %get3A_734] : memref<8192x128xf32, #tpu.memory_space<vmem>>, vector<64x128xf32>
    %reshape3A_736 = vector.shape_cast %get3A_735 : vector<64x128xf32> to vector<128x64xf32>
    %dot_general3A_737 = arith.constant dense<0.000000e+00> : vector<64x128xf32>
    %dot_general3A_738 = tpu.matmul %reshape3A_736, %convert_element_type3A_1, %dot_general3A_737 {dimension_numbers = #tpu.dot_dimension_numbers<[0], [0], [1], [1], [0, 1, 1, 1], [], []>, transpose_lhs_hint = false} : vector<128x64xf32>, vector<128x128xf32>, vector<64x128xf32> -> vector<64x128xf32>
    %reshape3A_739 = vector.shape_cast %dot_general3A_738 : vector<64x128xf32> to vector<8x8x128xf32>
    %swap3A_740 = arith.constant 0 : index
    %swap3A_741 = arith.constant 0 : index
    %swap3A_742 = arith.constant 49 : index
    %swap3A_743 = arith.constant 0 : index
    %swap3A_744 = arith.constant 0 : index
    %swap3A_745 = vector.load %arg3[%swap3A_740, %swap3A_741, %swap3A_742, %swap3A_743, %swap3A_744] : memref<1x8x128x8x128xf32, #tpu.memory_space<vmem>>, vector<1x8x1x8x128xf32>
    %swap3A_746 = vector.shape_cast %swap3A_745 : vector<1x8x1x8x128xf32> to vector<8x8x128xf32>
    %swap3A_747 = vector.shape_cast %reshape3A_739 : vector<8x8x128xf32> to vector<1x8x1x8x128xf32>
    tpu.vector_store %arg3[%swap3A_740, %swap3A_741, %swap3A_742, %swap3A_743, %swap3A_744], %swap3A_747 {strides = array<i32>} : memref<1x8x128x8x128xf32, #tpu.memory_space<vmem>>, vector<1x8x1x8x128xf32>,
    %get3A_748 = arith.constant 3200 : index
    %get3A_749 = arith.constant 0 : index
    %get3A_750 = vector.load %arg2[%get3A_748, %get3A_749] : memref<8192x128xf32, #tpu.memory_space<vmem>>, vector<64x128xf32>
    %reshape3A_751 = vector.shape_cast %get3A_750 : vector<64x128xf32> to vector<128x64xf32>
    %dot_general3A_752 = arith.constant dense<0.000000e+00> : vector<64x128xf32>
    %dot_general3A_753 = tpu.matmul %reshape3A_751, %convert_element_type3A_1, %dot_general3A_752 {dimension_numbers = #tpu.dot_dimension_numbers<[0], [0], [1], [1], [0, 1, 1, 1], [], []>, transpose_lhs_hint = false} : vector<128x64xf32>, vector<128x128xf32>, vector<64x128xf32> -> vector<64x128xf32>
    %reshape3A_754 = vector.shape_cast %dot_general3A_753 : vector<64x128xf32> to vector<8x8x128xf32>
    %swap3A_755 = arith.constant 0 : index
    %swap3A_756 = arith.constant 0 : index
    %swap3A_757 = arith.constant 50 : index
    %swap3A_758 = arith.constant 0 : index
    %swap3A_759 = arith.constant 0 : index
    %swap3A_760 = vector.load %arg3[%swap3A_755, %swap3A_756, %swap3A_757, %swap3A_758, %swap3A_759] : memref<1x8x128x8x128xf32, #tpu.memory_space<vmem>>, vector<1x8x1x8x128xf32>
    %swap3A_761 = vector.shape_cast %swap3A_760 : vector<1x8x1x8x128xf32> to vector<8x8x128xf32>
    %swap3A_762 = vector.shape_cast %reshape3A_754 : vector<8x8x128xf32> to vector<1x8x1x8x128xf32>
    tpu.vector_store %arg3[%swap3A_755, %swap3A_756, %swap3A_757, %swap3A_758, %swap3A_759], %swap3A_762 {strides = array<i32>} : memref<1x8x128x8x128xf32, #tpu.memory_space<vmem>>, vector<1x8x1x8x128xf32>,
    %get3A_763 = arith.constant 3264 : index
    %get3A_764 = arith.constant 0 : index
    %get3A_765 = vector.load %arg2[%get3A_763, %get3A_764] : memref<8192x128xf32, #tpu.memory_space<vmem>>, vector<64x128xf32>
    %reshape3A_766 = vector.shape_cast %get3A_765 : vector<64x128xf32> to vector<128x64xf32>
    %dot_general3A_767 = arith.constant dense<0.000000e+00> : vector<64x128xf32>
    %dot_general3A_768 = tpu.matmul %reshape3A_766, %convert_element_type3A_1, %dot_general3A_767 {dimension_numbers = #tpu.dot_dimension_numbers<[0], [0], [1], [1], [0, 1, 1, 1], [], []>, transpose_lhs_hint = false} : vector<128x64xf32>, vector<128x128xf32>, vector<64x128xf32> -> vector<64x128xf32>
    %reshape3A_769 = vector.shape_cast %dot_general3A_768 : vector<64x128xf32> to vector<8x8x128xf32>
    %swap3A_770 = arith.constant 0 : index
    %swap3A_771 = arith.constant 0 : index
    %swap3A_772 = arith.constant 51 : index
    %swap3A_773 = arith.constant 0 : index
    %swap3A_774 = arith.constant 0 : index
    %swap3A_775 = vector.load %arg3[%swap3A_770, %swap3A_771, %swap3A_772, %swap3A_773, %swap3A_774] : memref<1x8x128x8x128xf32, #tpu.memory_space<vmem>>, vector<1x8x1x8x128xf32>
    %swap3A_776 = vector.shape_cast %swap3A_775 : vector<1x8x1x8x128xf32> to vector<8x8x128xf32>
    %swap3A_777 = vector.shape_cast %reshape3A_769 : vector<8x8x128xf32> to vector<1x8x1x8x128xf32>
    tpu.vector_store %arg3[%swap3A_770, %swap3A_771, %swap3A_772, %swap3A_773, %swap3A_774], %swap3A_777 {strides = array<i32>} : memref<1x8x128x8x128xf32, #tpu.memory_space<vmem>>, vector<1x8x1x8x128xf32>,
    %get3A_778 = arith.constant 3328 : index
    %get3A_779 = arith.constant 0 : index
    %get3A_780 = vector.load %arg2[%get3A_778, %get3A_779] : memref<8192x128xf32, #tpu.memory_space<vmem>>, vector<64x128xf32>
    %reshape3A_781 = vector.shape_cast %get3A_780 : vector<64x128xf32> to vector<128x64xf32>
    %dot_general3A_782 = arith.constant dense<0.000000e+00> : vector<64x128xf32>
    %dot_general3A_783 = tpu.matmul %reshape3A_781, %convert_element_type3A_1, %dot_general3A_782 {dimension_numbers = #tpu.dot_dimension_numbers<[0], [0], [1], [1], [0, 1, 1, 1], [], []>, transpose_lhs_hint = false} : vector<128x64xf32>, vector<128x128xf32>, vector<64x128xf32> -> vector<64x128xf32>
    %reshape3A_784 = vector.shape_cast %dot_general3A_783 : vector<64x128xf32> to vector<8x8x128xf32>
    %swap3A_785 = arith.constant 0 : index
    %swap3A_786 = arith.constant 0 : index
    %swap3A_787 = arith.constant 52 : index
    %swap3A_788 = arith.constant 0 : index
    %swap3A_789 = arith.constant 0 : index
    %swap3A_790 = vector.load %arg3[%swap3A_785, %swap3A_786, %swap3A_787, %swap3A_788, %swap3A_789] : memref<1x8x128x8x128xf32, #tpu.memory_space<vmem>>, vector<1x8x1x8x128xf32>
    %swap3A_791 = vector.shape_cast %swap3A_790 : vector<1x8x1x8x128xf32> to vector<8x8x128xf32>
    %swap3A_792 = vector.shape_cast %reshape3A_784 : vector<8x8x128xf32> to vector<1x8x1x8x128xf32>
    tpu.vector_store %arg3[%swap3A_785, %swap3A_786, %swap3A_787, %swap3A_788, %swap3A_789], %swap3A_792 {strides = array<i32>} : memref<1x8x128x8x128xf32, #tpu.memory_space<vmem>>, vector<1x8x1x8x128xf32>,
    %get3A_793 = arith.constant 3392 : index
    %get3A_794 = arith.constant 0 : index
    %get3A_795 = vector.load %arg2[%get3A_793, %get3A_794] : memref<8192x128xf32, #tpu.memory_space<vmem>>, vector<64x128xf32>
    %reshape3A_796 = vector.shape_cast %get3A_795 : vector<64x128xf32> to vector<128x64xf32>
    %dot_general3A_797 = arith.constant dense<0.000000e+00> : vector<64x128xf32>
    %dot_general3A_798 = tpu.matmul %reshape3A_796, %convert_element_type3A_1, %dot_general3A_797 {dimension_numbers = #tpu.dot_dimension_numbers<[0], [0], [1], [1], [0, 1, 1, 1], [], []>, transpose_lhs_hint = false} : vector<128x64xf32>, vector<128x128xf32>, vector<64x128xf32> -> vector<64x128xf32>
    %reshape3A_799 = vector.shape_cast %dot_general3A_798 : vector<64x128xf32> to vector<8x8x128xf32>
    %swap3A_800 = arith.constant 0 : index
    %swap3A_801 = arith.constant 0 : index
    %swap3A_802 = arith.constant 53 : index
    %swap3A_803 = arith.constant 0 : index
    %swap3A_804 = arith.constant 0 : index
    %swap3A_805 = vector.load %arg3[%swap3A_800, %swap3A_801, %swap3A_802, %swap3A_803, %swap3A_804] : memref<1x8x128x8x128xf32, #tpu.memory_space<vmem>>, vector<1x8x1x8x128xf32>
    %swap3A_806 = vector.shape_cast %swap3A_805 : vector<1x8x1x8x128xf32> to vector<8x8x128xf32>
    %swap3A_807 = vector.shape_cast %reshape3A_799 : vector<8x8x128xf32> to vector<1x8x1x8x128xf32>
    tpu.vector_store %arg3[%swap3A_800, %swap3A_801, %swap3A_802, %swap3A_803, %swap3A_804], %swap3A_807 {strides = array<i32>} : memref<1x8x128x8x128xf32, #tpu.memory_space<vmem>>, vector<1x8x1x8x128xf32>,
    %get3A_808 = arith.constant 3456 : index
    %get3A_809 = arith.constant 0 : index
    %get3A_810 = vector.load %arg2[%get3A_808, %get3A_809] : memref<8192x128xf32, #tpu.memory_space<vmem>>, vector<64x128xf32>
    %reshape3A_811 = vector.shape_cast %get3A_810 : vector<64x128xf32> to vector<128x64xf32>
    %dot_general3A_812 = arith.constant dense<0.000000e+00> : vector<64x128xf32>
    %dot_general3A_813 = tpu.matmul %reshape3A_811, %convert_element_type3A_1, %dot_general3A_812 {dimension_numbers = #tpu.dot_dimension_numbers<[0], [0], [1], [1], [0, 1, 1, 1], [], []>, transpose_lhs_hint = false} : vector<128x64xf32>, vector<128x128xf32>, vector<64x128xf32> -> vector<64x128xf32>
    %reshape3A_814 = vector.shape_cast %dot_general3A_813 : vector<64x128xf32> to vector<8x8x128xf32>
    %swap3A_815 = arith.constant 0 : index
    %swap3A_816 = arith.constant 0 : index
    %swap3A_817 = arith.constant 54 : index
    %swap3A_818 = arith.constant 0 : index
    %swap3A_819 = arith.constant 0 : index
    %swap3A_820 = vector.load %arg3[%swap3A_815, %swap3A_816, %swap3A_817, %swap3A_818, %swap3A_819] : memref<1x8x128x8x128xf32, #tpu.memory_space<vmem>>, vector<1x8x1x8x128xf32>
    %swap3A_821 = vector.shape_cast %swap3A_820 : vector<1x8x1x8x128xf32> to vector<8x8x128xf32>
    %swap3A_822 = vector.shape_cast %reshape3A_814 : vector<8x8x128xf32> to vector<1x8x1x8x128xf32>
    tpu.vector_store %arg3[%swap3A_815, %swap3A_816, %swap3A_817, %swap3A_818, %swap3A_819], %swap3A_822 {strides = array<i32>} : memref<1x8x128x8x128xf32, #tpu.memory_space<vmem>>, vector<1x8x1x8x128xf32>,
    %get3A_823 = arith.constant 3520 : index
    %get3A_824 = arith.constant 0 : index
    %get3A_825 = vector.load %arg2[%get3A_823, %get3A_824] : memref<8192x128xf32, #tpu.memory_space<vmem>>, vector<64x128xf32>
    %reshape3A_826 = vector.shape_cast %get3A_825 : vector<64x128xf32> to vector<128x64xf32>
    %dot_general3A_827 = arith.constant dense<0.000000e+00> : vector<64x128xf32>
    %dot_general3A_828 = tpu.matmul %reshape3A_826, %convert_element_type3A_1, %dot_general3A_827 {dimension_numbers = #tpu.dot_dimension_numbers<[0], [0], [1], [1], [0, 1, 1, 1], [], []>, transpose_lhs_hint = false} : vector<128x64xf32>, vector<128x128xf32>, vector<64x128xf32> -> vector<64x128xf32>
    %reshape3A_829 = vector.shape_cast %dot_general3A_828 : vector<64x128xf32> to vector<8x8x128xf32>
    %swap3A_830 = arith.constant 0 : index
    %swap3A_831 = arith.constant 0 : index
    %swap3A_832 = arith.constant 55 : index
    %swap3A_833 = arith.constant 0 : index
    %swap3A_834 = arith.constant 0 : index
    %swap3A_835 = vector.load %arg3[%swap3A_830, %swap3A_831, %swap3A_832, %swap3A_833, %swap3A_834] : memref<1x8x128x8x128xf32, #tpu.memory_space<vmem>>, vector<1x8x1x8x128xf32>
    %swap3A_836 = vector.shape_cast %swap3A_835 : vector<1x8x1x8x128xf32> to vector<8x8x128xf32>
    %swap3A_837 = vector.shape_cast %reshape3A_829 : vector<8x8x128xf32> to vector<1x8x1x8x128xf32>
    tpu.vector_store %arg3[%swap3A_830, %swap3A_831, %swap3A_832, %swap3A_833, %swap3A_834], %swap3A_837 {strides = array<i32>} : memref<1x8x128x8x128xf32, #tpu.memory_space<vmem>>, vector<1x8x1x8x128xf32>,
    %get3A_838 = arith.constant 3584 : index
    %get3A_839 = arith.constant 0 : index
    %get3A_840 = vector.load %arg2[%get3A_838, %get3A_839] : memref<8192x128xf32, #tpu.memory_space<vmem>>, vector<64x128xf32>
    %reshape3A_841 = vector.shape_cast %get3A_840 : vector<64x128xf32> to vector<128x64xf32>
    %dot_general3A_842 = arith.constant dense<0.000000e+00> : vector<64x128xf32>
    %dot_general3A_843 = tpu.matmul %reshape3A_841, %convert_element_type3A_1, %dot_general3A_842 {dimension_numbers = #tpu.dot_dimension_numbers<[0], [0], [1], [1], [0, 1, 1, 1], [], []>, transpose_lhs_hint = false} : vector<128x64xf32>, vector<128x128xf32>, vector<64x128xf32> -> vector<64x128xf32>
    %reshape3A_844 = vector.shape_cast %dot_general3A_843 : vector<64x128xf32> to vector<8x8x128xf32>
    %swap3A_845 = arith.constant 0 : index
    %swap3A_846 = arith.constant 0 : index
    %swap3A_847 = arith.constant 56 : index
    %swap3A_848 = arith.constant 0 : index
    %swap3A_849 = arith.constant 0 : index
    %swap3A_850 = vector.load %arg3[%swap3A_845, %swap3A_846, %swap3A_847, %swap3A_848, %swap3A_849] : memref<1x8x128x8x128xf32, #tpu.memory_space<vmem>>, vector<1x8x1x8x128xf32>
    %swap3A_851 = vector.shape_cast %swap3A_850 : vector<1x8x1x8x128xf32> to vector<8x8x128xf32>
    %swap3A_852 = vector.shape_cast %reshape3A_844 : vector<8x8x128xf32> to vector<1x8x1x8x128xf32>
    tpu.vector_store %arg3[%swap3A_845, %swap3A_846, %swap3A_847, %swap3A_848, %swap3A_849], %swap3A_852 {strides = array<i32>} : memref<1x8x128x8x128xf32, #tpu.memory_space<vmem>>, vector<1x8x1x8x128xf32>,
    %get3A_853 = arith.constant 3648 : index
    %get3A_854 = arith.constant 0 : index
    %get3A_855 = vector.load %arg2[%get3A_853, %get3A_854] : memref<8192x128xf32, #tpu.memory_space<vmem>>, vector<64x128xf32>
    %reshape3A_856 = vector.shape_cast %get3A_855 : vector<64x128xf32> to vector<128x64xf32>
    %dot_general3A_857 = arith.constant dense<0.000000e+00> : vector<64x128xf32>
    %dot_general3A_858 = tpu.matmul %reshape3A_856, %convert_element_type3A_1, %dot_general3A_857 {dimension_numbers = #tpu.dot_dimension_numbers<[0], [0], [1], [1], [0, 1, 1, 1], [], []>, transpose_lhs_hint = false} : vector<128x64xf32>, vector<128x128xf32>, vector<64x128xf32> -> vector<64x128xf32>
    %reshape3A_859 = vector.shape_cast %dot_general3A_858 : vector<64x128xf32> to vector<8x8x128xf32>
    %swap3A_860 = arith.constant 0 : index
    %swap3A_861 = arith.constant 0 : index
    %swap3A_862 = arith.constant 57 : index
    %swap3A_863 = arith.constant 0 : index
    %swap3A_864 = arith.constant 0 : index
    %swap3A_865 = vector.load %arg3[%swap3A_860, %swap3A_861, %swap3A_862, %swap3A_863, %swap3A_864] : memref<1x8x128x8x128xf32, #tpu.memory_space<vmem>>, vector<1x8x1x8x128xf32>
    %swap3A_866 = vector.shape_cast %swap3A_865 : vector<1x8x1x8x128xf32> to vector<8x8x128xf32>
    %swap3A_867 = vector.shape_cast %reshape3A_859 : vector<8x8x128xf32> to vector<1x8x1x8x128xf32>
    tpu.vector_store %arg3[%swap3A_860, %swap3A_861, %swap3A_862, %swap3A_863, %swap3A_864], %swap3A_867 {strides = array<i32>} : memref<1x8x128x8x128xf32, #tpu.memory_space<vmem>>, vector<1x8x1x8x128xf32>,
    %get3A_868 = arith.constant 3712 : index
    %get3A_869 = arith.constant 0 : index
    %get3A_870 = vector.load %arg2[%get3A_868, %get3A_869] : memref<8192x128xf32, #tpu.memory_space<vmem>>, vector<64x128xf32>
    %reshape3A_871 = vector.shape_cast %get3A_870 : vector<64x128xf32> to vector<128x64xf32>
    %dot_general3A_872 = arith.constant dense<0.000000e+00> : vector<64x128xf32>
    %dot_general3A_873 = tpu.matmul %reshape3A_871, %convert_element_type3A_1, %dot_general3A_872 {dimension_numbers = #tpu.dot_dimension_numbers<[0], [0], [1], [1], [0, 1, 1, 1], [], []>, transpose_lhs_hint = false} : vector<128x64xf32>, vector<128x128xf32>, vector<64x128xf32> -> vector<64x128xf32>
    %reshape3A_874 = vector.shape_cast %dot_general3A_873 : vector<64x128xf32> to vector<8x8x128xf32>
    %swap3A_875 = arith.constant 0 : index
    %swap3A_876 = arith.constant 0 : index
    %swap3A_877 = arith.constant 58 : index
    %swap3A_878 = arith.constant 0 : index
    %swap3A_879 = arith.constant 0 : index
    %swap3A_880 = vector.load %arg3[%swap3A_875, %swap3A_876, %swap3A_877, %swap3A_878, %swap3A_879] : memref<1x8x128x8x128xf32, #tpu.memory_space<vmem>>, vector<1x8x1x8x128xf32>
    %swap3A_881 = vector.shape_cast %swap3A_880 : vector<1x8x1x8x128xf32> to vector<8x8x128xf32>
    %swap3A_882 = vector.shape_cast %reshape3A_874 : vector<8x8x128xf32> to vector<1x8x1x8x128xf32>
    tpu.vector_store %arg3[%swap3A_875, %swap3A_876, %swap3A_877, %swap3A_878, %swap3A_879], %swap3A_882 {strides = array<i32>} : memref<1x8x128x8x128xf32, #tpu.memory_space<vmem>>, vector<1x8x1x8x128xf32>,
    %get3A_883 = arith.constant 3776 : index
    %get3A_884 = arith.constant 0 : index
    %get3A_885 = vector.load %arg2[%get3A_883, %get3A_884] : memref<8192x128xf32, #tpu.memory_space<vmem>>, vector<64x128xf32>
    %reshape3A_886 = vector.shape_cast %get3A_885 : vector<64x128xf32> to vector<128x64xf32>
    %dot_general3A_887 = arith.constant dense<0.000000e+00> : vector<64x128xf32>
    %dot_general3A_888 = tpu.matmul %reshape3A_886, %convert_element_type3A_1, %dot_general3A_887 {dimension_numbers = #tpu.dot_dimension_numbers<[0], [0], [1], [1], [0, 1, 1, 1], [], []>, transpose_lhs_hint = false} : vector<128x64xf32>, vector<128x128xf32>, vector<64x128xf32> -> vector<64x128xf32>
    %reshape3A_889 = vector.shape_cast %dot_general3A_888 : vector<64x128xf32> to vector<8x8x128xf32>
    %swap3A_890 = arith.constant 0 : index
    %swap3A_891 = arith.constant 0 : index
    %swap3A_892 = arith.constant 59 : index
    %swap3A_893 = arith.constant 0 : index
    %swap3A_894 = arith.constant 0 : index
    %swap3A_895 = vector.load %arg3[%swap3A_890, %swap3A_891, %swap3A_892, %swap3A_893, %swap3A_894] : memref<1x8x128x8x128xf32, #tpu.memory_space<vmem>>, vector<1x8x1x8x128xf32>
    %swap3A_896 = vector.shape_cast %swap3A_895 : vector<1x8x1x8x128xf32> to vector<8x8x128xf32>
    %swap3A_897 = vector.shape_cast %reshape3A_889 : vector<8x8x128xf32> to vector<1x8x1x8x128xf32>
    tpu.vector_store %arg3[%swap3A_890, %swap3A_891, %swap3A_892, %swap3A_893, %swap3A_894], %swap3A_897 {strides = array<i32>} : memref<1x8x128x8x128xf32, #tpu.memory_space<vmem>>, vector<1x8x1x8x128xf32>,
    %get3A_898 = arith.constant 3840 : index
    %get3A_899 = arith.constant 0 : index
    %get3A_900 = vector.load %arg2[%get3A_898, %get3A_899] : memref<8192x128xf32, #tpu.memory_space<vmem>>, vector<64x128xf32>
    %reshape3A_901 = vector.shape_cast %get3A_900 : vector<64x128xf32> to vector<128x64xf32>
    %dot_general3A_902 = arith.constant dense<0.000000e+00> : vector<64x128xf32>
    %dot_general3A_903 = tpu.matmul %reshape3A_901, %convert_element_type3A_1, %dot_general3A_902 {dimension_numbers = #tpu.dot_dimension_numbers<[0], [0], [1], [1], [0, 1, 1, 1], [], []>, transpose_lhs_hint = false} : vector<128x64xf32>, vector<128x128xf32>, vector<64x128xf32> -> vector<64x128xf32>
    %reshape3A_904 = vector.shape_cast %dot_general3A_903 : vector<64x128xf32> to vector<8x8x128xf32>
    %swap3A_905 = arith.constant 0 : index
    %swap3A_906 = arith.constant 0 : index
    %swap3A_907 = arith.constant 60 : index
    %swap3A_908 = arith.constant 0 : index
    %swap3A_909 = arith.constant 0 : index
    %swap3A_910 = vector.load %arg3[%swap3A_905, %swap3A_906, %swap3A_907, %swap3A_908, %swap3A_909] : memref<1x8x128x8x128xf32, #tpu.memory_space<vmem>>, vector<1x8x1x8x128xf32>
    %swap3A_911 = vector.shape_cast %swap3A_910 : vector<1x8x1x8x128xf32> to vector<8x8x128xf32>
    %swap3A_912 = vector.shape_cast %reshape3A_904 : vector<8x8x128xf32> to vector<1x8x1x8x128xf32>
    tpu.vector_store %arg3[%swap3A_905, %swap3A_906, %swap3A_907, %swap3A_908, %swap3A_909], %swap3A_912 {strides = array<i32>} : memref<1x8x128x8x128xf32, #tpu.memory_space<vmem>>, vector<1x8x1x8x128xf32>,
    %get3A_913 = arith.constant 3904 : index
    %get3A_914 = arith.constant 0 : index
    %get3A_915 = vector.load %arg2[%get3A_913, %get3A_914] : memref<8192x128xf32, #tpu.memory_space<vmem>>, vector<64x128xf32>
    %reshape3A_916 = vector.shape_cast %get3A_915 : vector<64x128xf32> to vector<128x64xf32>
    %dot_general3A_917 = arith.constant dense<0.000000e+00> : vector<64x128xf32>
    %dot_general3A_918 = tpu.matmul %reshape3A_916, %convert_element_type3A_1, %dot_general3A_917 {dimension_numbers = #tpu.dot_dimension_numbers<[0], [0], [1], [1], [0, 1, 1, 1], [], []>, transpose_lhs_hint = false} : vector<128x64xf32>, vector<128x128xf32>, vector<64x128xf32> -> vector<64x128xf32>
    %reshape3A_919 = vector.shape_cast %dot_general3A_918 : vector<64x128xf32> to vector<8x8x128xf32>
    %swap3A_920 = arith.constant 0 : index
    %swap3A_921 = arith.constant 0 : index
    %swap3A_922 = arith.constant 61 : index
    %swap3A_923 = arith.constant 0 : index
    %swap3A_924 = arith.constant 0 : index
    %swap3A_925 = vector.load %arg3[%swap3A_920, %swap3A_921, %swap3A_922, %swap3A_923, %swap3A_924] : memref<1x8x128x8x128xf32, #tpu.memory_space<vmem>>, vector<1x8x1x8x128xf32>
    %swap3A_926 = vector.shape_cast %swap3A_925 : vector<1x8x1x8x128xf32> to vector<8x8x128xf32>
    %swap3A_927 = vector.shape_cast %reshape3A_919 : vector<8x8x128xf32> to vector<1x8x1x8x128xf32>
    tpu.vector_store %arg3[%swap3A_920, %swap3A_921, %swap3A_922, %swap3A_923, %swap3A_924], %swap3A_927 {strides = array<i32>} : memref<1x8x128x8x128xf32, #tpu.memory_space<vmem>>, vector<1x8x1x8x128xf32>,
    %get3A_928 = arith.constant 3968 : index
    %get3A_929 = arith.constant 0 : index
    %get3A_930 = vector.load %arg2[%get3A_928, %get3A_929] : memref<8192x128xf32, #tpu.memory_space<vmem>>, vector<64x128xf32>
    %reshape3A_931 = vector.shape_cast %get3A_930 : vector<64x128xf32> to vector<128x64xf32>
    %dot_general3A_932 = arith.constant dense<0.000000e+00> : vector<64x128xf32>
    %dot_general3A_933 = tpu.matmul %reshape3A_931, %convert_element_type3A_1, %dot_general3A_932 {dimension_numbers = #tpu.dot_dimension_numbers<[0], [0], [1], [1], [0, 1, 1, 1], [], []>, transpose_lhs_hint = false} : vector<128x64xf32>, vector<128x128xf32>, vector<64x128xf32> -> vector<64x128xf32>
    %reshape3A_934 = vector.shape_cast %dot_general3A_933 : vector<64x128xf32> to vector<8x8x128xf32>
    %swap3A_935 = arith.constant 0 : index
    %swap3A_936 = arith.constant 0 : index
    %swap3A_937 = arith.constant 62 : index
    %swap3A_938 = arith.constant 0 : index
    %swap3A_939 = arith.constant 0 : index
    %swap3A_940 = vector.load %arg3[%swap3A_935, %swap3A_936, %swap3A_937, %swap3A_938, %swap3A_939] : memref<1x8x128x8x128xf32, #tpu.memory_space<vmem>>, vector<1x8x1x8x128xf32>
    %swap3A_941 = vector.shape_cast %swap3A_940 : vector<1x8x1x8x128xf32> to vector<8x8x128xf32>
    %swap3A_942 = vector.shape_cast %reshape3A_934 : vector<8x8x128xf32> to vector<1x8x1x8x128xf32>
    tpu.vector_store %arg3[%swap3A_935, %swap3A_936, %swap3A_937, %swap3A_938, %swap3A_939], %swap3A_942 {strides = array<i32>} : memref<1x8x128x8x128xf32, #tpu.memory_space<vmem>>, vector<1x8x1x8x128xf32>,
    %get3A_943 = arith.constant 4032 : index
    %get3A_944 = arith.constant 0 : index
    %get3A_945 = vector.load %arg2[%get3A_943, %get3A_944] : memref<8192x128xf32, #tpu.memory_space<vmem>>, vector<64x128xf32>
    %reshape3A_946 = vector.shape_cast %get3A_945 : vector<64x128xf32> to vector<128x64xf32>
    %dot_general3A_947 = arith.constant dense<0.000000e+00> : vector<64x128xf32>
    %dot_general3A_948 = tpu.matmul %reshape3A_946, %convert_element_type3A_1, %dot_general3A_947 {dimension_numbers = #tpu.dot_dimension_numbers<[0], [0], [1], [1], [0, 1, 1, 1], [], []>, transpose_lhs_hint = false} : vector<128x64xf32>, vector<128x128xf32>, vector<64x128xf32> -> vector<64x128xf32>
    %reshape3A_949 = vector.shape_cast %dot_general3A_948 : vector<64x128xf32> to vector<8x8x128xf32>
    %swap3A_950 = arith.constant 0 : index
    %swap3A_951 = arith.constant 0 : index
    %swap3A_952 = arith.constant 63 : index
    %swap3A_953 = arith.constant 0 : index
    %swap3A_954 = arith.constant 0 : index
    %swap3A_955 = vector.load %arg3[%swap3A_950, %swap3A_951, %swap3A_952, %swap3A_953, %swap3A_954] : memref<1x8x128x8x128xf32, #tpu.memory_space<vmem>>, vector<1x8x1x8x128xf32>
    %swap3A_956 = vector.shape_cast %swap3A_955 : vector<1x8x1x8x128xf32> to vector<8x8x128xf32>
    %swap3A_957 = vector.shape_cast %reshape3A_949 : vector<8x8x128xf32> to vector<1x8x1x8x128xf32>
    tpu.vector_store %arg3[%swap3A_950, %swap3A_951, %swap3A_952, %swap3A_953, %swap3A_954], %swap3A_957 {strides = array<i32>} : memref<1x8x128x8x128xf32, #tpu.memory_space<vmem>>, vector<1x8x1x8x128xf32>,
    %get3A_958 = arith.constant 4096 : index
    %get3A_959 = arith.constant 0 : index
    %get3A_960 = vector.load %arg2[%get3A_958, %get3A_959] : memref<8192x128xf32, #tpu.memory_space<vmem>>, vector<64x128xf32>
    %reshape3A_961 = vector.shape_cast %get3A_960 : vector<64x128xf32> to vector<128x64xf32>
    %dot_general3A_962 = arith.constant dense<0.000000e+00> : vector<64x128xf32>
    %dot_general3A_963 = tpu.matmul %reshape3A_961, %convert_element_type3A_1, %dot_general3A_962 {dimension_numbers = #tpu.dot_dimension_numbers<[0], [0], [1], [1], [0, 1, 1, 1], [], []>, transpose_lhs_hint = false} : vector<128x64xf32>, vector<128x128xf32>, vector<64x128xf32> -> vector<64x128xf32>
    %reshape3A_964 = vector.shape_cast %dot_general3A_963 : vector<64x128xf32> to vector<8x8x128xf32>
    %swap3A_965 = arith.constant 0 : index
    %swap3A_966 = arith.constant 0 : index
    %swap3A_967 = arith.constant 64 : index
    %swap3A_968 = arith.constant 0 : index
    %swap3A_969 = arith.constant 0 : index
    %swap3A_970 = vector.load %arg3[%swap3A_965, %swap3A_966, %swap3A_967, %swap3A_968, %swap3A_969] : memref<1x8x128x8x128xf32, #tpu.memory_space<vmem>>, vector<1x8x1x8x128xf32>
    %swap3A_971 = vector.shape_cast %swap3A_970 : vector<1x8x1x8x128xf32> to vector<8x8x128xf32>
    %swap3A_972 = vector.shape_cast %reshape3A_964 : vector<8x8x128xf32> to vector<1x8x1x8x128xf32>
    tpu.vector_store %arg3[%swap3A_965, %swap3A_966, %swap3A_967, %swap3A_968, %swap3A_969], %swap3A_972 {strides = array<i32>} : memref<1x8x128x8x128xf32, #tpu.memory_space<vmem>>, vector<1x8x1x8x128xf32>,
    %get3A_973 = arith.constant 4160 : index
    %get3A_974 = arith.constant 0 : index
    %get3A_975 = vector.load %arg2[%get3A_973, %get3A_974] : memref<8192x128xf32, #tpu.memory_space<vmem>>, vector<64x128xf32>
    %reshape3A_976 = vector.shape_cast %get3A_975 : vector<64x128xf32> to vector<128x64xf32>
    %dot_general3A_977 = arith.constant dense<0.000000e+00> : vector<64x128xf32>
    %dot_general3A_978 = tpu.matmul %reshape3A_976, %convert_element_type3A_1, %dot_general3A_977 {dimension_numbers = #tpu.dot_dimension_numbers<[0], [0], [1], [1], [0, 1, 1, 1], [], []>, transpose_lhs_hint = false} : vector<128x64xf32>, vector<128x128xf32>, vector<64x128xf32> -> vector<64x128xf32>
    %reshape3A_979 = vector.shape_cast %dot_general3A_978 : vector<64x128xf32> to vector<8x8x128xf32>
    %swap3A_980 = arith.constant 0 : index
    %swap3A_981 = arith.constant 0 : index
    %swap3A_982 = arith.constant 65 : index
    %swap3A_983 = arith.constant 0 : index
    %swap3A_984 = arith.constant 0 : index
    %swap3A_985 = vector.load %arg3[%swap3A_980, %swap3A_981, %swap3A_982, %swap3A_983, %swap3A_984] : memref<1x8x128x8x128xf32, #tpu.memory_space<vmem>>, vector<1x8x1x8x128xf32>
    %swap3A_986 = vector.shape_cast %swap3A_985 : vector<1x8x1x8x128xf32> to vector<8x8x128xf32>
    %swap3A_987 = vector.shape_cast %reshape3A_979 : vector<8x8x128xf32> to vector<1x8x1x8x128xf32>
    tpu.vector_store %arg3[%swap3A_980, %swap3A_981, %swap3A_982, %swap3A_983, %swap3A_984], %swap3A_987 {strides = array<i32>} : memref<1x8x128x8x128xf32, #tpu.memory_space<vmem>>, vector<1x8x1x8x128xf32>,
    %get3A_988 = arith.constant 4224 : index
    %get3A_989 = arith.constant 0 : index
    %get3A_990 = vector.load %arg2[%get3A_988, %get3A_989] : memref<8192x128xf32, #tpu.memory_space<vmem>>, vector<64x128xf32>
    %reshape3A_991 = vector.shape_cast %get3A_990 : vector<64x128xf32> to vector<128x64xf32>
    %dot_general3A_992 = arith.constant dense<0.000000e+00> : vector<64x128xf32>
    %dot_general3A_993 = tpu.matmul %reshape3A_991, %convert_element_type3A_1, %dot_general3A_992 {dimension_numbers = #tpu.dot_dimension_numbers<[0], [0], [1], [1], [0, 1, 1, 1], [], []>, transpose_lhs_hint = false} : vector<128x64xf32>, vector<128x128xf32>, vector<64x128xf32> -> vector<64x128xf32>
    %reshape3A_994 = vector.shape_cast %dot_general3A_993 : vector<64x128xf32> to vector<8x8x128xf32>
    %swap3A_995 = arith.constant 0 : index
    %swap3A_996 = arith.constant 0 : index
    %swap3A_997 = arith.constant 66 : index
    %swap3A_998 = arith.constant 0 : index
    %swap3A_999 = arith.constant 0 : index
    %swap3A_1000 = vector.load %arg3[%swap3A_995, %swap3A_996, %swap3A_997, %swap3A_998, %swap3A_999] : memref<1x8x128x8x128xf32, #tpu.memory_space<vmem>>, vector<1x8x1x8x128xf32>
    %swap3A_1001 = vector.shape_cast %swap3A_1000 : vector<1x8x1x8x128xf32> to vector<8x8x128xf32>
    %swap3A_1002 = vector.shape_cast %reshape3A_994 : vector<8x8x128xf32> to vector<1x8x1x8x128xf32>
    tpu.vector_store %arg3[%swap3A_995, %swap3A_996, %swap3A_997, %swap3A_998, %swap3A_999], %swap3A_1002 {strides = array<i32>} : memref<1x8x128x8x128xf32, #tpu.memory_space<vmem>>, vector<1x8x1x8x128xf32>,
    %get3A_1003 = arith.constant 4288 : index
    %get3A_1004 = arith.constant 0 : index
    %get3A_1005 = vector.load %arg2[%get3A_1003, %get3A_1004] : memref<8192x128xf32, #tpu.memory_space<vmem>>, vector<64x128xf32>
    %reshape3A_1006 = vector.shape_cast %get3A_1005 : vector<64x128xf32> to vector<128x64xf32>
    %dot_general3A_1007 = arith.constant dense<0.000000e+00> : vector<64x128xf32>
    %dot_general3A_1008 = tpu.matmul %reshape3A_1006, %convert_element_type3A_1, %dot_general3A_1007 {dimension_numbers = #tpu.dot_dimension_numbers<[0], [0], [1], [1], [0, 1, 1, 1], [], []>, transpose_lhs_hint = false} : vector<128x64xf32>, vector<128x128xf32>, vector<64x128xf32> -> vector<64x128xf32>
    %reshape3A_1009 = vector.shape_cast %dot_general3A_1008 : vector<64x128xf32> to vector<8x8x128xf32>
    %swap3A_1010 = arith.constant 0 : index
    %swap3A_1011 = arith.constant 0 : index
    %swap3A_1012 = arith.constant 67 : index
    %swap3A_1013 = arith.constant 0 : index
    %swap3A_1014 = arith.constant 0 : index
    %swap3A_1015 = vector.load %arg3[%swap3A_1010, %swap3A_1011, %swap3A_1012, %swap3A_1013, %swap3A_1014] : memref<1x8x128x8x128xf32, #tpu.memory_space<vmem>>, vector<1x8x1x8x128xf32>
    %swap3A_1016 = vector.shape_cast %swap3A_1015 : vector<1x8x1x8x128xf32> to vector<8x8x128xf32>
    %swap3A_1017 = vector.shape_cast %reshape3A_1009 : vector<8x8x128xf32> to vector<1x8x1x8x128xf32>
    tpu.vector_store %arg3[%swap3A_1010, %swap3A_1011, %swap3A_1012, %swap3A_1013, %swap3A_1014], %swap3A_1017 {strides = array<i32>} : memref<1x8x128x8x128xf32, #tpu.memory_space<vmem>>, vector<1x8x1x8x128xf32>,
    %get3A_1018 = arith.constant 4352 : index
    %get3A_1019 = arith.constant 0 : index
    %get3A_1020 = vector.load %arg2[%get3A_1018, %get3A_1019] : memref<8192x128xf32, #tpu.memory_space<vmem>>, vector<64x128xf32>
    %reshape3A_1021 = vector.shape_cast %get3A_1020 : vector<64x128xf32> to vector<128x64xf32>
    %dot_general3A_1022 = arith.constant dense<0.000000e+00> : vector<64x128xf32>
    %dot_general3A_1023 = tpu.matmul %reshape3A_1021, %convert_element_type3A_1, %dot_general3A_1022 {dimension_numbers = #tpu.dot_dimension_numbers<[0], [0], [1], [1], [0, 1, 1, 1], [], []>, transpose_lhs_hint = false} : vector<128x64xf32>, vector<128x128xf32>, vector<64x128xf32> -> vector<64x128xf32>
    %reshape3A_1024 = vector.shape_cast %dot_general3A_1023 : vector<64x128xf32> to vector<8x8x128xf32>
    %swap3A_1025 = arith.constant 0 : index
    %swap3A_1026 = arith.constant 0 : index
    %swap3A_1027 = arith.constant 68 : index
    %swap3A_1028 = arith.constant 0 : index
    %swap3A_1029 = arith.constant 0 : index
    %swap3A_1030 = vector.load %arg3[%swap3A_1025, %swap3A_1026, %swap3A_1027, %swap3A_1028, %swap3A_1029] : memref<1x8x128x8x128xf32, #tpu.memory_space<vmem>>, vector<1x8x1x8x128xf32>
    %swap3A_1031 = vector.shape_cast %swap3A_1030 : vector<1x8x1x8x128xf32> to vector<8x8x128xf32>
    %swap3A_1032 = vector.shape_cast %reshape3A_1024 : vector<8x8x128xf32> to vector<1x8x1x8x128xf32>
    tpu.vector_store %arg3[%swap3A_1025, %swap3A_1026, %swap3A_1027, %swap3A_1028, %swap3A_1029], %swap3A_1032 {strides = array<i32>} : memref<1x8x128x8x128xf32, #tpu.memory_space<vmem>>, vector<1x8x1x8x128xf32>,
    %get3A_1033 = arith.constant 4416 : index
    %get3A_1034 = arith.constant 0 : index
    %get3A_1035 = vector.load %arg2[%get3A_1033, %get3A_1034] : memref<8192x128xf32, #tpu.memory_space<vmem>>, vector<64x128xf32>
    %reshape3A_1036 = vector.shape_cast %get3A_1035 : vector<64x128xf32> to vector<128x64xf32>
    %dot_general3A_1037 = arith.constant dense<0.000000e+00> : vector<64x128xf32>
    %dot_general3A_1038 = tpu.matmul %reshape3A_1036, %convert_element_type3A_1, %dot_general3A_1037 {dimension_numbers = #tpu.dot_dimension_numbers<[0], [0], [1], [1], [0, 1, 1, 1], [], []>, transpose_lhs_hint = false} : vector<128x64xf32>, vector<128x128xf32>, vector<64x128xf32> -> vector<64x128xf32>
    %reshape3A_1039 = vector.shape_cast %dot_general3A_1038 : vector<64x128xf32> to vector<8x8x128xf32>
    %swap3A_1040 = arith.constant 0 : index
    %swap3A_1041 = arith.constant 0 : index
    %swap3A_1042 = arith.constant 69 : index
    %swap3A_1043 = arith.constant 0 : index
    %swap3A_1044 = arith.constant 0 : index
    %swap3A_1045 = vector.load %arg3[%swap3A_1040, %swap3A_1041, %swap3A_1042, %swap3A_1043, %swap3A_1044] : memref<1x8x128x8x128xf32, #tpu.memory_space<vmem>>, vector<1x8x1x8x128xf32>
    %swap3A_1046 = vector.shape_cast %swap3A_1045 : vector<1x8x1x8x128xf32> to vector<8x8x128xf32>
    %swap3A_1047 = vector.shape_cast %reshape3A_1039 : vector<8x8x128xf32> to vector<1x8x1x8x128xf32>
    tpu.vector_store %arg3[%swap3A_1040, %swap3A_1041, %swap3A_1042, %swap3A_1043, %swap3A_1044], %swap3A_1047 {strides = array<i32>} : memref<1x8x128x8x128xf32, #tpu.memory_space<vmem>>, vector<1x8x1x8x128xf32>,
    %get3A_1048 = arith.constant 4480 : index
    %get3A_1049 = arith.constant 0 : index
    %get3A_1050 = vector.load %arg2[%get3A_1048, %get3A_1049] : memref<8192x128xf32, #tpu.memory_space<vmem>>, vector<64x128xf32>
    %reshape3A_1051 = vector.shape_cast %get3A_1050 : vector<64x128xf32> to vector<128x64xf32>
    %dot_general3A_1052 = arith.constant dense<0.000000e+00> : vector<64x128xf32>
    %dot_general3A_1053 = tpu.matmul %reshape3A_1051, %convert_element_type3A_1, %dot_general3A_1052 {dimension_numbers = #tpu.dot_dimension_numbers<[0], [0], [1], [1], [0, 1, 1, 1], [], []>, transpose_lhs_hint = false} : vector<128x64xf32>, vector<128x128xf32>, vector<64x128xf32> -> vector<64x128xf32>
    %reshape3A_1054 = vector.shape_cast %dot_general3A_1053 : vector<64x128xf32> to vector<8x8x128xf32>
    %swap3A_1055 = arith.constant 0 : index
    %swap3A_1056 = arith.constant 0 : index
    %swap3A_1057 = arith.constant 70 : index
    %swap3A_1058 = arith.constant 0 : index
    %swap3A_1059 = arith.constant 0 : index
    %swap3A_1060 = vector.load %arg3[%swap3A_1055, %swap3A_1056, %swap3A_1057, %swap3A_1058, %swap3A_1059] : memref<1x8x128x8x128xf32, #tpu.memory_space<vmem>>, vector<1x8x1x8x128xf32>
    %swap3A_1061 = vector.shape_cast %swap3A_1060 : vector<1x8x1x8x128xf32> to vector<8x8x128xf32>
    %swap3A_1062 = vector.shape_cast %reshape3A_1054 : vector<8x8x128xf32> to vector<1x8x1x8x128xf32>
    tpu.vector_store %arg3[%swap3A_1055, %swap3A_1056, %swap3A_1057, %swap3A_1058, %swap3A_1059], %swap3A_1062 {strides = array<i32>} : memref<1x8x128x8x128xf32, #tpu.memory_space<vmem>>, vector<1x8x1x8x128xf32>,
    %get3A_1063 = arith.constant 4544 : index
    %get3A_1064 = arith.constant 0 : index
    %get3A_1065 = vector.load %arg2[%get3A_1063, %get3A_1064] : memref<8192x128xf32, #tpu.memory_space<vmem>>, vector<64x128xf32>
    %reshape3A_1066 = vector.shape_cast %get3A_1065 : vector<64x128xf32> to vector<128x64xf32>
    %dot_general3A_1067 = arith.constant dense<0.000000e+00> : vector<64x128xf32>
    %dot_general3A_1068 = tpu.matmul %reshape3A_1066, %convert_element_type3A_1, %dot_general3A_1067 {dimension_numbers = #tpu.dot_dimension_numbers<[0], [0], [1], [1], [0, 1, 1, 1], [], []>, transpose_lhs_hint = false} : vector<128x64xf32>, vector<128x128xf32>, vector<64x128xf32> -> vector<64x128xf32>
    %reshape3A_1069 = vector.shape_cast %dot_general3A_1068 : vector<64x128xf32> to vector<8x8x128xf32>
    %swap3A_1070 = arith.constant 0 : index
    %swap3A_1071 = arith.constant 0 : index
    %swap3A_1072 = arith.constant 71 : index
    %swap3A_1073 = arith.constant 0 : index
    %swap3A_1074 = arith.constant 0 : index
    %swap3A_1075 = vector.load %arg3[%swap3A_1070, %swap3A_1071, %swap3A_1072, %swap3A_1073, %swap3A_1074] : memref<1x8x128x8x128xf32, #tpu.memory_space<vmem>>, vector<1x8x1x8x128xf32>
    %swap3A_1076 = vector.shape_cast %swap3A_1075 : vector<1x8x1x8x128xf32> to vector<8x8x128xf32>
    %swap3A_1077 = vector.shape_cast %reshape3A_1069 : vector<8x8x128xf32> to vector<1x8x1x8x128xf32>
    tpu.vector_store %arg3[%swap3A_1070, %swap3A_1071, %swap3A_1072, %swap3A_1073, %swap3A_1074], %swap3A_1077 {strides = array<i32>} : memref<1x8x128x8x128xf32, #tpu.memory_space<vmem>>, vector<1x8x1x8x128xf32>,
    %get3A_1078 = arith.constant 4608 : index
    %get3A_1079 = arith.constant 0 : index
    %get3A_1080 = vector.load %arg2[%get3A_1078, %get3A_1079] : memref<8192x128xf32, #tpu.memory_space<vmem>>, vector<64x128xf32>
    %reshape3A_1081 = vector.shape_cast %get3A_1080 : vector<64x128xf32> to vector<128x64xf32>
    %dot_general3A_1082 = arith.constant dense<0.000000e+00> : vector<64x128xf32>
    %dot_general3A_1083 = tpu.matmul %reshape3A_1081, %convert_element_type3A_1, %dot_general3A_1082 {dimension_numbers = #tpu.dot_dimension_numbers<[0], [0], [1], [1], [0, 1, 1, 1], [], []>, transpose_lhs_hint = false} : vector<128x64xf32>, vector<128x128xf32>, vector<64x128xf32> -> vector<64x128xf32>
    %reshape3A_1084 = vector.shape_cast %dot_general3A_1083 : vector<64x128xf32> to vector<8x8x128xf32>
    %swap3A_1085 = arith.constant 0 : index
    %swap3A_1086 = arith.constant 0 : index
    %swap3A_1087 = arith.constant 72 : index
    %swap3A_1088 = arith.constant 0 : index
    %swap3A_1089 = arith.constant 0 : index
    %swap3A_1090 = vector.load %arg3[%swap3A_1085, %swap3A_1086, %swap3A_1087, %swap3A_1088, %swap3A_1089] : memref<1x8x128x8x128xf32, #tpu.memory_space<vmem>>, vector<1x8x1x8x128xf32>
    %swap3A_1091 = vector.shape_cast %swap3A_1090 : vector<1x8x1x8x128xf32> to vector<8x8x128xf32>
    %swap3A_1092 = vector.shape_cast %reshape3A_1084 : vector<8x8x128xf32> to vector<1x8x1x8x128xf32>
    tpu.vector_store %arg3[%swap3A_1085, %swap3A_1086, %swap3A_1087, %swap3A_1088, %swap3A_1089], %swap3A_1092 {strides = array<i32>} : memref<1x8x128x8x128xf32, #tpu.memory_space<vmem>>, vector<1x8x1x8x128xf32>,
    %get3A_1093 = arith.constant 4672 : index
    %get3A_1094 = arith.constant 0 : index
    %get3A_1095 = vector.load %arg2[%get3A_1093, %get3A_1094] : memref<8192x128xf32, #tpu.memory_space<vmem>>, vector<64x128xf32>
    %reshape3A_1096 = vector.shape_cast %get3A_1095 : vector<64x128xf32> to vector<128x64xf32>
    %dot_general3A_1097 = arith.constant dense<0.000000e+00> : vector<64x128xf32>
    %dot_general3A_1098 = tpu.matmul %reshape3A_1096, %convert_element_type3A_1, %dot_general3A_1097 {dimension_numbers = #tpu.dot_dimension_numbers<[0], [0], [1], [1], [0, 1, 1, 1], [], []>, transpose_lhs_hint = false} : vector<128x64xf32>, vector<128x128xf32>, vector<64x128xf32> -> vector<64x128xf32>
    %reshape3A_1099 = vector.shape_cast %dot_general3A_1098 : vector<64x128xf32> to vector<8x8x128xf32>
    %swap3A_1100 = arith.constant 0 : index
    %swap3A_1101 = arith.constant 0 : index
    %swap3A_1102 = arith.constant 73 : index
    %swap3A_1103 = arith.constant 0 : index
    %swap3A_1104 = arith.constant 0 : index
    %swap3A_1105 = vector.load %arg3[%swap3A_1100, %swap3A_1101, %swap3A_1102, %swap3A_1103, %swap3A_1104] : memref<1x8x128x8x128xf32, #tpu.memory_space<vmem>>, vector<1x8x1x8x128xf32>
    %swap3A_1106 = vector.shape_cast %swap3A_1105 : vector<1x8x1x8x128xf32> to vector<8x8x128xf32>
    %swap3A_1107 = vector.shape_cast %reshape3A_1099 : vector<8x8x128xf32> to vector<1x8x1x8x128xf32>
    tpu.vector_store %arg3[%swap3A_1100, %swap3A_1101, %swap3A_1102, %swap3A_1103, %swap3A_1104], %swap3A_1107 {strides = array<i32>} : memref<1x8x128x8x128xf32, #tpu.memory_space<vmem>>, vector<1x8x1x8x128xf32>,
    %get3A_1108 = arith.constant 4736 : index
    %get3A_1109 = arith.constant 0 : index
    %get3A_1110 = vector.load %arg2[%get3A_1108, %get3A_1109] : memref<8192x128xf32, #tpu.memory_space<vmem>>, vector<64x128xf32>
    %reshape3A_1111 = vector.shape_cast %get3A_1110 : vector<64x128xf32> to vector<128x64xf32>
    %dot_general3A_1112 = arith.constant dense<0.000000e+00> : vector<64x128xf32>
    %dot_general3A_1113 = tpu.matmul %reshape3A_1111, %convert_element_type3A_1, %dot_general3A_1112 {dimension_numbers = #tpu.dot_dimension_numbers<[0], [0], [1], [1], [0, 1, 1, 1], [], []>, transpose_lhs_hint = false} : vector<128x64xf32>, vector<128x128xf32>, vector<64x128xf32> -> vector<64x128xf32>
    %reshape3A_1114 = vector.shape_cast %dot_general3A_1113 : vector<64x128xf32> to vector<8x8x128xf32>
    %swap3A_1115 = arith.constant 0 : index
    %swap3A_1116 = arith.constant 0 : index
    %swap3A_1117 = arith.constant 74 : index
    %swap3A_1118 = arith.constant 0 : index
    %swap3A_1119 = arith.constant 0 : index
    %swap3A_1120 = vector.load %arg3[%swap3A_1115, %swap3A_1116, %swap3A_1117, %swap3A_1118, %swap3A_1119] : memref<1x8x128x8x128xf32, #tpu.memory_space<vmem>>, vector<1x8x1x8x128xf32>
    %swap3A_1121 = vector.shape_cast %swap3A_1120 : vector<1x8x1x8x128xf32> to vector<8x8x128xf32>
    %swap3A_1122 = vector.shape_cast %reshape3A_1114 : vector<8x8x128xf32> to vector<1x8x1x8x128xf32>
    tpu.vector_store %arg3[%swap3A_1115, %swap3A_1116, %swap3A_1117, %swap3A_1118, %swap3A_1119], %swap3A_1122 {strides = array<i32>} : memref<1x8x128x8x128xf32, #tpu.memory_space<vmem>>, vector<1x8x1x8x128xf32>,
    %get3A_1123 = arith.constant 4800 : index
    %get3A_1124 = arith.constant 0 : index
    %get3A_1125 = vector.load %arg2[%get3A_1123, %get3A_1124] : memref<8192x128xf32, #tpu.memory_space<vmem>>, vector<64x128xf32>
    %reshape3A_1126 = vector.shape_cast %get3A_1125 : vector<64x128xf32> to vector<128x64xf32>
    %dot_general3A_1127 = arith.constant dense<0.000000e+00> : vector<64x128xf32>
    %dot_general3A_1128 = tpu.matmul %reshape3A_1126, %convert_element_type3A_1, %dot_general3A_1127 {dimension_numbers = #tpu.dot_dimension_numbers<[0], [0], [1], [1], [0, 1, 1, 1], [], []>, transpose_lhs_hint = false} : vector<128x64xf32>, vector<128x128xf32>, vector<64x128xf32> -> vector<64x128xf32>
    %reshape3A_1129 = vector.shape_cast %dot_general3A_1128 : vector<64x128xf32> to vector<8x8x128xf32>
    %swap3A_1130 = arith.constant 0 : index
    %swap3A_1131 = arith.constant 0 : index
    %swap3A_1132 = arith.constant 75 : index
    %swap3A_1133 = arith.constant 0 : index
    %swap3A_1134 = arith.constant 0 : index
    %swap3A_1135 = vector.load %arg3[%swap3A_1130, %swap3A_1131, %swap3A_1132, %swap3A_1133, %swap3A_1134] : memref<1x8x128x8x128xf32, #tpu.memory_space<vmem>>, vector<1x8x1x8x128xf32>
    %swap3A_1136 = vector.shape_cast %swap3A_1135 : vector<1x8x1x8x128xf32> to vector<8x8x128xf32>
    %swap3A_1137 = vector.shape_cast %reshape3A_1129 : vector<8x8x128xf32> to vector<1x8x1x8x128xf32>
    tpu.vector_store %arg3[%swap3A_1130, %swap3A_1131, %swap3A_1132, %swap3A_1133, %swap3A_1134], %swap3A_1137 {strides = array<i32>} : memref<1x8x128x8x128xf32, #tpu.memory_space<vmem>>, vector<1x8x1x8x128xf32>,
    %get3A_1138 = arith.constant 4864 : index
    %get3A_1139 = arith.constant 0 : index
    %get3A_1140 = vector.load %arg2[%get3A_1138, %get3A_1139] : memref<8192x128xf32, #tpu.memory_space<vmem>>, vector<64x128xf32>
    %reshape3A_1141 = vector.shape_cast %get3A_1140 : vector<64x128xf32> to vector<128x64xf32>
    %dot_general3A_1142 = arith.constant dense<0.000000e+00> : vector<64x128xf32>
    %dot_general3A_1143 = tpu.matmul %reshape3A_1141, %convert_element_type3A_1, %dot_general3A_1142 {dimension_numbers = #tpu.dot_dimension_numbers<[0], [0], [1], [1], [0, 1, 1, 1], [], []>, transpose_lhs_hint = false} : vector<128x64xf32>, vector<128x128xf32>, vector<64x128xf32> -> vector<64x128xf32>
    %reshape3A_1144 = vector.shape_cast %dot_general3A_1143 : vector<64x128xf32> to vector<8x8x128xf32>
    %swap3A_1145 = arith.constant 0 : index
    %swap3A_1146 = arith.constant 0 : index
    %swap3A_1147 = arith.constant 76 : index
    %swap3A_1148 = arith.constant 0 : index
    %swap3A_1149 = arith.constant 0 : index
    %swap3A_1150 = vector.load %arg3[%swap3A_1145, %swap3A_1146, %swap3A_1147, %swap3A_1148, %swap3A_1149] : memref<1x8x128x8x128xf32, #tpu.memory_space<vmem>>, vector<1x8x1x8x128xf32>
    %swap3A_1151 = vector.shape_cast %swap3A_1150 : vector<1x8x1x8x128xf32> to vector<8x8x128xf32>
    %swap3A_1152 = vector.shape_cast %reshape3A_1144 : vector<8x8x128xf32> to vector<1x8x1x8x128xf32>
    tpu.vector_store %arg3[%swap3A_1145, %swap3A_1146, %swap3A_1147, %swap3A_1148, %swap3A_1149], %swap3A_1152 {strides = array<i32>} : memref<1x8x128x8x128xf32, #tpu.memory_space<vmem>>, vector<1x8x1x8x128xf32>,
    %get3A_1153 = arith.constant 4928 : index
    %get3A_1154 = arith.constant 0 : index
    %get3A_1155 = vector.load %arg2[%get3A_1153, %get3A_1154] : memref<8192x128xf32, #tpu.memory_space<vmem>>, vector<64x128xf32>
    %reshape3A_1156 = vector.shape_cast %get3A_1155 : vector<64x128xf32> to vector<128x64xf32>
    %dot_general3A_1157 = arith.constant dense<0.000000e+00> : vector<64x128xf32>
    %dot_general3A_1158 = tpu.matmul %reshape3A_1156, %convert_element_type3A_1, %dot_general3A_1157 {dimension_numbers = #tpu.dot_dimension_numbers<[0], [0], [1], [1], [0, 1, 1, 1], [], []>, transpose_lhs_hint = false} : vector<128x64xf32>, vector<128x128xf32>, vector<64x128xf32> -> vector<64x128xf32>
    %reshape3A_1159 = vector.shape_cast %dot_general3A_1158 : vector<64x128xf32> to vector<8x8x128xf32>
    %swap3A_1160 = arith.constant 0 : index
    %swap3A_1161 = arith.constant 0 : index
    %swap3A_1162 = arith.constant 77 : index
    %swap3A_1163 = arith.constant 0 : index
    %swap3A_1164 = arith.constant 0 : index
    %swap3A_1165 = vector.load %arg3[%swap3A_1160, %swap3A_1161, %swap3A_1162, %swap3A_1163, %swap3A_1164] : memref<1x8x128x8x128xf32, #tpu.memory_space<vmem>>, vector<1x8x1x8x128xf32>
    %swap3A_1166 = vector.shape_cast %swap3A_1165 : vector<1x8x1x8x128xf32> to vector<8x8x128xf32>
    %swap3A_1167 = vector.shape_cast %reshape3A_1159 : vector<8x8x128xf32> to vector<1x8x1x8x128xf32>
    tpu.vector_store %arg3[%swap3A_1160, %swap3A_1161, %swap3A_1162, %swap3A_1163, %swap3A_1164], %swap3A_1167 {strides = array<i32>} : memref<1x8x128x8x128xf32, #tpu.memory_space<vmem>>, vector<1x8x1x8x128xf32>,
    %get3A_1168 = arith.constant 4992 : index
    %get3A_1169 = arith.constant 0 : index
    %get3A_1170 = vector.load %arg2[%get3A_1168, %get3A_1169] : memref<8192x128xf32, #tpu.memory_space<vmem>>, vector<64x128xf32>
    %reshape3A_1171 = vector.shape_cast %get3A_1170 : vector<64x128xf32> to vector<128x64xf32>
    %dot_general3A_1172 = arith.constant dense<0.000000e+00> : vector<64x128xf32>
    %dot_general3A_1173 = tpu.matmul %reshape3A_1171, %convert_element_type3A_1, %dot_general3A_1172 {dimension_numbers = #tpu.dot_dimension_numbers<[0], [0], [1], [1], [0, 1, 1, 1], [], []>, transpose_lhs_hint = false} : vector<128x64xf32>, vector<128x128xf32>, vector<64x128xf32> -> vector<64x128xf32>
    %reshape3A_1174 = vector.shape_cast %dot_general3A_1173 : vector<64x128xf32> to vector<8x8x128xf32>
    %swap3A_1175 = arith.constant 0 : index
    %swap3A_1176 = arith.constant 0 : index
    %swap3A_1177 = arith.constant 78 : index
    %swap3A_1178 = arith.constant 0 : index
    %swap3A_1179 = arith.constant 0 : index
    %swap3A_1180 = vector.load %arg3[%swap3A_1175, %swap3A_1176, %swap3A_1177, %swap3A_1178, %swap3A_1179] : memref<1x8x128x8x128xf32, #tpu.memory_space<vmem>>, vector<1x8x1x8x128xf32>
    %swap3A_1181 = vector.shape_cast %swap3A_1180 : vector<1x8x1x8x128xf32> to vector<8x8x128xf32>
    %swap3A_1182 = vector.shape_cast %reshape3A_1174 : vector<8x8x128xf32> to vector<1x8x1x8x128xf32>
    tpu.vector_store %arg3[%swap3A_1175, %swap3A_1176, %swap3A_1177, %swap3A_1178, %swap3A_1179], %swap3A_1182 {strides = array<i32>} : memref<1x8x128x8x128xf32, #tpu.memory_space<vmem>>, vector<1x8x1x8x128xf32>,
    %get3A_1183 = arith.constant 5056 : index
    %get3A_1184 = arith.constant 0 : index
    %get3A_1185 = vector.load %arg2[%get3A_1183, %get3A_1184] : memref<8192x128xf32, #tpu.memory_space<vmem>>, vector<64x128xf32>
    %reshape3A_1186 = vector.shape_cast %get3A_1185 : vector<64x128xf32> to vector<128x64xf32>
    %dot_general3A_1187 = arith.constant dense<0.000000e+00> : vector<64x128xf32>
    %dot_general3A_1188 = tpu.matmul %reshape3A_1186, %convert_element_type3A_1, %dot_general3A_1187 {dimension_numbers = #tpu.dot_dimension_numbers<[0], [0], [1], [1], [0, 1, 1, 1], [], []>, transpose_lhs_hint = false} : vector<128x64xf32>, vector<128x128xf32>, vector<64x128xf32> -> vector<64x128xf32>
    %reshape3A_1189 = vector.shape_cast %dot_general3A_1188 : vector<64x128xf32> to vector<8x8x128xf32>
    %swap3A_1190 = arith.constant 0 : index
    %swap3A_1191 = arith.constant 0 : index
    %swap3A_1192 = arith.constant 79 : index
    %swap3A_1193 = arith.constant 0 : index
    %swap3A_1194 = arith.constant 0 : index
    %swap3A_1195 = vector.load %arg3[%swap3A_1190, %swap3A_1191, %swap3A_1192, %swap3A_1193, %swap3A_1194] : memref<1x8x128x8x128xf32, #tpu.memory_space<vmem>>, vector<1x8x1x8x128xf32>
    %swap3A_1196 = vector.shape_cast %swap3A_1195 : vector<1x8x1x8x128xf32> to vector<8x8x128xf32>
    %swap3A_1197 = vector.shape_cast %reshape3A_1189 : vector<8x8x128xf32> to vector<1x8x1x8x128xf32>
    tpu.vector_store %arg3[%swap3A_1190, %swap3A_1191, %swap3A_1192, %swap3A_1193, %swap3A_1194], %swap3A_1197 {strides = array<i32>} : memref<1x8x128x8x128xf32, #tpu.memory_space<vmem>>, vector<1x8x1x8x128xf32>,
    %get3A_1198 = arith.constant 5120 : index
    %get3A_1199 = arith.constant 0 : index
    %get3A_1200 = vector.load %arg2[%get3A_1198, %get3A_1199] : memref<8192x128xf32, #tpu.memory_space<vmem>>, vector<64x128xf32>
    %reshape3A_1201 = vector.shape_cast %get3A_1200 : vector<64x128xf32> to vector<128x64xf32>
    %dot_general3A_1202 = arith.constant dense<0.000000e+00> : vector<64x128xf32>
    %dot_general3A_1203 = tpu.matmul %reshape3A_1201, %convert_element_type3A_1, %dot_general3A_1202 {dimension_numbers = #tpu.dot_dimension_numbers<[0], [0], [1], [1], [0, 1, 1, 1], [], []>, transpose_lhs_hint = false} : vector<128x64xf32>, vector<128x128xf32>, vector<64x128xf32> -> vector<64x128xf32>
    %reshape3A_1204 = vector.shape_cast %dot_general3A_1203 : vector<64x128xf32> to vector<8x8x128xf32>
    %swap3A_1205 = arith.constant 0 : index
    %swap3A_1206 = arith.constant 0 : index
    %swap3A_1207 = arith.constant 80 : index
    %swap3A_1208 = arith.constant 0 : index
    %swap3A_1209 = arith.constant 0 : index
    %swap3A_1210 = vector.load %arg3[%swap3A_1205, %swap3A_1206, %swap3A_1207, %swap3A_1208, %swap3A_1209] : memref<1x8x128x8x128xf32, #tpu.memory_space<vmem>>, vector<1x8x1x8x128xf32>
    %swap3A_1211 = vector.shape_cast %swap3A_1210 : vector<1x8x1x8x128xf32> to vector<8x8x128xf32>
    %swap3A_1212 = vector.shape_cast %reshape3A_1204 : vector<8x8x128xf32> to vector<1x8x1x8x128xf32>
    tpu.vector_store %arg3[%swap3A_1205, %swap3A_1206, %swap3A_1207, %swap3A_1208, %swap3A_1209], %swap3A_1212 {strides = array<i32>} : memref<1x8x128x8x128xf32, #tpu.memory_space<vmem>>, vector<1x8x1x8x128xf32>,
    %get3A_1213 = arith.constant 5184 : index
    %get3A_1214 = arith.constant 0 : index
    %get3A_1215 = vector.load %arg2[%get3A_1213, %get3A_1214] : memref<8192x128xf32, #tpu.memory_space<vmem>>, vector<64x128xf32>
    %reshape3A_1216 = vector.shape_cast %get3A_1215 : vector<64x128xf32> to vector<128x64xf32>
    %dot_general3A_1217 = arith.constant dense<0.000000e+00> : vector<64x128xf32>
    %dot_general3A_1218 = tpu.matmul %reshape3A_1216, %convert_element_type3A_1, %dot_general3A_1217 {dimension_numbers = #tpu.dot_dimension_numbers<[0], [0], [1], [1], [0, 1, 1, 1], [], []>, transpose_lhs_hint = false} : vector<128x64xf32>, vector<128x128xf32>, vector<64x128xf32> -> vector<64x128xf32>
    %reshape3A_1219 = vector.shape_cast %dot_general3A_1218 : vector<64x128xf32> to vector<8x8x128xf32>
    %swap3A_1220 = arith.constant 0 : index
    %swap3A_1221 = arith.constant 0 : index
    %swap3A_1222 = arith.constant 81 : index
    %swap3A_1223 = arith.constant 0 : index
    %swap3A_1224 = arith.constant 0 : index
    %swap3A_1225 = vector.load %arg3[%swap3A_1220, %swap3A_1221, %swap3A_1222, %swap3A_1223, %swap3A_1224] : memref<1x8x128x8x128xf32, #tpu.memory_space<vmem>>, vector<1x8x1x8x128xf32>
    %swap3A_1226 = vector.shape_cast %swap3A_1225 : vector<1x8x1x8x128xf32> to vector<8x8x128xf32>
    %swap3A_1227 = vector.shape_cast %reshape3A_1219 : vector<8x8x128xf32> to vector<1x8x1x8x128xf32>
    tpu.vector_store %arg3[%swap3A_1220, %swap3A_1221, %swap3A_1222, %swap3A_1223, %swap3A_1224], %swap3A_1227 {strides = array<i32>} : memref<1x8x128x8x128xf32, #tpu.memory_space<vmem>>, vector<1x8x1x8x128xf32>,
    %get3A_1228 = arith.constant 5248 : index
    %get3A_1229 = arith.constant 0 : index
    %get3A_1230 = vector.load %arg2[%get3A_1228, %get3A_1229] : memref<8192x128xf32, #tpu.memory_space<vmem>>, vector<64x128xf32>
    %reshape3A_1231 = vector.shape_cast %get3A_1230 : vector<64x128xf32> to vector<128x64xf32>
    %dot_general3A_1232 = arith.constant dense<0.000000e+00> : vector<64x128xf32>
    %dot_general3A_1233 = tpu.matmul %reshape3A_1231, %convert_element_type3A_1, %dot_general3A_1232 {dimension_numbers = #tpu.dot_dimension_numbers<[0], [0], [1], [1], [0, 1, 1, 1], [], []>, transpose_lhs_hint = false} : vector<128x64xf32>, vector<128x128xf32>, vector<64x128xf32> -> vector<64x128xf32>
    %reshape3A_1234 = vector.shape_cast %dot_general3A_1233 : vector<64x128xf32> to vector<8x8x128xf32>
    %swap3A_1235 = arith.constant 0 : index
    %swap3A_1236 = arith.constant 0 : index
    %swap3A_1237 = arith.constant 82 : index
    %swap3A_1238 = arith.constant 0 : index
    %swap3A_1239 = arith.constant 0 : index
    %swap3A_1240 = vector.load %arg3[%swap3A_1235, %swap3A_1236, %swap3A_1237, %swap3A_1238, %swap3A_1239] : memref<1x8x128x8x128xf32, #tpu.memory_space<vmem>>, vector<1x8x1x8x128xf32>
    %swap3A_1241 = vector.shape_cast %swap3A_1240 : vector<1x8x1x8x128xf32> to vector<8x8x128xf32>
    %swap3A_1242 = vector.shape_cast %reshape3A_1234 : vector<8x8x128xf32> to vector<1x8x1x8x128xf32>
    tpu.vector_store %arg3[%swap3A_1235, %swap3A_1236, %swap3A_1237, %swap3A_1238, %swap3A_1239], %swap3A_1242 {strides = array<i32>} : memref<1x8x128x8x128xf32, #tpu.memory_space<vmem>>, vector<1x8x1x8x128xf32>,
    %get3A_1243 = arith.constant 5312 : index
    %get3A_1244 = arith.constant 0 : index
    %get3A_1245 = vector.load %arg2[%get3A_1243, %get3A_1244] : memref<8192x128xf32, #tpu.memory_space<vmem>>, vector<64x128xf32>
    %reshape3A_1246 = vector.shape_cast %get3A_1245 : vector<64x128xf32> to vector<128x64xf32>
    %dot_general3A_1247 = arith.constant dense<0.000000e+00> : vector<64x128xf32>
    %dot_general3A_1248 = tpu.matmul %reshape3A_1246, %convert_element_type3A_1, %dot_general3A_1247 {dimension_numbers = #tpu.dot_dimension_numbers<[0], [0], [1], [1], [0, 1, 1, 1], [], []>, transpose_lhs_hint = false} : vector<128x64xf32>, vector<128x128xf32>, vector<64x128xf32> -> vector<64x128xf32>
    %reshape3A_1249 = vector.shape_cast %dot_general3A_1248 : vector<64x128xf32> to vector<8x8x128xf32>
    %swap3A_1250 = arith.constant 0 : index
    %swap3A_1251 = arith.constant 0 : index
    %swap3A_1252 = arith.constant 83 : index
    %swap3A_1253 = arith.constant 0 : index
    %swap3A_1254 = arith.constant 0 : index
    %swap3A_1255 = vector.load %arg3[%swap3A_1250, %swap3A_1251, %swap3A_1252, %swap3A_1253, %swap3A_1254] : memref<1x8x128x8x128xf32, #tpu.memory_space<vmem>>, vector<1x8x1x8x128xf32>
    %swap3A_1256 = vector.shape_cast %swap3A_1255 : vector<1x8x1x8x128xf32> to vector<8x8x128xf32>
    %swap3A_1257 = vector.shape_cast %reshape3A_1249 : vector<8x8x128xf32> to vector<1x8x1x8x128xf32>
    tpu.vector_store %arg3[%swap3A_1250, %swap3A_1251, %swap3A_1252, %swap3A_1253, %swap3A_1254], %swap3A_1257 {strides = array<i32>} : memref<1x8x128x8x128xf32, #tpu.memory_space<vmem>>, vector<1x8x1x8x128xf32>,
    %get3A_1258 = arith.constant 5376 : index
    %get3A_1259 = arith.constant 0 : index
    %get3A_1260 = vector.load %arg2[%get3A_1258, %get3A_1259] : memref<8192x128xf32, #tpu.memory_space<vmem>>, vector<64x128xf32>
    %reshape3A_1261 = vector.shape_cast %get3A_1260 : vector<64x128xf32> to vector<128x64xf32>
    %dot_general3A_1262 = arith.constant dense<0.000000e+00> : vector<64x128xf32>
    %dot_general3A_1263 = tpu.matmul %reshape3A_1261, %convert_element_type3A_1, %dot_general3A_1262 {dimension_numbers = #tpu.dot_dimension_numbers<[0], [0], [1], [1], [0, 1, 1, 1], [], []>, transpose_lhs_hint = false} : vector<128x64xf32>, vector<128x128xf32>, vector<64x128xf32> -> vector<64x128xf32>
    %reshape3A_1264 = vector.shape_cast %dot_general3A_1263 : vector<64x128xf32> to vector<8x8x128xf32>
    %swap3A_1265 = arith.constant 0 : index
    %swap3A_1266 = arith.constant 0 : index
    %swap3A_1267 = arith.constant 84 : index
    %swap3A_1268 = arith.constant 0 : index
    %swap3A_1269 = arith.constant 0 : index
    %swap3A_1270 = vector.load %arg3[%swap3A_1265, %swap3A_1266, %swap3A_1267, %swap3A_1268, %swap3A_1269] : memref<1x8x128x8x128xf32, #tpu.memory_space<vmem>>, vector<1x8x1x8x128xf32>
    %swap3A_1271 = vector.shape_cast %swap3A_1270 : vector<1x8x1x8x128xf32> to vector<8x8x128xf32>
    %swap3A_1272 = vector.shape_cast %reshape3A_1264 : vector<8x8x128xf32> to vector<1x8x1x8x128xf32>
    tpu.vector_store %arg3[%swap3A_1265, %swap3A_1266, %swap3A_1267, %swap3A_1268, %swap3A_1269], %swap3A_1272 {strides = array<i32>} : memref<1x8x128x8x128xf32, #tpu.memory_space<vmem>>, vector<1x8x1x8x128xf32>,
    %get3A_1273 = arith.constant 5440 : index
    %get3A_1274 = arith.constant 0 : index
    %get3A_1275 = vector.load %arg2[%get3A_1273, %get3A_1274] : memref<8192x128xf32, #tpu.memory_space<vmem>>, vector<64x128xf32>
    %reshape3A_1276 = vector.shape_cast %get3A_1275 : vector<64x128xf32> to vector<128x64xf32>
    %dot_general3A_1277 = arith.constant dense<0.000000e+00> : vector<64x128xf32>
    %dot_general3A_1278 = tpu.matmul %reshape3A_1276, %convert_element_type3A_1, %dot_general3A_1277 {dimension_numbers = #tpu.dot_dimension_numbers<[0], [0], [1], [1], [0, 1, 1, 1], [], []>, transpose_lhs_hint = false} : vector<128x64xf32>, vector<128x128xf32>, vector<64x128xf32> -> vector<64x128xf32>
    %reshape3A_1279 = vector.shape_cast %dot_general3A_1278 : vector<64x128xf32> to vector<8x8x128xf32>
    %swap3A_1280 = arith.constant 0 : index
    %swap3A_1281 = arith.constant 0 : index
    %swap3A_1282 = arith.constant 85 : index
    %swap3A_1283 = arith.constant 0 : index
    %swap3A_1284 = arith.constant 0 : index
    %swap3A_1285 = vector.load %arg3[%swap3A_1280, %swap3A_1281, %swap3A_1282, %swap3A_1283, %swap3A_1284] : memref<1x8x128x8x128xf32, #tpu.memory_space<vmem>>, vector<1x8x1x8x128xf32>
    %swap3A_1286 = vector.shape_cast %swap3A_1285 : vector<1x8x1x8x128xf32> to vector<8x8x128xf32>
    %swap3A_1287 = vector.shape_cast %reshape3A_1279 : vector<8x8x128xf32> to vector<1x8x1x8x128xf32>
    tpu.vector_store %arg3[%swap3A_1280, %swap3A_1281, %swap3A_1282, %swap3A_1283, %swap3A_1284], %swap3A_1287 {strides = array<i32>} : memref<1x8x128x8x128xf32, #tpu.memory_space<vmem>>, vector<1x8x1x8x128xf32>,
    %get3A_1288 = arith.constant 5504 : index
    %get3A_1289 = arith.constant 0 : index
    %get3A_1290 = vector.load %arg2[%get3A_1288, %get3A_1289] : memref<8192x128xf32, #tpu.memory_space<vmem>>, vector<64x128xf32>
    %reshape3A_1291 = vector.shape_cast %get3A_1290 : vector<64x128xf32> to vector<128x64xf32>
    %dot_general3A_1292 = arith.constant dense<0.000000e+00> : vector<64x128xf32>
    %dot_general3A_1293 = tpu.matmul %reshape3A_1291, %convert_element_type3A_1, %dot_general3A_1292 {dimension_numbers = #tpu.dot_dimension_numbers<[0], [0], [1], [1], [0, 1, 1, 1], [], []>, transpose_lhs_hint = false} : vector<128x64xf32>, vector<128x128xf32>, vector<64x128xf32> -> vector<64x128xf32>
    %reshape3A_1294 = vector.shape_cast %dot_general3A_1293 : vector<64x128xf32> to vector<8x8x128xf32>
    %swap3A_1295 = arith.constant 0 : index
    %swap3A_1296 = arith.constant 0 : index
    %swap3A_1297 = arith.constant 86 : index
    %swap3A_1298 = arith.constant 0 : index
    %swap3A_1299 = arith.constant 0 : index
    %swap3A_1300 = vector.load %arg3[%swap3A_1295, %swap3A_1296, %swap3A_1297, %swap3A_1298, %swap3A_1299] : memref<1x8x128x8x128xf32, #tpu.memory_space<vmem>>, vector<1x8x1x8x128xf32>
    %swap3A_1301 = vector.shape_cast %swap3A_1300 : vector<1x8x1x8x128xf32> to vector<8x8x128xf32>
    %swap3A_1302 = vector.shape_cast %reshape3A_1294 : vector<8x8x128xf32> to vector<1x8x1x8x128xf32>
    tpu.vector_store %arg3[%swap3A_1295, %swap3A_1296, %swap3A_1297, %swap3A_1298, %swap3A_1299], %swap3A_1302 {strides = array<i32>} : memref<1x8x128x8x128xf32, #tpu.memory_space<vmem>>, vector<1x8x1x8x128xf32>,
    %get3A_1303 = arith.constant 5568 : index
    %get3A_1304 = arith.constant 0 : index
    %get3A_1305 = vector.load %arg2[%get3A_1303, %get3A_1304] : memref<8192x128xf32, #tpu.memory_space<vmem>>, vector<64x128xf32>
    %reshape3A_1306 = vector.shape_cast %get3A_1305 : vector<64x128xf32> to vector<128x64xf32>
    %dot_general3A_1307 = arith.constant dense<0.000000e+00> : vector<64x128xf32>
    %dot_general3A_1308 = tpu.matmul %reshape3A_1306, %convert_element_type3A_1, %dot_general3A_1307 {dimension_numbers = #tpu.dot_dimension_numbers<[0], [0], [1], [1], [0, 1, 1, 1], [], []>, transpose_lhs_hint = false} : vector<128x64xf32>, vector<128x128xf32>, vector<64x128xf32> -> vector<64x128xf32>
    %reshape3A_1309 = vector.shape_cast %dot_general3A_1308 : vector<64x128xf32> to vector<8x8x128xf32>
    %swap3A_1310 = arith.constant 0 : index
    %swap3A_1311 = arith.constant 0 : index
    %swap3A_1312 = arith.constant 87 : index
    %swap3A_1313 = arith.constant 0 : index
    %swap3A_1314 = arith.constant 0 : index
    %swap3A_1315 = vector.load %arg3[%swap3A_1310, %swap3A_1311, %swap3A_1312, %swap3A_1313, %swap3A_1314] : memref<1x8x128x8x128xf32, #tpu.memory_space<vmem>>, vector<1x8x1x8x128xf32>
    %swap3A_1316 = vector.shape_cast %swap3A_1315 : vector<1x8x1x8x128xf32> to vector<8x8x128xf32>
    %swap3A_1317 = vector.shape_cast %reshape3A_1309 : vector<8x8x128xf32> to vector<1x8x1x8x128xf32>
    tpu.vector_store %arg3[%swap3A_1310, %swap3A_1311, %swap3A_1312, %swap3A_1313, %swap3A_1314], %swap3A_1317 {strides = array<i32>} : memref<1x8x128x8x128xf32, #tpu.memory_space<vmem>>, vector<1x8x1x8x128xf32>,
    %get3A_1318 = arith.constant 5632 : index
    %get3A_1319 = arith.constant 0 : index
    %get3A_1320 = vector.load %arg2[%get3A_1318, %get3A_1319] : memref<8192x128xf32, #tpu.memory_space<vmem>>, vector<64x128xf32>
    %reshape3A_1321 = vector.shape_cast %get3A_1320 : vector<64x128xf32> to vector<128x64xf32>
    %dot_general3A_1322 = arith.constant dense<0.000000e+00> : vector<64x128xf32>
    %dot_general3A_1323 = tpu.matmul %reshape3A_1321, %convert_element_type3A_1, %dot_general3A_1322 {dimension_numbers = #tpu.dot_dimension_numbers<[0], [0], [1], [1], [0, 1, 1, 1], [], []>, transpose_lhs_hint = false} : vector<128x64xf32>, vector<128x128xf32>, vector<64x128xf32> -> vector<64x128xf32>
    %reshape3A_1324 = vector.shape_cast %dot_general3A_1323 : vector<64x128xf32> to vector<8x8x128xf32>
    %swap3A_1325 = arith.constant 0 : index
    %swap3A_1326 = arith.constant 0 : index
    %swap3A_1327 = arith.constant 88 : index
    %swap3A_1328 = arith.constant 0 : index
    %swap3A_1329 = arith.constant 0 : index
    %swap3A_1330 = vector.load %arg3[%swap3A_1325, %swap3A_1326, %swap3A_1327, %swap3A_1328, %swap3A_1329] : memref<1x8x128x8x128xf32, #tpu.memory_space<vmem>>, vector<1x8x1x8x128xf32>
    %swap3A_1331 = vector.shape_cast %swap3A_1330 : vector<1x8x1x8x128xf32> to vector<8x8x128xf32>
    %swap3A_1332 = vector.shape_cast %reshape3A_1324 : vector<8x8x128xf32> to vector<1x8x1x8x128xf32>
    tpu.vector_store %arg3[%swap3A_1325, %swap3A_1326, %swap3A_1327, %swap3A_1328, %swap3A_1329], %swap3A_1332 {strides = array<i32>} : memref<1x8x128x8x128xf32, #tpu.memory_space<vmem>>, vector<1x8x1x8x128xf32>,
    %get3A_1333 = arith.constant 5696 : index
    %get3A_1334 = arith.constant 0 : index
    %get3A_1335 = vector.load %arg2[%get3A_1333, %get3A_1334] : memref<8192x128xf32, #tpu.memory_space<vmem>>, vector<64x128xf32>
    %reshape3A_1336 = vector.shape_cast %get3A_1335 : vector<64x128xf32> to vector<128x64xf32>
    %dot_general3A_1337 = arith.constant dense<0.000000e+00> : vector<64x128xf32>
    %dot_general3A_1338 = tpu.matmul %reshape3A_1336, %convert_element_type3A_1, %dot_general3A_1337 {dimension_numbers = #tpu.dot_dimension_numbers<[0], [0], [1], [1], [0, 1, 1, 1], [], []>, transpose_lhs_hint = false} : vector<128x64xf32>, vector<128x128xf32>, vector<64x128xf32> -> vector<64x128xf32>
    %reshape3A_1339 = vector.shape_cast %dot_general3A_1338 : vector<64x128xf32> to vector<8x8x128xf32>
    %swap3A_1340 = arith.constant 0 : index
    %swap3A_1341 = arith.constant 0 : index
    %swap3A_1342 = arith.constant 89 : index
    %swap3A_1343 = arith.constant 0 : index
    %swap3A_1344 = arith.constant 0 : index
    %swap3A_1345 = vector.load %arg3[%swap3A_1340, %swap3A_1341, %swap3A_1342, %swap3A_1343, %swap3A_1344] : memref<1x8x128x8x128xf32, #tpu.memory_space<vmem>>, vector<1x8x1x8x128xf32>
    %swap3A_1346 = vector.shape_cast %swap3A_1345 : vector<1x8x1x8x128xf32> to vector<8x8x128xf32>
    %swap3A_1347 = vector.shape_cast %reshape3A_1339 : vector<8x8x128xf32> to vector<1x8x1x8x128xf32>
    tpu.vector_store %arg3[%swap3A_1340, %swap3A_1341, %swap3A_1342, %swap3A_1343, %swap3A_1344], %swap3A_1347 {strides = array<i32>} : memref<1x8x128x8x128xf32, #tpu.memory_space<vmem>>, vector<1x8x1x8x128xf32>,
    %get3A_1348 = arith.constant 5760 : index
    %get3A_1349 = arith.constant 0 : index
    %get3A_1350 = vector.load %arg2[%get3A_1348, %get3A_1349] : memref<8192x128xf32, #tpu.memory_space<vmem>>, vector<64x128xf32>
    %reshape3A_1351 = vector.shape_cast %get3A_1350 : vector<64x128xf32> to vector<128x64xf32>
    %dot_general3A_1352 = arith.constant dense<0.000000e+00> : vector<64x128xf32>
    %dot_general3A_1353 = tpu.matmul %reshape3A_1351, %convert_element_type3A_1, %dot_general3A_1352 {dimension_numbers = #tpu.dot_dimension_numbers<[0], [0], [1], [1], [0, 1, 1, 1], [], []>, transpose_lhs_hint = false} : vector<128x64xf32>, vector<128x128xf32>, vector<64x128xf32> -> vector<64x128xf32>
    %reshape3A_1354 = vector.shape_cast %dot_general3A_1353 : vector<64x128xf32> to vector<8x8x128xf32>
    %swap3A_1355 = arith.constant 0 : index
    %swap3A_1356 = arith.constant 0 : index
    %swap3A_1357 = arith.constant 90 : index
    %swap3A_1358 = arith.constant 0 : index
    %swap3A_1359 = arith.constant 0 : index
    %swap3A_1360 = vector.load %arg3[%swap3A_1355, %swap3A_1356, %swap3A_1357, %swap3A_1358, %swap3A_1359] : memref<1x8x128x8x128xf32, #tpu.memory_space<vmem>>, vector<1x8x1x8x128xf32>
    %swap3A_1361 = vector.shape_cast %swap3A_1360 : vector<1x8x1x8x128xf32> to vector<8x8x128xf32>
    %swap3A_1362 = vector.shape_cast %reshape3A_1354 : vector<8x8x128xf32> to vector<1x8x1x8x128xf32>
    tpu.vector_store %arg3[%swap3A_1355, %swap3A_1356, %swap3A_1357, %swap3A_1358, %swap3A_1359], %swap3A_1362 {strides = array<i32>} : memref<1x8x128x8x128xf32, #tpu.memory_space<vmem>>, vector<1x8x1x8x128xf32>,
    %get3A_1363 = arith.constant 5824 : index
    %get3A_1364 = arith.constant 0 : index
    %get3A_1365 = vector.load %arg2[%get3A_1363, %get3A_1364] : memref<8192x128xf32, #tpu.memory_space<vmem>>, vector<64x128xf32>
    %reshape3A_1366 = vector.shape_cast %get3A_1365 : vector<64x128xf32> to vector<128x64xf32>
    %dot_general3A_1367 = arith.constant dense<0.000000e+00> : vector<64x128xf32>
    %dot_general3A_1368 = tpu.matmul %reshape3A_1366, %convert_element_type3A_1, %dot_general3A_1367 {dimension_numbers = #tpu.dot_dimension_numbers<[0], [0], [1], [1], [0, 1, 1, 1], [], []>, transpose_lhs_hint = false} : vector<128x64xf32>, vector<128x128xf32>, vector<64x128xf32> -> vector<64x128xf32>
    %reshape3A_1369 = vector.shape_cast %dot_general3A_1368 : vector<64x128xf32> to vector<8x8x128xf32>
    %swap3A_1370 = arith.constant 0 : index
    %swap3A_1371 = arith.constant 0 : index
    %swap3A_1372 = arith.constant 91 : index
    %swap3A_1373 = arith.constant 0 : index
    %swap3A_1374 = arith.constant 0 : index
    %swap3A_1375 = vector.load %arg3[%swap3A_1370, %swap3A_1371, %swap3A_1372, %swap3A_1373, %swap3A_1374] : memref<1x8x128x8x128xf32, #tpu.memory_space<vmem>>, vector<1x8x1x8x128xf32>
    %swap3A_1376 = vector.shape_cast %swap3A_1375 : vector<1x8x1x8x128xf32> to vector<8x8x128xf32>
    %swap3A_1377 = vector.shape_cast %reshape3A_1369 : vector<8x8x128xf32> to vector<1x8x1x8x128xf32>
    tpu.vector_store %arg3[%swap3A_1370, %swap3A_1371, %swap3A_1372, %swap3A_1373, %swap3A_1374], %swap3A_1377 {strides = array<i32>} : memref<1x8x128x8x128xf32, #tpu.memory_space<vmem>>, vector<1x8x1x8x128xf32>,
    %get3A_1378 = arith.constant 5888 : index
    %get3A_1379 = arith.constant 0 : index
    %get3A_1380 = vector.load %arg2[%get3A_1378, %get3A_1379] : memref<8192x128xf32, #tpu.memory_space<vmem>>, vector<64x128xf32>
    %reshape3A_1381 = vector.shape_cast %get3A_1380 : vector<64x128xf32> to vector<128x64xf32>
    %dot_general3A_1382 = arith.constant dense<0.000000e+00> : vector<64x128xf32>
    %dot_general3A_1383 = tpu.matmul %reshape3A_1381, %convert_element_type3A_1, %dot_general3A_1382 {dimension_numbers = #tpu.dot_dimension_numbers<[0], [0], [1], [1], [0, 1, 1, 1], [], []>, transpose_lhs_hint = false} : vector<128x64xf32>, vector<128x128xf32>, vector<64x128xf32> -> vector<64x128xf32>
    %reshape3A_1384 = vector.shape_cast %dot_general3A_1383 : vector<64x128xf32> to vector<8x8x128xf32>
    %swap3A_1385 = arith.constant 0 : index
    %swap3A_1386 = arith.constant 0 : index
    %swap3A_1387 = arith.constant 92 : index
    %swap3A_1388 = arith.constant 0 : index
    %swap3A_1389 = arith.constant 0 : index
    %swap3A_1390 = vector.load %arg3[%swap3A_1385, %swap3A_1386, %swap3A_1387, %swap3A_1388, %swap3A_1389] : memref<1x8x128x8x128xf32, #tpu.memory_space<vmem>>, vector<1x8x1x8x128xf32>
    %swap3A_1391 = vector.shape_cast %swap3A_1390 : vector<1x8x1x8x128xf32> to vector<8x8x128xf32>
    %swap3A_1392 = vector.shape_cast %reshape3A_1384 : vector<8x8x128xf32> to vector<1x8x1x8x128xf32>
    tpu.vector_store %arg3[%swap3A_1385, %swap3A_1386, %swap3A_1387, %swap3A_1388, %swap3A_1389], %swap3A_1392 {strides = array<i32>} : memref<1x8x128x8x128xf32, #tpu.memory_space<vmem>>, vector<1x8x1x8x128xf32>,
    %get3A_1393 = arith.constant 5952 : index
    %get3A_1394 = arith.constant 0 : index
    %get3A_1395 = vector.load %arg2[%get3A_1393, %get3A_1394] : memref<8192x128xf32, #tpu.memory_space<vmem>>, vector<64x128xf32>
    %reshape3A_1396 = vector.shape_cast %get3A_1395 : vector<64x128xf32> to vector<128x64xf32>
    %dot_general3A_1397 = arith.constant dense<0.000000e+00> : vector<64x128xf32>
    %dot_general3A_1398 = tpu.matmul %reshape3A_1396, %convert_element_type3A_1, %dot_general3A_1397 {dimension_numbers = #tpu.dot_dimension_numbers<[0], [0], [1], [1], [0, 1, 1, 1], [], []>, transpose_lhs_hint = false} : vector<128x64xf32>, vector<128x128xf32>, vector<64x128xf32> -> vector<64x128xf32>
    %reshape3A_1399 = vector.shape_cast %dot_general3A_1398 : vector<64x128xf32> to vector<8x8x128xf32>
    %swap3A_1400 = arith.constant 0 : index
    %swap3A_1401 = arith.constant 0 : index
    %swap3A_1402 = arith.constant 93 : index
    %swap3A_1403 = arith.constant 0 : index
    %swap3A_1404 = arith.constant 0 : index
    %swap3A_1405 = vector.load %arg3[%swap3A_1400, %swap3A_1401, %swap3A_1402, %swap3A_1403, %swap3A_1404] : memref<1x8x128x8x128xf32, #tpu.memory_space<vmem>>, vector<1x8x1x8x128xf32>
    %swap3A_1406 = vector.shape_cast %swap3A_1405 : vector<1x8x1x8x128xf32> to vector<8x8x128xf32>
    %swap3A_1407 = vector.shape_cast %reshape3A_1399 : vector<8x8x128xf32> to vector<1x8x1x8x128xf32>
    tpu.vector_store %arg3[%swap3A_1400, %swap3A_1401, %swap3A_1402, %swap3A_1403, %swap3A_1404], %swap3A_1407 {strides = array<i32>} : memref<1x8x128x8x128xf32, #tpu.memory_space<vmem>>, vector<1x8x1x8x128xf32>,
    %get3A_1408 = arith.constant 6016 : index
    %get3A_1409 = arith.constant 0 : index
    %get3A_1410 = vector.load %arg2[%get3A_1408, %get3A_1409] : memref<8192x128xf32, #tpu.memory_space<vmem>>, vector<64x128xf32>
    %reshape3A_1411 = vector.shape_cast %get3A_1410 : vector<64x128xf32> to vector<128x64xf32>
    %dot_general3A_1412 = arith.constant dense<0.000000e+00> : vector<64x128xf32>
    %dot_general3A_1413 = tpu.matmul %reshape3A_1411, %convert_element_type3A_1, %dot_general3A_1412 {dimension_numbers = #tpu.dot_dimension_numbers<[0], [0], [1], [1], [0, 1, 1, 1], [], []>, transpose_lhs_hint = false} : vector<128x64xf32>, vector<128x128xf32>, vector<64x128xf32> -> vector<64x128xf32>
    %reshape3A_1414 = vector.shape_cast %dot_general3A_1413 : vector<64x128xf32> to vector<8x8x128xf32>
    %swap3A_1415 = arith.constant 0 : index
    %swap3A_1416 = arith.constant 0 : index
    %swap3A_1417 = arith.constant 94 : index
    %swap3A_1418 = arith.constant 0 : index
    %swap3A_1419 = arith.constant 0 : index
    %swap3A_1420 = vector.load %arg3[%swap3A_1415, %swap3A_1416, %swap3A_1417, %swap3A_1418, %swap3A_1419] : memref<1x8x128x8x128xf32, #tpu.memory_space<vmem>>, vector<1x8x1x8x128xf32>
    %swap3A_1421 = vector.shape_cast %swap3A_1420 : vector<1x8x1x8x128xf32> to vector<8x8x128xf32>
    %swap3A_1422 = vector.shape_cast %reshape3A_1414 : vector<8x8x128xf32> to vector<1x8x1x8x128xf32>
    tpu.vector_store %arg3[%swap3A_1415, %swap3A_1416, %swap3A_1417, %swap3A_1418, %swap3A_1419], %swap3A_1422 {strides = array<i32>} : memref<1x8x128x8x128xf32, #tpu.memory_space<vmem>>, vector<1x8x1x8x128xf32>,
    %get3A_1423 = arith.constant 6080 : index
    %get3A_1424 = arith.constant 0 : index
    %get3A_1425 = vector.load %arg2[%get3A_1423, %get3A_1424] : memref<8192x128xf32, #tpu.memory_space<vmem>>, vector<64x128xf32>
    %reshape3A_1426 = vector.shape_cast %get3A_1425 : vector<64x128xf32> to vector<128x64xf32>
    %dot_general3A_1427 = arith.constant dense<0.000000e+00> : vector<64x128xf32>
    %dot_general3A_1428 = tpu.matmul %reshape3A_1426, %convert_element_type3A_1, %dot_general3A_1427 {dimension_numbers = #tpu.dot_dimension_numbers<[0], [0], [1], [1], [0, 1, 1, 1], [], []>, transpose_lhs_hint = false} : vector<128x64xf32>, vector<128x128xf32>, vector<64x128xf32> -> vector<64x128xf32>
    %reshape3A_1429 = vector.shape_cast %dot_general3A_1428 : vector<64x128xf32> to vector<8x8x128xf32>
    %swap3A_1430 = arith.constant 0 : index
    %swap3A_1431 = arith.constant 0 : index
    %swap3A_1432 = arith.constant 95 : index
    %swap3A_1433 = arith.constant 0 : index
    %swap3A_1434 = arith.constant 0 : index
    %swap3A_1435 = vector.load %arg3[%swap3A_1430, %swap3A_1431, %swap3A_1432, %swap3A_1433, %swap3A_1434] : memref<1x8x128x8x128xf32, #tpu.memory_space<vmem>>, vector<1x8x1x8x128xf32>
    %swap3A_1436 = vector.shape_cast %swap3A_1435 : vector<1x8x1x8x128xf32> to vector<8x8x128xf32>
    %swap3A_1437 = vector.shape_cast %reshape3A_1429 : vector<8x8x128xf32> to vector<1x8x1x8x128xf32>
    tpu.vector_store %arg3[%swap3A_1430, %swap3A_1431, %swap3A_1432, %swap3A_1433, %swap3A_1434], %swap3A_1437 {strides = array<i32>} : memref<1x8x128x8x128xf32, #tpu.memory_space<vmem>>, vector<1x8x1x8x128xf32>,
    %get3A_1438 = arith.constant 6144 : index
    %get3A_1439 = arith.constant 0 : index
    %get3A_1440 = vector.load %arg2[%get3A_1438, %get3A_1439] : memref<8192x128xf32, #tpu.memory_space<vmem>>, vector<64x128xf32>
    %reshape3A_1441 = vector.shape_cast %get3A_1440 : vector<64x128xf32> to vector<128x64xf32>
    %dot_general3A_1442 = arith.constant dense<0.000000e+00> : vector<64x128xf32>
    %dot_general3A_1443 = tpu.matmul %reshape3A_1441, %convert_element_type3A_1, %dot_general3A_1442 {dimension_numbers = #tpu.dot_dimension_numbers<[0], [0], [1], [1], [0, 1, 1, 1], [], []>, transpose_lhs_hint = false} : vector<128x64xf32>, vector<128x128xf32>, vector<64x128xf32> -> vector<64x128xf32>
    %reshape3A_1444 = vector.shape_cast %dot_general3A_1443 : vector<64x128xf32> to vector<8x8x128xf32>
    %swap3A_1445 = arith.constant 0 : index
    %swap3A_1446 = arith.constant 0 : index
    %swap3A_1447 = arith.constant 96 : index
    %swap3A_1448 = arith.constant 0 : index
    %swap3A_1449 = arith.constant 0 : index
    %swap3A_1450 = vector.load %arg3[%swap3A_1445, %swap3A_1446, %swap3A_1447, %swap3A_1448, %swap3A_1449] : memref<1x8x128x8x128xf32, #tpu.memory_space<vmem>>, vector<1x8x1x8x128xf32>
    %swap3A_1451 = vector.shape_cast %swap3A_1450 : vector<1x8x1x8x128xf32> to vector<8x8x128xf32>
    %swap3A_1452 = vector.shape_cast %reshape3A_1444 : vector<8x8x128xf32> to vector<1x8x1x8x128xf32>
    tpu.vector_store %arg3[%swap3A_1445, %swap3A_1446, %swap3A_1447, %swap3A_1448, %swap3A_1449], %swap3A_1452 {strides = array<i32>} : memref<1x8x128x8x128xf32, #tpu.memory_space<vmem>>, vector<1x8x1x8x128xf32>,
    %get3A_1453 = arith.constant 6208 : index
    %get3A_1454 = arith.constant 0 : index
    %get3A_1455 = vector.load %arg2[%get3A_1453, %get3A_1454] : memref<8192x128xf32, #tpu.memory_space<vmem>>, vector<64x128xf32>
    %reshape3A_1456 = vector.shape_cast %get3A_1455 : vector<64x128xf32> to vector<128x64xf32>
    %dot_general3A_1457 = arith.constant dense<0.000000e+00> : vector<64x128xf32>
    %dot_general3A_1458 = tpu.matmul %reshape3A_1456, %convert_element_type3A_1, %dot_general3A_1457 {dimension_numbers = #tpu.dot_dimension_numbers<[0], [0], [1], [1], [0, 1, 1, 1], [], []>, transpose_lhs_hint = false} : vector<128x64xf32>, vector<128x128xf32>, vector<64x128xf32> -> vector<64x128xf32>
    %reshape3A_1459 = vector.shape_cast %dot_general3A_1458 : vector<64x128xf32> to vector<8x8x128xf32>
    %swap3A_1460 = arith.constant 0 : index
    %swap3A_1461 = arith.constant 0 : index
    %swap3A_1462 = arith.constant 97 : index
    %swap3A_1463 = arith.constant 0 : index
    %swap3A_1464 = arith.constant 0 : index
    %swap3A_1465 = vector.load %arg3[%swap3A_1460, %swap3A_1461, %swap3A_1462, %swap3A_1463, %swap3A_1464] : memref<1x8x128x8x128xf32, #tpu.memory_space<vmem>>, vector<1x8x1x8x128xf32>
    %swap3A_1466 = vector.shape_cast %swap3A_1465 : vector<1x8x1x8x128xf32> to vector<8x8x128xf32>
    %swap3A_1467 = vector.shape_cast %reshape3A_1459 : vector<8x8x128xf32> to vector<1x8x1x8x128xf32>
    tpu.vector_store %arg3[%swap3A_1460, %swap3A_1461, %swap3A_1462, %swap3A_1463, %swap3A_1464], %swap3A_1467 {strides = array<i32>} : memref<1x8x128x8x128xf32, #tpu.memory_space<vmem>>, vector<1x8x1x8x128xf32>,
    %get3A_1468 = arith.constant 6272 : index
    %get3A_1469 = arith.constant 0 : index
    %get3A_1470 = vector.load %arg2[%get3A_1468, %get3A_1469] : memref<8192x128xf32, #tpu.memory_space<vmem>>, vector<64x128xf32>
    %reshape3A_1471 = vector.shape_cast %get3A_1470 : vector<64x128xf32> to vector<128x64xf32>
    %dot_general3A_1472 = arith.constant dense<0.000000e+00> : vector<64x128xf32>
    %dot_general3A_1473 = tpu.matmul %reshape3A_1471, %convert_element_type3A_1, %dot_general3A_1472 {dimension_numbers = #tpu.dot_dimension_numbers<[0], [0], [1], [1], [0, 1, 1, 1], [], []>, transpose_lhs_hint = false} : vector<128x64xf32>, vector<128x128xf32>, vector<64x128xf32> -> vector<64x128xf32>
    %reshape3A_1474 = vector.shape_cast %dot_general3A_1473 : vector<64x128xf32> to vector<8x8x128xf32>
    %swap3A_1475 = arith.constant 0 : index
    %swap3A_1476 = arith.constant 0 : index
    %swap3A_1477 = arith.constant 98 : index
    %swap3A_1478 = arith.constant 0 : index
    %swap3A_1479 = arith.constant 0 : index
    %swap3A_1480 = vector.load %arg3[%swap3A_1475, %swap3A_1476, %swap3A_1477, %swap3A_1478, %swap3A_1479] : memref<1x8x128x8x128xf32, #tpu.memory_space<vmem>>, vector<1x8x1x8x128xf32>
    %swap3A_1481 = vector.shape_cast %swap3A_1480 : vector<1x8x1x8x128xf32> to vector<8x8x128xf32>
    %swap3A_1482 = vector.shape_cast %reshape3A_1474 : vector<8x8x128xf32> to vector<1x8x1x8x128xf32>
    tpu.vector_store %arg3[%swap3A_1475, %swap3A_1476, %swap3A_1477, %swap3A_1478, %swap3A_1479], %swap3A_1482 {strides = array<i32>} : memref<1x8x128x8x128xf32, #tpu.memory_space<vmem>>, vector<1x8x1x8x128xf32>,
    %get3A_1483 = arith.constant 6336 : index
    %get3A_1484 = arith.constant 0 : index
    %get3A_1485 = vector.load %arg2[%get3A_1483, %get3A_1484] : memref<8192x128xf32, #tpu.memory_space<vmem>>, vector<64x128xf32>
    %reshape3A_1486 = vector.shape_cast %get3A_1485 : vector<64x128xf32> to vector<128x64xf32>
    %dot_general3A_1487 = arith.constant dense<0.000000e+00> : vector<64x128xf32>
    %dot_general3A_1488 = tpu.matmul %reshape3A_1486, %convert_element_type3A_1, %dot_general3A_1487 {dimension_numbers = #tpu.dot_dimension_numbers<[0], [0], [1], [1], [0, 1, 1, 1], [], []>, transpose_lhs_hint = false} : vector<128x64xf32>, vector<128x128xf32>, vector<64x128xf32> -> vector<64x128xf32>
    %reshape3A_1489 = vector.shape_cast %dot_general3A_1488 : vector<64x128xf32> to vector<8x8x128xf32>
    %swap3A_1490 = arith.constant 0 : index
    %swap3A_1491 = arith.constant 0 : index
    %swap3A_1492 = arith.constant 99 : index
    %swap3A_1493 = arith.constant 0 : index
    %swap3A_1494 = arith.constant 0 : index
    %swap3A_1495 = vector.load %arg3[%swap3A_1490, %swap3A_1491, %swap3A_1492, %swap3A_1493, %swap3A_1494] : memref<1x8x128x8x128xf32, #tpu.memory_space<vmem>>, vector<1x8x1x8x128xf32>
    %swap3A_1496 = vector.shape_cast %swap3A_1495 : vector<1x8x1x8x128xf32> to vector<8x8x128xf32>
    %swap3A_1497 = vector.shape_cast %reshape3A_1489 : vector<8x8x128xf32> to vector<1x8x1x8x128xf32>
    tpu.vector_store %arg3[%swap3A_1490, %swap3A_1491, %swap3A_1492, %swap3A_1493, %swap3A_1494], %swap3A_1497 {strides = array<i32>} : memref<1x8x128x8x128xf32, #tpu.memory_space<vmem>>, vector<1x8x1x8x128xf32>,
    %get3A_1498 = arith.constant 6400 : index
    %get3A_1499 = arith.constant 0 : index
    %get3A_1500 = vector.load %arg2[%get3A_1498, %get3A_1499] : memref<8192x128xf32, #tpu.memory_space<vmem>>, vector<64x128xf32>
    %reshape3A_1501 = vector.shape_cast %get3A_1500 : vector<64x128xf32> to vector<128x64xf32>
    %dot_general3A_1502 = arith.constant dense<0.000000e+00> : vector<64x128xf32>
    %dot_general3A_1503 = tpu.matmul %reshape3A_1501, %convert_element_type3A_1, %dot_general3A_1502 {dimension_numbers = #tpu.dot_dimension_numbers<[0], [0], [1], [1], [0, 1, 1, 1], [], []>, transpose_lhs_hint = false} : vector<128x64xf32>, vector<128x128xf32>, vector<64x128xf32> -> vector<64x128xf32>
    %reshape3A_1504 = vector.shape_cast %dot_general3A_1503 : vector<64x128xf32> to vector<8x8x128xf32>
    %swap3A_1505 = arith.constant 0 : index
    %swap3A_1506 = arith.constant 0 : index
    %swap3A_1507 = arith.constant 100 : index
    %swap3A_1508 = arith.constant 0 : index
    %swap3A_1509 = arith.constant 0 : index
    %swap3A_1510 = vector.load %arg3[%swap3A_1505, %swap3A_1506, %swap3A_1507, %swap3A_1508, %swap3A_1509] : memref<1x8x128x8x128xf32, #tpu.memory_space<vmem>>, vector<1x8x1x8x128xf32>
    %swap3A_1511 = vector.shape_cast %swap3A_1510 : vector<1x8x1x8x128xf32> to vector<8x8x128xf32>
    %swap3A_1512 = vector.shape_cast %reshape3A_1504 : vector<8x8x128xf32> to vector<1x8x1x8x128xf32>
    tpu.vector_store %arg3[%swap3A_1505, %swap3A_1506, %swap3A_1507, %swap3A_1508, %swap3A_1509], %swap3A_1512 {strides = array<i32>} : memref<1x8x128x8x128xf32, #tpu.memory_space<vmem>>, vector<1x8x1x8x128xf32>,
    %get3A_1513 = arith.constant 6464 : index
    %get3A_1514 = arith.constant 0 : index
    %get3A_1515 = vector.load %arg2[%get3A_1513, %get3A_1514] : memref<8192x128xf32, #tpu.memory_space<vmem>>, vector<64x128xf32>
    %reshape3A_1516 = vector.shape_cast %get3A_1515 : vector<64x128xf32> to vector<128x64xf32>
    %dot_general3A_1517 = arith.constant dense<0.000000e+00> : vector<64x128xf32>
    %dot_general3A_1518 = tpu.matmul %reshape3A_1516, %convert_element_type3A_1, %dot_general3A_1517 {dimension_numbers = #tpu.dot_dimension_numbers<[0], [0], [1], [1], [0, 1, 1, 1], [], []>, transpose_lhs_hint = false} : vector<128x64xf32>, vector<128x128xf32>, vector<64x128xf32> -> vector<64x128xf32>
    %reshape3A_1519 = vector.shape_cast %dot_general3A_1518 : vector<64x128xf32> to vector<8x8x128xf32>
    %swap3A_1520 = arith.constant 0 : index
    %swap3A_1521 = arith.constant 0 : index
    %swap3A_1522 = arith.constant 101 : index
    %swap3A_1523 = arith.constant 0 : index
    %swap3A_1524 = arith.constant 0 : index
    %swap3A_1525 = vector.load %arg3[%swap3A_1520, %swap3A_1521, %swap3A_1522, %swap3A_1523, %swap3A_1524] : memref<1x8x128x8x128xf32, #tpu.memory_space<vmem>>, vector<1x8x1x8x128xf32>
    %swap3A_1526 = vector.shape_cast %swap3A_1525 : vector<1x8x1x8x128xf32> to vector<8x8x128xf32>
    %swap3A_1527 = vector.shape_cast %reshape3A_1519 : vector<8x8x128xf32> to vector<1x8x1x8x128xf32>
    tpu.vector_store %arg3[%swap3A_1520, %swap3A_1521, %swap3A_1522, %swap3A_1523, %swap3A_1524], %swap3A_1527 {strides = array<i32>} : memref<1x8x128x8x128xf32, #tpu.memory_space<vmem>>, vector<1x8x1x8x128xf32>,
    %get3A_1528 = arith.constant 6528 : index
    %get3A_1529 = arith.constant 0 : index
    %get3A_1530 = vector.load %arg2[%get3A_1528, %get3A_1529] : memref<8192x128xf32, #tpu.memory_space<vmem>>, vector<64x128xf32>
    %reshape3A_1531 = vector.shape_cast %get3A_1530 : vector<64x128xf32> to vector<128x64xf32>
    %dot_general3A_1532 = arith.constant dense<0.000000e+00> : vector<64x128xf32>
    %dot_general3A_1533 = tpu.matmul %reshape3A_1531, %convert_element_type3A_1, %dot_general3A_1532 {dimension_numbers = #tpu.dot_dimension_numbers<[0], [0], [1], [1], [0, 1, 1, 1], [], []>, transpose_lhs_hint = false} : vector<128x64xf32>, vector<128x128xf32>, vector<64x128xf32> -> vector<64x128xf32>
    %reshape3A_1534 = vector.shape_cast %dot_general3A_1533 : vector<64x128xf32> to vector<8x8x128xf32>
    %swap3A_1535 = arith.constant 0 : index
    %swap3A_1536 = arith.constant 0 : index
    %swap3A_1537 = arith.constant 102 : index
    %swap3A_1538 = arith.constant 0 : index
    %swap3A_1539 = arith.constant 0 : index
    %swap3A_1540 = vector.load %arg3[%swap3A_1535, %swap3A_1536, %swap3A_1537, %swap3A_1538, %swap3A_1539] : memref<1x8x128x8x128xf32, #tpu.memory_space<vmem>>, vector<1x8x1x8x128xf32>
    %swap3A_1541 = vector.shape_cast %swap3A_1540 : vector<1x8x1x8x128xf32> to vector<8x8x128xf32>
    %swap3A_1542 = vector.shape_cast %reshape3A_1534 : vector<8x8x128xf32> to vector<1x8x1x8x128xf32>
    tpu.vector_store %arg3[%swap3A_1535, %swap3A_1536, %swap3A_1537, %swap3A_1538, %swap3A_1539], %swap3A_1542 {strides = array<i32>} : memref<1x8x128x8x128xf32, #tpu.memory_space<vmem>>, vector<1x8x1x8x128xf32>,
    %get3A_1543 = arith.constant 6592 : index
    %get3A_1544 = arith.constant 0 : index
    %get3A_1545 = vector.load %arg2[%get3A_1543, %get3A_1544] : memref<8192x128xf32, #tpu.memory_space<vmem>>, vector<64x128xf32>
    %reshape3A_1546 = vector.shape_cast %get3A_1545 : vector<64x128xf32> to vector<128x64xf32>
    %dot_general3A_1547 = arith.constant dense<0.000000e+00> : vector<64x128xf32>
    %dot_general3A_1548 = tpu.matmul %reshape3A_1546, %convert_element_type3A_1, %dot_general3A_1547 {dimension_numbers = #tpu.dot_dimension_numbers<[0], [0], [1], [1], [0, 1, 1, 1], [], []>, transpose_lhs_hint = false} : vector<128x64xf32>, vector<128x128xf32>, vector<64x128xf32> -> vector<64x128xf32>
    %reshape3A_1549 = vector.shape_cast %dot_general3A_1548 : vector<64x128xf32> to vector<8x8x128xf32>
    %swap3A_1550 = arith.constant 0 : index
    %swap3A_1551 = arith.constant 0 : index
    %swap3A_1552 = arith.constant 103 : index
    %swap3A_1553 = arith.constant 0 : index
    %swap3A_1554 = arith.constant 0 : index
    %swap3A_1555 = vector.load %arg3[%swap3A_1550, %swap3A_1551, %swap3A_1552, %swap3A_1553, %swap3A_1554] : memref<1x8x128x8x128xf32, #tpu.memory_space<vmem>>, vector<1x8x1x8x128xf32>
    %swap3A_1556 = vector.shape_cast %swap3A_1555 : vector<1x8x1x8x128xf32> to vector<8x8x128xf32>
    %swap3A_1557 = vector.shape_cast %reshape3A_1549 : vector<8x8x128xf32> to vector<1x8x1x8x128xf32>
    tpu.vector_store %arg3[%swap3A_1550, %swap3A_1551, %swap3A_1552, %swap3A_1553, %swap3A_1554], %swap3A_1557 {strides = array<i32>} : memref<1x8x128x8x128xf32, #tpu.memory_space<vmem>>, vector<1x8x1x8x128xf32>,
    %get3A_1558 = arith.constant 6656 : index
    %get3A_1559 = arith.constant 0 : index
    %get3A_1560 = vector.load %arg2[%get3A_1558, %get3A_1559] : memref<8192x128xf32, #tpu.memory_space<vmem>>, vector<64x128xf32>
    %reshape3A_1561 = vector.shape_cast %get3A_1560 : vector<64x128xf32> to vector<128x64xf32>
    %dot_general3A_1562 = arith.constant dense<0.000000e+00> : vector<64x128xf32>
    %dot_general3A_1563 = tpu.matmul %reshape3A_1561, %convert_element_type3A_1, %dot_general3A_1562 {dimension_numbers = #tpu.dot_dimension_numbers<[0], [0], [1], [1], [0, 1, 1, 1], [], []>, transpose_lhs_hint = false} : vector<128x64xf32>, vector<128x128xf32>, vector<64x128xf32> -> vector<64x128xf32>
    %reshape3A_1564 = vector.shape_cast %dot_general3A_1563 : vector<64x128xf32> to vector<8x8x128xf32>
    %swap3A_1565 = arith.constant 0 : index
    %swap3A_1566 = arith.constant 0 : index
    %swap3A_1567 = arith.constant 104 : index
    %swap3A_1568 = arith.constant 0 : index
    %swap3A_1569 = arith.constant 0 : index
    %swap3A_1570 = vector.load %arg3[%swap3A_1565, %swap3A_1566, %swap3A_1567, %swap3A_1568, %swap3A_1569] : memref<1x8x128x8x128xf32, #tpu.memory_space<vmem>>, vector<1x8x1x8x128xf32>
    %swap3A_1571 = vector.shape_cast %swap3A_1570 : vector<1x8x1x8x128xf32> to vector<8x8x128xf32>
    %swap3A_1572 = vector.shape_cast %reshape3A_1564 : vector<8x8x128xf32> to vector<1x8x1x8x128xf32>
    tpu.vector_store %arg3[%swap3A_1565, %swap3A_1566, %swap3A_1567, %swap3A_1568, %swap3A_1569], %swap3A_1572 {strides = array<i32>} : memref<1x8x128x8x128xf32, #tpu.memory_space<vmem>>, vector<1x8x1x8x128xf32>,
    %get3A_1573 = arith.constant 6720 : index
    %get3A_1574 = arith.constant 0 : index
    %get3A_1575 = vector.load %arg2[%get3A_1573, %get3A_1574] : memref<8192x128xf32, #tpu.memory_space<vmem>>, vector<64x128xf32>
    %reshape3A_1576 = vector.shape_cast %get3A_1575 : vector<64x128xf32> to vector<128x64xf32>
    %dot_general3A_1577 = arith.constant dense<0.000000e+00> : vector<64x128xf32>
    %dot_general3A_1578 = tpu.matmul %reshape3A_1576, %convert_element_type3A_1, %dot_general3A_1577 {dimension_numbers = #tpu.dot_dimension_numbers<[0], [0], [1], [1], [0, 1, 1, 1], [], []>, transpose_lhs_hint = false} : vector<128x64xf32>, vector<128x128xf32>, vector<64x128xf32> -> vector<64x128xf32>
    %reshape3A_1579 = vector.shape_cast %dot_general3A_1578 : vector<64x128xf32> to vector<8x8x128xf32>
    %swap3A_1580 = arith.constant 0 : index
    %swap3A_1581 = arith.constant 0 : index
    %swap3A_1582 = arith.constant 105 : index
    %swap3A_1583 = arith.constant 0 : index
    %swap3A_1584 = arith.constant 0 : index
    %swap3A_1585 = vector.load %arg3[%swap3A_1580, %swap3A_1581, %swap3A_1582, %swap3A_1583, %swap3A_1584] : memref<1x8x128x8x128xf32, #tpu.memory_space<vmem>>, vector<1x8x1x8x128xf32>
    %swap3A_1586 = vector.shape_cast %swap3A_1585 : vector<1x8x1x8x128xf32> to vector<8x8x128xf32>
    %swap3A_1587 = vector.shape_cast %reshape3A_1579 : vector<8x8x128xf32> to vector<1x8x1x8x128xf32>
    tpu.vector_store %arg3[%swap3A_1580, %swap3A_1581, %swap3A_1582, %swap3A_1583, %swap3A_1584], %swap3A_1587 {strides = array<i32>} : memref<1x8x128x8x128xf32, #tpu.memory_space<vmem>>, vector<1x8x1x8x128xf32>,
    %get3A_1588 = arith.constant 6784 : index
    %get3A_1589 = arith.constant 0 : index
    %get3A_1590 = vector.load %arg2[%get3A_1588, %get3A_1589] : memref<8192x128xf32, #tpu.memory_space<vmem>>, vector<64x128xf32>
    %reshape3A_1591 = vector.shape_cast %get3A_1590 : vector<64x128xf32> to vector<128x64xf32>
    %dot_general3A_1592 = arith.constant dense<0.000000e+00> : vector<64x128xf32>
    %dot_general3A_1593 = tpu.matmul %reshape3A_1591, %convert_element_type3A_1, %dot_general3A_1592 {dimension_numbers = #tpu.dot_dimension_numbers<[0], [0], [1], [1], [0, 1, 1, 1], [], []>, transpose_lhs_hint = false} : vector<128x64xf32>, vector<128x128xf32>, vector<64x128xf32> -> vector<64x128xf32>
    %reshape3A_1594 = vector.shape_cast %dot_general3A_1593 : vector<64x128xf32> to vector<8x8x128xf32>
    %swap3A_1595 = arith.constant 0 : index
    %swap3A_1596 = arith.constant 0 : index
    %swap3A_1597 = arith.constant 106 : index
    %swap3A_1598 = arith.constant 0 : index
    %swap3A_1599 = arith.constant 0 : index
    %swap3A_1600 = vector.load %arg3[%swap3A_1595, %swap3A_1596, %swap3A_1597, %swap3A_1598, %swap3A_1599] : memref<1x8x128x8x128xf32, #tpu.memory_space<vmem>>, vector<1x8x1x8x128xf32>
    %swap3A_1601 = vector.shape_cast %swap3A_1600 : vector<1x8x1x8x128xf32> to vector<8x8x128xf32>
    %swap3A_1602 = vector.shape_cast %reshape3A_1594 : vector<8x8x128xf32> to vector<1x8x1x8x128xf32>
    tpu.vector_store %arg3[%swap3A_1595, %swap3A_1596, %swap3A_1597, %swap3A_1598, %swap3A_1599], %swap3A_1602 {strides = array<i32>} : memref<1x8x128x8x128xf32, #tpu.memory_space<vmem>>, vector<1x8x1x8x128xf32>,
    %get3A_1603 = arith.constant 6848 : index
    %get3A_1604 = arith.constant 0 : index
    %get3A_1605 = vector.load %arg2[%get3A_1603, %get3A_1604] : memref<8192x128xf32, #tpu.memory_space<vmem>>, vector<64x128xf32>
    %reshape3A_1606 = vector.shape_cast %get3A_1605 : vector<64x128xf32> to vector<128x64xf32>
    %dot_general3A_1607 = arith.constant dense<0.000000e+00> : vector<64x128xf32>
    %dot_general3A_1608 = tpu.matmul %reshape3A_1606, %convert_element_type3A_1, %dot_general3A_1607 {dimension_numbers = #tpu.dot_dimension_numbers<[0], [0], [1], [1], [0, 1, 1, 1], [], []>, transpose_lhs_hint = false} : vector<128x64xf32>, vector<128x128xf32>, vector<64x128xf32> -> vector<64x128xf32>
    %reshape3A_1609 = vector.shape_cast %dot_general3A_1608 : vector<64x128xf32> to vector<8x8x128xf32>
    %swap3A_1610 = arith.constant 0 : index
    %swap3A_1611 = arith.constant 0 : index
    %swap3A_1612 = arith.constant 107 : index
    %swap3A_1613 = arith.constant 0 : index
    %swap3A_1614 = arith.constant 0 : index
    %swap3A_1615 = vector.load %arg3[%swap3A_1610, %swap3A_1611, %swap3A_1612, %swap3A_1613, %swap3A_1614] : memref<1x8x128x8x128xf32, #tpu.memory_space<vmem>>, vector<1x8x1x8x128xf32>
    %swap3A_1616 = vector.shape_cast %swap3A_1615 : vector<1x8x1x8x128xf32> to vector<8x8x128xf32>
    %swap3A_1617 = vector.shape_cast %reshape3A_1609 : vector<8x8x128xf32> to vector<1x8x1x8x128xf32>
    tpu.vector_store %arg3[%swap3A_1610, %swap3A_1611, %swap3A_1612, %swap3A_1613, %swap3A_1614], %swap3A_1617 {strides = array<i32>} : memref<1x8x128x8x128xf32, #tpu.memory_space<vmem>>, vector<1x8x1x8x128xf32>,
    %get3A_1618 = arith.constant 6912 : index
    %get3A_1619 = arith.constant 0 : index
    %get3A_1620 = vector.load %arg2[%get3A_1618, %get3A_1619] : memref<8192x128xf32, #tpu.memory_space<vmem>>, vector<64x128xf32>
    %reshape3A_1621 = vector.shape_cast %get3A_1620 : vector<64x128xf32> to vector<128x64xf32>
    %dot_general3A_1622 = arith.constant dense<0.000000e+00> : vector<64x128xf32>
    %dot_general3A_1623 = tpu.matmul %reshape3A_1621, %convert_element_type3A_1, %dot_general3A_1622 {dimension_numbers = #tpu.dot_dimension_numbers<[0], [0], [1], [1], [0, 1, 1, 1], [], []>, transpose_lhs_hint = false} : vector<128x64xf32>, vector<128x128xf32>, vector<64x128xf32> -> vector<64x128xf32>
    %reshape3A_1624 = vector.shape_cast %dot_general3A_1623 : vector<64x128xf32> to vector<8x8x128xf32>
    %swap3A_1625 = arith.constant 0 : index
    %swap3A_1626 = arith.constant 0 : index
    %swap3A_1627 = arith.constant 108 : index
    %swap3A_1628 = arith.constant 0 : index
    %swap3A_1629 = arith.constant 0 : index
    %swap3A_1630 = vector.load %arg3[%swap3A_1625, %swap3A_1626, %swap3A_1627, %swap3A_1628, %swap3A_1629] : memref<1x8x128x8x128xf32, #tpu.memory_space<vmem>>, vector<1x8x1x8x128xf32>
    %swap3A_1631 = vector.shape_cast %swap3A_1630 : vector<1x8x1x8x128xf32> to vector<8x8x128xf32>
    %swap3A_1632 = vector.shape_cast %reshape3A_1624 : vector<8x8x128xf32> to vector<1x8x1x8x128xf32>
    tpu.vector_store %arg3[%swap3A_1625, %swap3A_1626, %swap3A_1627, %swap3A_1628, %swap3A_1629], %swap3A_1632 {strides = array<i32>} : memref<1x8x128x8x128xf32, #tpu.memory_space<vmem>>, vector<1x8x1x8x128xf32>,
    %get3A_1633 = arith.constant 6976 : index
    %get3A_1634 = arith.constant 0 : index
    %get3A_1635 = vector.load %arg2[%get3A_1633, %get3A_1634] : memref<8192x128xf32, #tpu.memory_space<vmem>>, vector<64x128xf32>
    %reshape3A_1636 = vector.shape_cast %get3A_1635 : vector<64x128xf32> to vector<128x64xf32>
    %dot_general3A_1637 = arith.constant dense<0.000000e+00> : vector<64x128xf32>
    %dot_general3A_1638 = tpu.matmul %reshape3A_1636, %convert_element_type3A_1, %dot_general3A_1637 {dimension_numbers = #tpu.dot_dimension_numbers<[0], [0], [1], [1], [0, 1, 1, 1], [], []>, transpose_lhs_hint = false} : vector<128x64xf32>, vector<128x128xf32>, vector<64x128xf32> -> vector<64x128xf32>
    %reshape3A_1639 = vector.shape_cast %dot_general3A_1638 : vector<64x128xf32> to vector<8x8x128xf32>
    %swap3A_1640 = arith.constant 0 : index
    %swap3A_1641 = arith.constant 0 : index
    %swap3A_1642 = arith.constant 109 : index
    %swap3A_1643 = arith.constant 0 : index
    %swap3A_1644 = arith.constant 0 : index
    %swap3A_1645 = vector.load %arg3[%swap3A_1640, %swap3A_1641, %swap3A_1642, %swap3A_1643, %swap3A_1644] : memref<1x8x128x8x128xf32, #tpu.memory_space<vmem>>, vector<1x8x1x8x128xf32>
    %swap3A_1646 = vector.shape_cast %swap3A_1645 : vector<1x8x1x8x128xf32> to vector<8x8x128xf32>
    %swap3A_1647 = vector.shape_cast %reshape3A_1639 : vector<8x8x128xf32> to vector<1x8x1x8x128xf32>
    tpu.vector_store %arg3[%swap3A_1640, %swap3A_1641, %swap3A_1642, %swap3A_1643, %swap3A_1644], %swap3A_1647 {strides = array<i32>} : memref<1x8x128x8x128xf32, #tpu.memory_space<vmem>>, vector<1x8x1x8x128xf32>,
    %get3A_1648 = arith.constant 7040 : index
    %get3A_1649 = arith.constant 0 : index
    %get3A_1650 = vector.load %arg2[%get3A_1648, %get3A_1649] : memref<8192x128xf32, #tpu.memory_space<vmem>>, vector<64x128xf32>
    %reshape3A_1651 = vector.shape_cast %get3A_1650 : vector<64x128xf32> to vector<128x64xf32>
    %dot_general3A_1652 = arith.constant dense<0.000000e+00> : vector<64x128xf32>
    %dot_general3A_1653 = tpu.matmul %reshape3A_1651, %convert_element_type3A_1, %dot_general3A_1652 {dimension_numbers = #tpu.dot_dimension_numbers<[0], [0], [1], [1], [0, 1, 1, 1], [], []>, transpose_lhs_hint = false} : vector<128x64xf32>, vector<128x128xf32>, vector<64x128xf32> -> vector<64x128xf32>
    %reshape3A_1654 = vector.shape_cast %dot_general3A_1653 : vector<64x128xf32> to vector<8x8x128xf32>
    %swap3A_1655 = arith.constant 0 : index
    %swap3A_1656 = arith.constant 0 : index
    %swap3A_1657 = arith.constant 110 : index
    %swap3A_1658 = arith.constant 0 : index
    %swap3A_1659 = arith.constant 0 : index
    %swap3A_1660 = vector.load %arg3[%swap3A_1655, %swap3A_1656, %swap3A_1657, %swap3A_1658, %swap3A_1659] : memref<1x8x128x8x128xf32, #tpu.memory_space<vmem>>, vector<1x8x1x8x128xf32>
    %swap3A_1661 = vector.shape_cast %swap3A_1660 : vector<1x8x1x8x128xf32> to vector<8x8x128xf32>
    %swap3A_1662 = vector.shape_cast %reshape3A_1654 : vector<8x8x128xf32> to vector<1x8x1x8x128xf32>
    tpu.vector_store %arg3[%swap3A_1655, %swap3A_1656, %swap3A_1657, %swap3A_1658, %swap3A_1659], %swap3A_1662 {strides = array<i32>} : memref<1x8x128x8x128xf32, #tpu.memory_space<vmem>>, vector<1x8x1x8x128xf32>,
    %get3A_1663 = arith.constant 7104 : index
    %get3A_1664 = arith.constant 0 : index
    %get3A_1665 = vector.load %arg2[%get3A_1663, %get3A_1664] : memref<8192x128xf32, #tpu.memory_space<vmem>>, vector<64x128xf32>
    %reshape3A_1666 = vector.shape_cast %get3A_1665 : vector<64x128xf32> to vector<128x64xf32>
    %dot_general3A_1667 = arith.constant dense<0.000000e+00> : vector<64x128xf32>
    %dot_general3A_1668 = tpu.matmul %reshape3A_1666, %convert_element_type3A_1, %dot_general3A_1667 {dimension_numbers = #tpu.dot_dimension_numbers<[0], [0], [1], [1], [0, 1, 1, 1], [], []>, transpose_lhs_hint = false} : vector<128x64xf32>, vector<128x128xf32>, vector<64x128xf32> -> vector<64x128xf32>
    %reshape3A_1669 = vector.shape_cast %dot_general3A_1668 : vector<64x128xf32> to vector<8x8x128xf32>
    %swap3A_1670 = arith.constant 0 : index
    %swap3A_1671 = arith.constant 0 : index
    %swap3A_1672 = arith.constant 111 : index
    %swap3A_1673 = arith.constant 0 : index
    %swap3A_1674 = arith.constant 0 : index
    %swap3A_1675 = vector.load %arg3[%swap3A_1670, %swap3A_1671, %swap3A_1672, %swap3A_1673, %swap3A_1674] : memref<1x8x128x8x128xf32, #tpu.memory_space<vmem>>, vector<1x8x1x8x128xf32>
    %swap3A_1676 = vector.shape_cast %swap3A_1675 : vector<1x8x1x8x128xf32> to vector<8x8x128xf32>
    %swap3A_1677 = vector.shape_cast %reshape3A_1669 : vector<8x8x128xf32> to vector<1x8x1x8x128xf32>
    tpu.vector_store %arg3[%swap3A_1670, %swap3A_1671, %swap3A_1672, %swap3A_1673, %swap3A_1674], %swap3A_1677 {strides = array<i32>} : memref<1x8x128x8x128xf32, #tpu.memory_space<vmem>>, vector<1x8x1x8x128xf32>,
    %get3A_1678 = arith.constant 7168 : index
    %get3A_1679 = arith.constant 0 : index
    %get3A_1680 = vector.load %arg2[%get3A_1678, %get3A_1679] : memref<8192x128xf32, #tpu.memory_space<vmem>>, vector<64x128xf32>
    %reshape3A_1681 = vector.shape_cast %get3A_1680 : vector<64x128xf32> to vector<128x64xf32>
    %dot_general3A_1682 = arith.constant dense<0.000000e+00> : vector<64x128xf32>
    %dot_general3A_1683 = tpu.matmul %reshape3A_1681, %convert_element_type3A_1, %dot_general3A_1682 {dimension_numbers = #tpu.dot_dimension_numbers<[0], [0], [1], [1], [0, 1, 1, 1], [], []>, transpose_lhs_hint = false} : vector<128x64xf32>, vector<128x128xf32>, vector<64x128xf32> -> vector<64x128xf32>
    %reshape3A_1684 = vector.shape_cast %dot_general3A_1683 : vector<64x128xf32> to vector<8x8x128xf32>
    %swap3A_1685 = arith.constant 0 : index
    %swap3A_1686 = arith.constant 0 : index
    %swap3A_1687 = arith.constant 112 : index
    %swap3A_1688 = arith.constant 0 : index
    %swap3A_1689 = arith.constant 0 : index
    %swap3A_1690 = vector.load %arg3[%swap3A_1685, %swap3A_1686, %swap3A_1687, %swap3A_1688, %swap3A_1689] : memref<1x8x128x8x128xf32, #tpu.memory_space<vmem>>, vector<1x8x1x8x128xf32>
    %swap3A_1691 = vector.shape_cast %swap3A_1690 : vector<1x8x1x8x128xf32> to vector<8x8x128xf32>
    %swap3A_1692 = vector.shape_cast %reshape3A_1684 : vector<8x8x128xf32> to vector<1x8x1x8x128xf32>
    tpu.vector_store %arg3[%swap3A_1685, %swap3A_1686, %swap3A_1687, %swap3A_1688, %swap3A_1689], %swap3A_1692 {strides = array<i32>} : memref<1x8x128x8x128xf32, #tpu.memory_space<vmem>>, vector<1x8x1x8x128xf32>,
    %get3A_1693 = arith.constant 7232 : index
    %get3A_1694 = arith.constant 0 : index
    %get3A_1695 = vector.load %arg2[%get3A_1693, %get3A_1694] : memref<8192x128xf32, #tpu.memory_space<vmem>>, vector<64x128xf32>
    %reshape3A_1696 = vector.shape_cast %get3A_1695 : vector<64x128xf32> to vector<128x64xf32>
    %dot_general3A_1697 = arith.constant dense<0.000000e+00> : vector<64x128xf32>
    %dot_general3A_1698 = tpu.matmul %reshape3A_1696, %convert_element_type3A_1, %dot_general3A_1697 {dimension_numbers = #tpu.dot_dimension_numbers<[0], [0], [1], [1], [0, 1, 1, 1], [], []>, transpose_lhs_hint = false} : vector<128x64xf32>, vector<128x128xf32>, vector<64x128xf32> -> vector<64x128xf32>
    %reshape3A_1699 = vector.shape_cast %dot_general3A_1698 : vector<64x128xf32> to vector<8x8x128xf32>
    %swap3A_1700 = arith.constant 0 : index
    %swap3A_1701 = arith.constant 0 : index
    %swap3A_1702 = arith.constant 113 : index
    %swap3A_1703 = arith.constant 0 : index
    %swap3A_1704 = arith.constant 0 : index
    %swap3A_1705 = vector.load %arg3[%swap3A_1700, %swap3A_1701, %swap3A_1702, %swap3A_1703, %swap3A_1704] : memref<1x8x128x8x128xf32, #tpu.memory_space<vmem>>, vector<1x8x1x8x128xf32>
    %swap3A_1706 = vector.shape_cast %swap3A_1705 : vector<1x8x1x8x128xf32> to vector<8x8x128xf32>
    %swap3A_1707 = vector.shape_cast %reshape3A_1699 : vector<8x8x128xf32> to vector<1x8x1x8x128xf32>
    tpu.vector_store %arg3[%swap3A_1700, %swap3A_1701, %swap3A_1702, %swap3A_1703, %swap3A_1704], %swap3A_1707 {strides = array<i32>} : memref<1x8x128x8x128xf32, #tpu.memory_space<vmem>>, vector<1x8x1x8x128xf32>,
    %get3A_1708 = arith.constant 7296 : index
    %get3A_1709 = arith.constant 0 : index
    %get3A_1710 = vector.load %arg2[%get3A_1708, %get3A_1709] : memref<8192x128xf32, #tpu.memory_space<vmem>>, vector<64x128xf32>
    %reshape3A_1711 = vector.shape_cast %get3A_1710 : vector<64x128xf32> to vector<128x64xf32>
    %dot_general3A_1712 = arith.constant dense<0.000000e+00> : vector<64x128xf32>
    %dot_general3A_1713 = tpu.matmul %reshape3A_1711, %convert_element_type3A_1, %dot_general3A_1712 {dimension_numbers = #tpu.dot_dimension_numbers<[0], [0], [1], [1], [0, 1, 1, 1], [], []>, transpose_lhs_hint = false} : vector<128x64xf32>, vector<128x128xf32>, vector<64x128xf32> -> vector<64x128xf32>
    %reshape3A_1714 = vector.shape_cast %dot_general3A_1713 : vector<64x128xf32> to vector<8x8x128xf32>
    %swap3A_1715 = arith.constant 0 : index
    %swap3A_1716 = arith.constant 0 : index
    %swap3A_1717 = arith.constant 114 : index
    %swap3A_1718 = arith.constant 0 : index
    %swap3A_1719 = arith.constant 0 : index
    %swap3A_1720 = vector.load %arg3[%swap3A_1715, %swap3A_1716, %swap3A_1717, %swap3A_1718, %swap3A_1719] : memref<1x8x128x8x128xf32, #tpu.memory_space<vmem>>, vector<1x8x1x8x128xf32>
    %swap3A_1721 = vector.shape_cast %swap3A_1720 : vector<1x8x1x8x128xf32> to vector<8x8x128xf32>
    %swap3A_1722 = vector.shape_cast %reshape3A_1714 : vector<8x8x128xf32> to vector<1x8x1x8x128xf32>
    tpu.vector_store %arg3[%swap3A_1715, %swap3A_1716, %swap3A_1717, %swap3A_1718, %swap3A_1719], %swap3A_1722 {strides = array<i32>} : memref<1x8x128x8x128xf32, #tpu.memory_space<vmem>>, vector<1x8x1x8x128xf32>,
    %get3A_1723 = arith.constant 7360 : index
    %get3A_1724 = arith.constant 0 : index
    %get3A_1725 = vector.load %arg2[%get3A_1723, %get3A_1724] : memref<8192x128xf32, #tpu.memory_space<vmem>>, vector<64x128xf32>
    %reshape3A_1726 = vector.shape_cast %get3A_1725 : vector<64x128xf32> to vector<128x64xf32>
    %dot_general3A_1727 = arith.constant dense<0.000000e+00> : vector<64x128xf32>
    %dot_general3A_1728 = tpu.matmul %reshape3A_1726, %convert_element_type3A_1, %dot_general3A_1727 {dimension_numbers = #tpu.dot_dimension_numbers<[0], [0], [1], [1], [0, 1, 1, 1], [], []>, transpose_lhs_hint = false} : vector<128x64xf32>, vector<128x128xf32>, vector<64x128xf32> -> vector<64x128xf32>
    %reshape3A_1729 = vector.shape_cast %dot_general3A_1728 : vector<64x128xf32> to vector<8x8x128xf32>
    %swap3A_1730 = arith.constant 0 : index
    %swap3A_1731 = arith.constant 0 : index
    %swap3A_1732 = arith.constant 115 : index
    %swap3A_1733 = arith.constant 0 : index
    %swap3A_1734 = arith.constant 0 : index
    %swap3A_1735 = vector.load %arg3[%swap3A_1730, %swap3A_1731, %swap3A_1732, %swap3A_1733, %swap3A_1734] : memref<1x8x128x8x128xf32, #tpu.memory_space<vmem>>, vector<1x8x1x8x128xf32>
    %swap3A_1736 = vector.shape_cast %swap3A_1735 : vector<1x8x1x8x128xf32> to vector<8x8x128xf32>
    %swap3A_1737 = vector.shape_cast %reshape3A_1729 : vector<8x8x128xf32> to vector<1x8x1x8x128xf32>
    tpu.vector_store %arg3[%swap3A_1730, %swap3A_1731, %swap3A_1732, %swap3A_1733, %swap3A_1734], %swap3A_1737 {strides = array<i32>} : memref<1x8x128x8x128xf32, #tpu.memory_space<vmem>>, vector<1x8x1x8x128xf32>,
    %get3A_1738 = arith.constant 7424 : index
    %get3A_1739 = arith.constant 0 : index
    %get3A_1740 = vector.load %arg2[%get3A_1738, %get3A_1739] : memref<8192x128xf32, #tpu.memory_space<vmem>>, vector<64x128xf32>
    %reshape3A_1741 = vector.shape_cast %get3A_1740 : vector<64x128xf32> to vector<128x64xf32>
    %dot_general3A_1742 = arith.constant dense<0.000000e+00> : vector<64x128xf32>
    %dot_general3A_1743 = tpu.matmul %reshape3A_1741, %convert_element_type3A_1, %dot_general3A_1742 {dimension_numbers = #tpu.dot_dimension_numbers<[0], [0], [1], [1], [0, 1, 1, 1], [], []>, transpose_lhs_hint = false} : vector<128x64xf32>, vector<128x128xf32>, vector<64x128xf32> -> vector<64x128xf32>
    %reshape3A_1744 = vector.shape_cast %dot_general3A_1743 : vector<64x128xf32> to vector<8x8x128xf32>
    %swap3A_1745 = arith.constant 0 : index
    %swap3A_1746 = arith.constant 0 : index
    %swap3A_1747 = arith.constant 116 : index
    %swap3A_1748 = arith.constant 0 : index
    %swap3A_1749 = arith.constant 0 : index
    %swap3A_1750 = vector.load %arg3[%swap3A_1745, %swap3A_1746, %swap3A_1747, %swap3A_1748, %swap3A_1749] : memref<1x8x128x8x128xf32, #tpu.memory_space<vmem>>, vector<1x8x1x8x128xf32>
    %swap3A_1751 = vector.shape_cast %swap3A_1750 : vector<1x8x1x8x128xf32> to vector<8x8x128xf32>
    %swap3A_1752 = vector.shape_cast %reshape3A_1744 : vector<8x8x128xf32> to vector<1x8x1x8x128xf32>
    tpu.vector_store %arg3[%swap3A_1745, %swap3A_1746, %swap3A_1747, %swap3A_1748, %swap3A_1749], %swap3A_1752 {strides = array<i32>} : memref<1x8x128x8x128xf32, #tpu.memory_space<vmem>>, vector<1x8x1x8x128xf32>,
    %get3A_1753 = arith.constant 7488 : index
    %get3A_1754 = arith.constant 0 : index
    %get3A_1755 = vector.load %arg2[%get3A_1753, %get3A_1754] : memref<8192x128xf32, #tpu.memory_space<vmem>>, vector<64x128xf32>
    %reshape3A_1756 = vector.shape_cast %get3A_1755 : vector<64x128xf32> to vector<128x64xf32>
    %dot_general3A_1757 = arith.constant dense<0.000000e+00> : vector<64x128xf32>
    %dot_general3A_1758 = tpu.matmul %reshape3A_1756, %convert_element_type3A_1, %dot_general3A_1757 {dimension_numbers = #tpu.dot_dimension_numbers<[0], [0], [1], [1], [0, 1, 1, 1], [], []>, transpose_lhs_hint = false} : vector<128x64xf32>, vector<128x128xf32>, vector<64x128xf32> -> vector<64x128xf32>
    %reshape3A_1759 = vector.shape_cast %dot_general3A_1758 : vector<64x128xf32> to vector<8x8x128xf32>
    %swap3A_1760 = arith.constant 0 : index
    %swap3A_1761 = arith.constant 0 : index
    %swap3A_1762 = arith.constant 117 : index
    %swap3A_1763 = arith.constant 0 : index
    %swap3A_1764 = arith.constant 0 : index
    %swap3A_1765 = vector.load %arg3[%swap3A_1760, %swap3A_1761, %swap3A_1762, %swap3A_1763, %swap3A_1764] : memref<1x8x128x8x128xf32, #tpu.memory_space<vmem>>, vector<1x8x1x8x128xf32>
    %swap3A_1766 = vector.shape_cast %swap3A_1765 : vector<1x8x1x8x128xf32> to vector<8x8x128xf32>
    %swap3A_1767 = vector.shape_cast %reshape3A_1759 : vector<8x8x128xf32> to vector<1x8x1x8x128xf32>
    tpu.vector_store %arg3[%swap3A_1760, %swap3A_1761, %swap3A_1762, %swap3A_1763, %swap3A_1764], %swap3A_1767 {strides = array<i32>} : memref<1x8x128x8x128xf32, #tpu.memory_space<vmem>>, vector<1x8x1x8x128xf32>,
    %get3A_1768 = arith.constant 7552 : index
    %get3A_1769 = arith.constant 0 : index
    %get3A_1770 = vector.load %arg2[%get3A_1768, %get3A_1769] : memref<8192x128xf32, #tpu.memory_space<vmem>>, vector<64x128xf32>
    %reshape3A_1771 = vector.shape_cast %get3A_1770 : vector<64x128xf32> to vector<128x64xf32>
    %dot_general3A_1772 = arith.constant dense<0.000000e+00> : vector<64x128xf32>
    %dot_general3A_1773 = tpu.matmul %reshape3A_1771, %convert_element_type3A_1, %dot_general3A_1772 {dimension_numbers = #tpu.dot_dimension_numbers<[0], [0], [1], [1], [0, 1, 1, 1], [], []>, transpose_lhs_hint = false} : vector<128x64xf32>, vector<128x128xf32>, vector<64x128xf32> -> vector<64x128xf32>
    %reshape3A_1774 = vector.shape_cast %dot_general3A_1773 : vector<64x128xf32> to vector<8x8x128xf32>
    %swap3A_1775 = arith.constant 0 : index
    %swap3A_1776 = arith.constant 0 : index
    %swap3A_1777 = arith.constant 118 : index
    %swap3A_1778 = arith.constant 0 : index
    %swap3A_1779 = arith.constant 0 : index
    %swap3A_1780 = vector.load %arg3[%swap3A_1775, %swap3A_1776, %swap3A_1777, %swap3A_1778, %swap3A_1779] : memref<1x8x128x8x128xf32, #tpu.memory_space<vmem>>, vector<1x8x1x8x128xf32>
    %swap3A_1781 = vector.shape_cast %swap3A_1780 : vector<1x8x1x8x128xf32> to vector<8x8x128xf32>
    %swap3A_1782 = vector.shape_cast %reshape3A_1774 : vector<8x8x128xf32> to vector<1x8x1x8x128xf32>
    tpu.vector_store %arg3[%swap3A_1775, %swap3A_1776, %swap3A_1777, %swap3A_1778, %swap3A_1779], %swap3A_1782 {strides = array<i32>} : memref<1x8x128x8x128xf32, #tpu.memory_space<vmem>>, vector<1x8x1x8x128xf32>,
    %get3A_1783 = arith.constant 7616 : index
    %get3A_1784 = arith.constant 0 : index
    %get3A_1785 = vector.load %arg2[%get3A_1783, %get3A_1784] : memref<8192x128xf32, #tpu.memory_space<vmem>>, vector<64x128xf32>
    %reshape3A_1786 = vector.shape_cast %get3A_1785 : vector<64x128xf32> to vector<128x64xf32>
    %dot_general3A_1787 = arith.constant dense<0.000000e+00> : vector<64x128xf32>
    %dot_general3A_1788 = tpu.matmul %reshape3A_1786, %convert_element_type3A_1, %dot_general3A_1787 {dimension_numbers = #tpu.dot_dimension_numbers<[0], [0], [1], [1], [0, 1, 1, 1], [], []>, transpose_lhs_hint = false} : vector<128x64xf32>, vector<128x128xf32>, vector<64x128xf32> -> vector<64x128xf32>
    %reshape3A_1789 = vector.shape_cast %dot_general3A_1788 : vector<64x128xf32> to vector<8x8x128xf32>
    %swap3A_1790 = arith.constant 0 : index
    %swap3A_1791 = arith.constant 0 : index
    %swap3A_1792 = arith.constant 119 : index
    %swap3A_1793 = arith.constant 0 : index
    %swap3A_1794 = arith.constant 0 : index
    %swap3A_1795 = vector.load %arg3[%swap3A_1790, %swap3A_1791, %swap3A_1792, %swap3A_1793, %swap3A_1794] : memref<1x8x128x8x128xf32, #tpu.memory_space<vmem>>, vector<1x8x1x8x128xf32>
    %swap3A_1796 = vector.shape_cast %swap3A_1795 : vector<1x8x1x8x128xf32> to vector<8x8x128xf32>
    %swap3A_1797 = vector.shape_cast %reshape3A_1789 : vector<8x8x128xf32> to vector<1x8x1x8x128xf32>
    tpu.vector_store %arg3[%swap3A_1790, %swap3A_1791, %swap3A_1792, %swap3A_1793, %swap3A_1794], %swap3A_1797 {strides = array<i32>} : memref<1x8x128x8x128xf32, #tpu.memory_space<vmem>>, vector<1x8x1x8x128xf32>,
    %get3A_1798 = arith.constant 7680 : index
    %get3A_1799 = arith.constant 0 : index
    %get3A_1800 = vector.load %arg2[%get3A_1798, %get3A_1799] : memref<8192x128xf32, #tpu.memory_space<vmem>>, vector<64x128xf32>
    %reshape3A_1801 = vector.shape_cast %get3A_1800 : vector<64x128xf32> to vector<128x64xf32>
    %dot_general3A_1802 = arith.constant dense<0.000000e+00> : vector<64x128xf32>
    %dot_general3A_1803 = tpu.matmul %reshape3A_1801, %convert_element_type3A_1, %dot_general3A_1802 {dimension_numbers = #tpu.dot_dimension_numbers<[0], [0], [1], [1], [0, 1, 1, 1], [], []>, transpose_lhs_hint = false} : vector<128x64xf32>, vector<128x128xf32>, vector<64x128xf32> -> vector<64x128xf32>
    %reshape3A_1804 = vector.shape_cast %dot_general3A_1803 : vector<64x128xf32> to vector<8x8x128xf32>
    %swap3A_1805 = arith.constant 0 : index
    %swap3A_1806 = arith.constant 0 : index
    %swap3A_1807 = arith.constant 120 : index
    %swap3A_1808 = arith.constant 0 : index
    %swap3A_1809 = arith.constant 0 : index
    %swap3A_1810 = vector.load %arg3[%swap3A_1805, %swap3A_1806, %swap3A_1807, %swap3A_1808, %swap3A_1809] : memref<1x8x128x8x128xf32, #tpu.memory_space<vmem>>, vector<1x8x1x8x128xf32>
    %swap3A_1811 = vector.shape_cast %swap3A_1810 : vector<1x8x1x8x128xf32> to vector<8x8x128xf32>
    %swap3A_1812 = vector.shape_cast %reshape3A_1804 : vector<8x8x128xf32> to vector<1x8x1x8x128xf32>
    tpu.vector_store %arg3[%swap3A_1805, %swap3A_1806, %swap3A_1807, %swap3A_1808, %swap3A_1809], %swap3A_1812 {strides = array<i32>} : memref<1x8x128x8x128xf32, #tpu.memory_space<vmem>>, vector<1x8x1x8x128xf32>,
    %get3A_1813 = arith.constant 7744 : index
    %get3A_1814 = arith.constant 0 : index
    %get3A_1815 = vector.load %arg2[%get3A_1813, %get3A_1814] : memref<8192x128xf32, #tpu.memory_space<vmem>>, vector<64x128xf32>
    %reshape3A_1816 = vector.shape_cast %get3A_1815 : vector<64x128xf32> to vector<128x64xf32>
    %dot_general3A_1817 = arith.constant dense<0.000000e+00> : vector<64x128xf32>
    %dot_general3A_1818 = tpu.matmul %reshape3A_1816, %convert_element_type3A_1, %dot_general3A_1817 {dimension_numbers = #tpu.dot_dimension_numbers<[0], [0], [1], [1], [0, 1, 1, 1], [], []>, transpose_lhs_hint = false} : vector<128x64xf32>, vector<128x128xf32>, vector<64x128xf32> -> vector<64x128xf32>
    %reshape3A_1819 = vector.shape_cast %dot_general3A_1818 : vector<64x128xf32> to vector<8x8x128xf32>
    %swap3A_1820 = arith.constant 0 : index
    %swap3A_1821 = arith.constant 0 : index
    %swap3A_1822 = arith.constant 121 : index
    %swap3A_1823 = arith.constant 0 : index
    %swap3A_1824 = arith.constant 0 : index
    %swap3A_1825 = vector.load %arg3[%swap3A_1820, %swap3A_1821, %swap3A_1822, %swap3A_1823, %swap3A_1824] : memref<1x8x128x8x128xf32, #tpu.memory_space<vmem>>, vector<1x8x1x8x128xf32>
    %swap3A_1826 = vector.shape_cast %swap3A_1825 : vector<1x8x1x8x128xf32> to vector<8x8x128xf32>
    %swap3A_1827 = vector.shape_cast %reshape3A_1819 : vector<8x8x128xf32> to vector<1x8x1x8x128xf32>
    tpu.vector_store %arg3[%swap3A_1820, %swap3A_1821, %swap3A_1822, %swap3A_1823, %swap3A_1824], %swap3A_1827 {strides = array<i32>} : memref<1x8x128x8x128xf32, #tpu.memory_space<vmem>>, vector<1x8x1x8x128xf32>,
    %get3A_1828 = arith.constant 7808 : index
    %get3A_1829 = arith.constant 0 : index
    %get3A_1830 = vector.load %arg2[%get3A_1828, %get3A_1829] : memref<8192x128xf32, #tpu.memory_space<vmem>>, vector<64x128xf32>
    %reshape3A_1831 = vector.shape_cast %get3A_1830 : vector<64x128xf32> to vector<128x64xf32>
    %dot_general3A_1832 = arith.constant dense<0.000000e+00> : vector<64x128xf32>
    %dot_general3A_1833 = tpu.matmul %reshape3A_1831, %convert_element_type3A_1, %dot_general3A_1832 {dimension_numbers = #tpu.dot_dimension_numbers<[0], [0], [1], [1], [0, 1, 1, 1], [], []>, transpose_lhs_hint = false} : vector<128x64xf32>, vector<128x128xf32>, vector<64x128xf32> -> vector<64x128xf32>
    %reshape3A_1834 = vector.shape_cast %dot_general3A_1833 : vector<64x128xf32> to vector<8x8x128xf32>
    %swap3A_1835 = arith.constant 0 : index
    %swap3A_1836 = arith.constant 0 : index
    %swap3A_1837 = arith.constant 122 : index
    %swap3A_1838 = arith.constant 0 : index
    %swap3A_1839 = arith.constant 0 : index
    %swap3A_1840 = vector.load %arg3[%swap3A_1835, %swap3A_1836, %swap3A_1837, %swap3A_1838, %swap3A_1839] : memref<1x8x128x8x128xf32, #tpu.memory_space<vmem>>, vector<1x8x1x8x128xf32>
    %swap3A_1841 = vector.shape_cast %swap3A_1840 : vector<1x8x1x8x128xf32> to vector<8x8x128xf32>
    %swap3A_1842 = vector.shape_cast %reshape3A_1834 : vector<8x8x128xf32> to vector<1x8x1x8x128xf32>
    tpu.vector_store %arg3[%swap3A_1835, %swap3A_1836, %swap3A_1837, %swap3A_1838, %swap3A_1839], %swap3A_1842 {strides = array<i32>} : memref<1x8x128x8x128xf32, #tpu.memory_space<vmem>>, vector<1x8x1x8x128xf32>,
    %get3A_1843 = arith.constant 7872 : index
    %get3A_1844 = arith.constant 0 : index
    %get3A_1845 = vector.load %arg2[%get3A_1843, %get3A_1844] : memref<8192x128xf32, #tpu.memory_space<vmem>>, vector<64x128xf32>
    %reshape3A_1846 = vector.shape_cast %get3A_1845 : vector<64x128xf32> to vector<128x64xf32>
    %dot_general3A_1847 = arith.constant dense<0.000000e+00> : vector<64x128xf32>
    %dot_general3A_1848 = tpu.matmul %reshape3A_1846, %convert_element_type3A_1, %dot_general3A_1847 {dimension_numbers = #tpu.dot_dimension_numbers<[0], [0], [1], [1], [0, 1, 1, 1], [], []>, transpose_lhs_hint = false} : vector<128x64xf32>, vector<128x128xf32>, vector<64x128xf32> -> vector<64x128xf32>
    %reshape3A_1849 = vector.shape_cast %dot_general3A_1848 : vector<64x128xf32> to vector<8x8x128xf32>
    %swap3A_1850 = arith.constant 0 : index
    %swap3A_1851 = arith.constant 0 : index
    %swap3A_1852 = arith.constant 123 : index
    %swap3A_1853 = arith.constant 0 : index
    %swap3A_1854 = arith.constant 0 : index
    %swap3A_1855 = vector.load %arg3[%swap3A_1850, %swap3A_1851, %swap3A_1852, %swap3A_1853, %swap3A_1854] : memref<1x8x128x8x128xf32, #tpu.memory_space<vmem>>, vector<1x8x1x8x128xf32>
    %swap3A_1856 = vector.shape_cast %swap3A_1855 : vector<1x8x1x8x128xf32> to vector<8x8x128xf32>
    %swap3A_1857 = vector.shape_cast %reshape3A_1849 : vector<8x8x128xf32> to vector<1x8x1x8x128xf32>
    tpu.vector_store %arg3[%swap3A_1850, %swap3A_1851, %swap3A_1852, %swap3A_1853, %swap3A_1854], %swap3A_1857 {strides = array<i32>} : memref<1x8x128x8x128xf32, #tpu.memory_space<vmem>>, vector<1x8x1x8x128xf32>,
    %get3A_1858 = arith.constant 7936 : index
    %get3A_1859 = arith.constant 0 : index
    %get3A_1860 = vector.load %arg2[%get3A_1858, %get3A_1859] : memref<8192x128xf32, #tpu.memory_space<vmem>>, vector<64x128xf32>
    %reshape3A_1861 = vector.shape_cast %get3A_1860 : vector<64x128xf32> to vector<128x64xf32>
    %dot_general3A_1862 = arith.constant dense<0.000000e+00> : vector<64x128xf32>
    %dot_general3A_1863 = tpu.matmul %reshape3A_1861, %convert_element_type3A_1, %dot_general3A_1862 {dimension_numbers = #tpu.dot_dimension_numbers<[0], [0], [1], [1], [0, 1, 1, 1], [], []>, transpose_lhs_hint = false} : vector<128x64xf32>, vector<128x128xf32>, vector<64x128xf32> -> vector<64x128xf32>
    %reshape3A_1864 = vector.shape_cast %dot_general3A_1863 : vector<64x128xf32> to vector<8x8x128xf32>
    %swap3A_1865 = arith.constant 0 : index
    %swap3A_1866 = arith.constant 0 : index
    %swap3A_1867 = arith.constant 124 : index
    %swap3A_1868 = arith.constant 0 : index
    %swap3A_1869 = arith.constant 0 : index
    %swap3A_1870 = vector.load %arg3[%swap3A_1865, %swap3A_1866, %swap3A_1867, %swap3A_1868, %swap3A_1869] : memref<1x8x128x8x128xf32, #tpu.memory_space<vmem>>, vector<1x8x1x8x128xf32>
    %swap3A_1871 = vector.shape_cast %swap3A_1870 : vector<1x8x1x8x128xf32> to vector<8x8x128xf32>
    %swap3A_1872 = vector.shape_cast %reshape3A_1864 : vector<8x8x128xf32> to vector<1x8x1x8x128xf32>
    tpu.vector_store %arg3[%swap3A_1865, %swap3A_1866, %swap3A_1867, %swap3A_1868, %swap3A_1869], %swap3A_1872 {strides = array<i32>} : memref<1x8x128x8x128xf32, #tpu.memory_space<vmem>>, vector<1x8x1x8x128xf32>,
    %get3A_1873 = arith.constant 8000 : index
    %get3A_1874 = arith.constant 0 : index
    %get3A_1875 = vector.load %arg2[%get3A_1873, %get3A_1874] : memref<8192x128xf32, #tpu.memory_space<vmem>>, vector<64x128xf32>
    %reshape3A_1876 = vector.shape_cast %get3A_1875 : vector<64x128xf32> to vector<128x64xf32>
    %dot_general3A_1877 = arith.constant dense<0.000000e+00> : vector<64x128xf32>
    %dot_general3A_1878 = tpu.matmul %reshape3A_1876, %convert_element_type3A_1, %dot_general3A_1877 {dimension_numbers = #tpu.dot_dimension_numbers<[0], [0], [1], [1], [0, 1, 1, 1], [], []>, transpose_lhs_hint = false} : vector<128x64xf32>, vector<128x128xf32>, vector<64x128xf32> -> vector<64x128xf32>
    %reshape3A_1879 = vector.shape_cast %dot_general3A_1878 : vector<64x128xf32> to vector<8x8x128xf32>
    %swap3A_1880 = arith.constant 0 : index
    %swap3A_1881 = arith.constant 0 : index
    %swap3A_1882 = arith.constant 125 : index
    %swap3A_1883 = arith.constant 0 : index
    %swap3A_1884 = arith.constant 0 : index
    %swap3A_1885 = vector.load %arg3[%swap3A_1880, %swap3A_1881, %swap3A_1882, %swap3A_1883, %swap3A_1884] : memref<1x8x128x8x128xf32, #tpu.memory_space<vmem>>, vector<1x8x1x8x128xf32>
    %swap3A_1886 = vector.shape_cast %swap3A_1885 : vector<1x8x1x8x128xf32> to vector<8x8x128xf32>
    %swap3A_1887 = vector.shape_cast %reshape3A_1879 : vector<8x8x128xf32> to vector<1x8x1x8x128xf32>
    tpu.vector_store %arg3[%swap3A_1880, %swap3A_1881, %swap3A_1882, %swap3A_1883, %swap3A_1884], %swap3A_1887 {strides = array<i32>} : memref<1x8x128x8x128xf32, #tpu.memory_space<vmem>>, vector<1x8x1x8x128xf32>,
    %get3A_1888 = arith.constant 8064 : index
    %get3A_1889 = arith.constant 0 : index
    %get3A_1890 = vector.load %arg2[%get3A_1888, %get3A_1889] : memref<8192x128xf32, #tpu.memory_space<vmem>>, vector<64x128xf32>
    %reshape3A_1891 = vector.shape_cast %get3A_1890 : vector<64x128xf32> to vector<128x64xf32>
    %dot_general3A_1892 = arith.constant dense<0.000000e+00> : vector<64x128xf32>
    %dot_general3A_1893 = tpu.matmul %reshape3A_1891, %convert_element_type3A_1, %dot_general3A_1892 {dimension_numbers = #tpu.dot_dimension_numbers<[0], [0], [1], [1], [0, 1, 1, 1], [], []>, transpose_lhs_hint = false} : vector<128x64xf32>, vector<128x128xf32>, vector<64x128xf32> -> vector<64x128xf32>
    %reshape3A_1894 = vector.shape_cast %dot_general3A_1893 : vector<64x128xf32> to vector<8x8x128xf32>
    %swap3A_1895 = arith.constant 0 : index
    %swap3A_1896 = arith.constant 0 : index
    %swap3A_1897 = arith.constant 126 : index
    %swap3A_1898 = arith.constant 0 : index
    %swap3A_1899 = arith.constant 0 : index
    %swap3A_1900 = vector.load %arg3[%swap3A_1895, %swap3A_1896, %swap3A_1897, %swap3A_1898, %swap3A_1899] : memref<1x8x128x8x128xf32, #tpu.memory_space<vmem>>, vector<1x8x1x8x128xf32>
    %swap3A_1901 = vector.shape_cast %swap3A_1900 : vector<1x8x1x8x128xf32> to vector<8x8x128xf32>
    %swap3A_1902 = vector.shape_cast %reshape3A_1894 : vector<8x8x128xf32> to vector<1x8x1x8x128xf32>
    tpu.vector_store %arg3[%swap3A_1895, %swap3A_1896, %swap3A_1897, %swap3A_1898, %swap3A_1899], %swap3A_1902 {strides = array<i32>} : memref<1x8x128x8x128xf32, #tpu.memory_space<vmem>>, vector<1x8x1x8x128xf32>,
    %get3A_1903 = arith.constant 8128 : index
    %get3A_1904 = arith.constant 0 : index
    %get3A_1905 = vector.load %arg2[%get3A_1903, %get3A_1904] : memref<8192x128xf32, #tpu.memory_space<vmem>>, vector<64x128xf32>
    %reshape3A_1906 = vector.shape_cast %get3A_1905 : vector<64x128xf32> to vector<128x64xf32>
    %dot_general3A_1907 = arith.constant dense<0.000000e+00> : vector<64x128xf32>
    %dot_general3A_1908 = tpu.matmul %reshape3A_1906, %convert_element_type3A_1, %dot_general3A_1907 {dimension_numbers = #tpu.dot_dimension_numbers<[0], [0], [1], [1], [0, 1, 1, 1], [], []>, transpose_lhs_hint = false} : vector<128x64xf32>, vector<128x128xf32>, vector<64x128xf32> -> vector<64x128xf32>
    %reshape3A_1909 = vector.shape_cast %dot_general3A_1908 : vector<64x128xf32> to vector<8x8x128xf32>
    %swap3A_1910 = arith.constant 0 : index
    %swap3A_1911 = arith.constant 0 : index
    %swap3A_1912 = arith.constant 127 : index
    %swap3A_1913 = arith.constant 0 : index
    %swap3A_1914 = arith.constant 0 : index
    %swap3A_1915 = vector.load %arg3[%swap3A_1910, %swap3A_1911, %swap3A_1912, %swap3A_1913, %swap3A_1914] : memref<1x8x128x8x128xf32, #tpu.memory_space<vmem>>, vector<1x8x1x8x128xf32>
    %swap3A_1916 = vector.shape_cast %swap3A_1915 : vector<1x8x1x8x128xf32> to vector<8x8x128xf32>
    %swap3A_1917 = vector.shape_cast %reshape3A_1909 : vector<8x8x128xf32> to vector<1x8x1x8x128xf32>
    tpu.vector_store %arg3[%swap3A_1910, %swap3A_1911, %swap3A_1912, %swap3A_1913, %swap3A_1914], %swap3A_1917 {strides = array<i32>} : memref<1x8x128x8x128xf32, #tpu.memory_space<vmem>>, vector<1x8x1x8x128xf32>,
    return
  }
  func.func @transform_0(%arg0: i32, %arg1: i32) -> (i32, i32) {
    %mul3A = arith.constant 1 : i32
    %mul3A_0 = arith.muli %arg0, %mul3A : i32
    %add3A = arith.addi %mul3A_0, %arg1 : i32
    %c0_i32 = arith.constant 0 : i32
    %c0_i32_1 = arith.constant 0 : i32
    return %add3A, %c0_i32 : i32, i32
  }
  func.func @transform_1(%arg0: i32, %arg1: i32) -> (i32, i32, i32, i32, i32) {
    %c0_i32 = arith.constant 0 : i32
    %c0_i32_0 = arith.constant 0 : i32
    %c0_i32_1 = arith.constant 0 : i32
    %c0_i32_2 = arith.constant 0 : i32
    return %arg0, %c0_i32, %arg1, %c0_i32_0, %c0_i32_1 : i32, i32, i32, i32, i32
  }
}

</mosaic_0001>

<sc_bundles>
// kernel: kernel.4.cloned.1.call-start
scs
__scs_entry_jumppad:
0x0: {  	(pc) =	sbr.rel $0x88, $3  }
0x1: {  	(tag) =	ssettag $0x0;
	lr =	simm.s32 $0x1  }
0x2: {  	[smem:$0x3F9F] =	sst lr;
	_ =	strace $0xD0000000  }
0x3: {  	_ = 	snop  }
0x4: {  	_ = 	snop  }
0x5: {  	_ = 	snop  }
0x6: {  	_ = 	snop  }
0x7: {  	_ = 	snop  }
__scs_overlays_trampoline_lowered:
0x8: {  	[smem:$0x3FAE] =	sst s0  }
0x9: {  	[smem:$0x3FAF] =	sst s1  }
0xa: {  	[smem:$0x3FB0] =	sst s2  }
0xb: {  	[smem:$0x3FB1] =	sst s3  }
0xc: {  	[smem:$0x3FB2] =	sst s4  }
0xd: {  	[smem:$0x3FB3] =	sst s5  }
0xe: {  	[smem:$0x3FB4] =	sst s6  }
0xf: {  	[smem:$0x3FB5] =	sst s7  }
0x10: {  	[smem:$0x3FB6] =	sst s8  }
0x11: {  	[smem:$0x3FB7] =	sst s9;
	s0 =	simm.s32 @!p0 $0x0  }
0x12: {  	s1 =	sld [smem:$0x3F9D];
	s0 =	simm.s32 @p0 $0x1  }
0x13: {  	[smem:$0x3FB8] =	sst s0;
	s0 =	simm.s32 @!p1 $0x0  }
0x14: {  	s2 =	sld [smem:$0x3F9C];
	s0 =	simm.s32 @p1 $0x1  }
0x15: {  	[smem:$0x3FB9] =	sst s0;
	s0 =	simm.s32 @!p2 $0x0  }
0x16: {  	s3 =	sld [smem:$0x3FDB];
	s0 =	simm.s32 @p2 $0x1  }
0x17: {  	s4 =	simm.s32 $0x1BF5;
	[smem:$0x3FBB] =	sst s0  }
0x18: {  	s0 =	sld [smem:$0x3F9E];
	_ =	swait.ge [sflag:s4], $0x0  }
0x19: {  	s7 =	sld [smem:$0x3F9F]  }
0x1a: {  	s8 =	sadd.s32 $0xFFFFE003, lr  }
0x1b: {  	s9 =	sadd.s32 $0xFFFFFEF7, lr;
	s5 =	simm.s32 $0xFFFFFFFF;
	p2 =	slt.u32 s8, $0xFFFFF086  }
0x1c: {  	p1 =	slt.u32 s9, $0xF7A;
	s5 =	simm.s32 @!p2 $0x0  }
0x1d: {  	s5 =	simm.s32 @p1 $0x1;
	p0 =	seq.s32 s7, s2  }
0x1e: {  	s7 =	smul.u32 @!p0 $0xF7A, s2;
	p2 =	seq.s32 @!p0 s5, $0x0  }
0x1f: {  	s9 =	smul.u32 $0xF7A, s1;
	s8 =	simm.s32 @!p0 $0x1BF5;
	p2 =	por !p2, p0  }
0x20: {  	[sflag:s8] =	ssyncset.s32 @!p0 $0xFFFFF086;
	s6 =	sadd.s32 @!p0 s3, s7;
	s7 =	simm.s32 @!p0 $0x108  }
0x21: {  	s3 =	sadd.s32 s3, s9;
	s6 =	sadd.s32 @!p0 $0x88, s6;
	s7 =	simm.s32 @p2 $0x1082  }
0x22: {  	[simem:s7], [sflag:s8] =	dma.local @!p0 [hbm:s6], $0xF7A  }
0x23: {  	s9 =	sor.u32 $0xD0000000, s2;
	s6 =	simm.s32 $0x108;
	_ =	swait.ge @!p0 [sflag:s8], $0x0  }
0x24: {  	s3 =	sadd.s32 $0x88, s3;
	s6 =	simm.s32 @!p1 $0x1082;
	[sflag:s4] =	ssyncset.s32 $0xFFFFF086  }
0x25: {  	[simem:s6], [sflag:s4] =	dma.local [hbm:s3], $0xF7A  }
0x26: {  	[smem:$0x3F9F] =	sst s1;
	(tag) =	ssettag s2;
	_ =	strace s9  }
0x27: {  	s1 =	sld [smem:$0x3FAF]  }
0x28: {  	s2 =	sld [smem:$0x3FB0]  }
0x29: {  	s4 =	sld [smem:$0x3FB2]  }
0x2a: {  	p0 =	seq.s32 s5, $0x0;
	s5 =	sld [smem:$0x3FB3]  }
0x2b: {  	s6 =	sld [smem:$0x3FB4]  }
0x2c: {  	s7 =	sld [smem:$0x3FB5]  }
0x2d: {  	s3 =	simm.s32 $0x108;
	s8 =	sld [smem:$0x3FB6]  }
0x2e: {  	s3 =	simm.s32 @!p0 $0x1082;
	s9 =	sld [smem:$0x3FB7]  }
0x2f: {  	lr =	sadd.s32 s0, s3;
	s0 =	sld [smem:$0x3FAE]  }
0x30: {  	s3 =	sld [smem:$0x3FB1]  }
0x31: {  	[smem:$0x3FBA] =	sst s10  }
0x32: {  	s10 =	sld [smem:$0x3FB8];
	_ =	sdelay $0x3  }
0x33: {  	p0 =	seq.s32 s10, $0x1;
	s10 =	sld [smem:$0x3FBA];
	_ =	sdelay $0x3  }
0x34: {  	[smem:$0x3FBA] =	sst s10  }
0x35: {  	s10 =	sld [smem:$0x3FB9];
	_ =	sdelay $0x3  }
0x36: {  	p1 =	seq.s32 s10, $0x1;
	s10 =	sld [smem:$0x3FBA];
	_ =	sdelay $0x3  }
0x37: {  	[smem:$0x3FBA] =	sst s10  }
0x38: {  	s10 =	sld [smem:$0x3FBB]  }
0x39: {  	_ = 	snop;
	(pc) =	sbr.ind lr, $3  }
0x3a: {  	_ = 	snop  }
0x3b: {  	_ = 	snop  }
0x3c: {  	p2 =	seq.s32 s10, $0x1;
	s10 =	sld [smem:$0x3FBA]  }
0x3d: {  	_ =	shalt  }
0x3e: {  	_ =	shalt  }
0x3f: {  	_ =	shalt  }
0x40: {  	_ =	shalt  }
0x41: {  	_ =	shalt  }
0x42: {  	_ =	shalt  }
0x43: {  	_ =	shalt  }
0x44: {  	_ =	shalt  }
0x45: {  	_ =	shalt  }
0x46: {  	_ =	shalt  }
0x47: {  	_ =	shalt  }
0x48: {  	_ =	shalt  }
0x49: {  	_ =	shalt  }
0x4a: {  	_ =	shalt  }
0x4b: {  	_ =	shalt  }
0x4c: {  	_ =	shalt  }
0x4d: {  	_ =	shalt  }
0x4e: {  	_ =	shalt  }
0x4f: {  	_ =	shalt  }
0x50: {  	_ =	shalt  }
0x51: {  	_ =	shalt  }
0x52: {  	_ =	shalt  }
0x53: {  	_ =	shalt  }
0x54: {  	_ =	shalt  }
0x55: {  	_ =	shalt  }
0x56: {  	_ =	shalt  }
0x57: {  	_ =	shalt  }
0x58: {  	_ =	shalt  }
0x59: {  	_ =	shalt  }
0x5a: {  	_ =	shalt  }
0x5b: {  	_ =	shalt  }
0x5c: {  	_ =	shalt  }
0x5d: {  	_ =	shalt  }
0x5e: {  	_ =	shalt  }
0x5f: {  	_ =	shalt  }
0x60: {  	_ =	shalt  }
0x61: {  	_ =	shalt  }
0x62: {  	_ =	shalt  }
0x63: {  	_ =	shalt  }
0x64: {  	_ =	shalt  }
0x65: {  	_ =	shalt  }
0x66: {  	_ =	shalt  }
0x67: {  	_ =	shalt  }
0x68: {  	_ =	shalt  }
0x69: {  	_ =	shalt  }
0x6a: {  	_ =	shalt  }
0x6b: {  	_ =	shalt  }
0x6c: {  	_ =	shalt  }
0x6d: {  	_ =	shalt  }
0x6e: {  	_ =	shalt  }
0x6f: {  	_ =	shalt  }
0x70: {  	_ =	shalt  }
0x71: {  	_ =	shalt  }
0x72: {  	_ =	shalt  }
0x73: {  	_ =	shalt  }
0x74: {  	_ =	shalt  }
0x75: {  	_ =	shalt  }
0x76: {  	_ =	shalt  }
0x77: {  	_ =	shalt  }
0x78: {  	_ =	shalt  }
0x79: {  	_ =	shalt  }
0x7a: {  	_ =	shalt  }
0x7b: {  	_ =	shalt  }
0x7c: {  	_ =	shalt  }
0x7d: {  	_ =	shalt  }
0x7e: {  	_ =	shalt  }
0x7f: {  	_ =	shalt  }
0x80: {  	_ =	shalt  }
0x81: {  	_ =	shalt  }
0x82: {  	_ =	shalt  }
0x83: {  	_ =	shalt  }
0x84: {  	_ =	shalt  }
0x85: {  	_ =	shalt  }
0x86: {  	_ =	shalt  }
0x87: {  	_ =	shalt  }
.Lfunc_end0:
.L_simem_size_0:
called_computation_lowered:
.L_overlay_start_0:
0x88: {  	s2 =	sld [smem:$0x3FD9]  }
0x89: {  	s3 =	sld [smem:$0x3FFE];
	_ =	sdelay $0x1  }
0x8a: {  	s1 =	srdreg.scid  }
0x8b: {  	s0 =	sand.u32 $0x1, s1  }
0x8c: {  	s16 =	sshll.u32 s0, $0xA;
	s2 =	sadd.s32 s3, s2  }
0x8d: {  	s2 =	sadd.s32 s2, s16  }
0x8e: {  	[smem:$0x3FC6] =	sst s2  }
0x8f: {  	_ = 	snop  }
0x90: {  	(tm) =	ssettm $0x1  }
0x91: {  	s17 =	sld [smem:$0x3FFB];
	_ =	sdelay $0x3  }
0x92: {  	_ =	strace s17  }
0x93: {  	s2 =	sld [smem:$0x3FFC];
	_ =	sdelay $0x3  }
0x94: {  	_ =	strace s2  }
0x95: {  	s2 =	sld [smem:$0x3FFD];
	_ =	sdelay $0x3  }
0x96: {  	_ =	strace s2  }
0x97: {  	_ =	strace $0x8FFFFFFF  }
0x98: {  	s18 =	sld [smem:$0x3FDB];
	_ =	sdelay $0x1  }
0x99: {  	s19 =	simm.s32 $_scs_section_size  }
0x9a: {  	s4 =	simm.s32 $_size__tile_overlayer_lowered;
	s5 =	simm.s32 $_tile_overlayer_lowered  }
0x9b: {  	s22 =	simm.s32 $0x1BFF;
	s21 =	sshll.u32 s5, $0x1;
	s2 =	sadd.s32 s19, s18  }
0x9c: {  	s6 =	simm.s32 $0x0;
	s20 =	sshll.u32 s4, $0x1;
	s4 =	sadd.s32 s21, s2  }
0x9d: {  	[timem:s6], [sflag:s22] =	dma.local [hbm:s4], s20  }
0x9e: {  	_ =	swait.ge [sflag:s22], s20  }
0x9f: {  	s3 =	ssub.s32 $0x0, s20;
	[sflag:s22] =	ssyncset.done $0x0  }
0xa0: {  	[sflag:s22] =	ssyncadd.s32 s3;
	_ =	sdelay $0x1  }
0xa1: {  	s23 =	simm.s32 $0x1B8B  }
0xa2: {  	_ =	swait.ge [sflag:s23], $0x1  }
0xa3: {  	[sflag:s23] =	ssyncset.done $0x0  }
0xa4: {  	s25 =	simm.s32 $0x1B8E;
	s24 =	sld [smem:$0x3FFE];
	[sflag:s23] =	ssyncadd.s32 $0xFFFFFFFF  }
0xa5: {  	s26 =	simm.s32 $execute0_lowered;
	[smem:$0x3FD2] =	sst s25  }
0xa6: {  	s4 =	sshll.u32 s26, $0x1;
	_ =	strace $0x80000046;
	[dreg:$0x1] =	wrdreg $0xFFFFFFFF  }
0xa7: {  	s28 =	simm.s32 $_size_execute0_lowered;
	s2 =	sadd.s32 s2, s4;
	[dreg:$0x0] =	wrdreg $0x0  }
0xa8: {  	s4 =	sshll.u32 s28, $0x1;
	[dreg:$0x2] =	wrdreg s2  }
0xa9: {  	[dreg:$0x3] =	wrdreg s4  }
0xaa: {  	[dreg:$0x4] =	wrdreg $0xC0  }
0xab: {  	_ =	task [dreg:s6], $0x5FFFF  }
0xac: {  	[dreg:$0x1] =	wrdreg $0xFFFFFFFF  }
0xad: {  	[dreg:$0x0] =	wrdreg $0x60  }
0xae: {  	[dreg:$0x2] =	wrdreg s24  }
0xaf: {  	[dreg:$0x3] =	wrdreg $0x9  }
0xb0: {  	_ =	task.clear_ibuf [dreg:s6], $0x4FFFF;
	_ =	strace $0x90000046  }
0xb1: {  	s29 =	simm.s32 $0x9;
	_ =	strace $0x80000048  }
0xb2: {  	_ =	swait.ge [sflag:s29], $0x1  }
0xb3: {  	[sflag:s29] =	ssyncadd.s32 $0xFFFFFFFF  }
0xb4: {  	_ =	strace $0x90000048  }
0xb5: {  	_ =	sfence  }
0xb6: {  	s30 =	sld [smem:$0x0];
	_ =	sdelay $0x2  }
0xb7: {  	s31 =	sshll.u32 s1, $0xD;
	s1 =	sshrl.u32 s1, $0x2  }
0xb8: {  	s3 =	sand.u32 $0x4000, s31;
	s1 =	sadd.s32 s1, s30  }
0xb9: {  	s0 =	sor.u32 s3, s0;
	s1 =	sshll.u32 s1, $0x11  }
0xba: {  	s0 =	sor.u32 s1, s0  }
0xbb: {  	s0 =	sadd.s32 $0x8F2B, s0  }
0xbc: {  	[sflag:s0] =	ssyncadd.remote.s32 $0x1  }
0xbd: {  	_ =	sfence.sel $0xFFFF  }
0xbe: {  	[dreg:$0x0] =	wrdreg $0xFFFFFFFF;
	(pc) =	sbr.abs _section_cstart, $3  }
0xbf: {  	[dreg:$0x1] =	wrdreg $0xFFFFFFFF  }
0xc0: {  	_ =	task.clear_ibuf [dreg:s6], $0x2FFFF;
	_ =	strace $0x9FFFFFFF  }
0xc1: {  	(tm) =	ssettm $0x7FFFFFFF  }
tec
execute0_lowered:
.L_overlay_start_1:
0x0: {  	(tag) =	ssettag $0x1  }
0x1: {  	s4 =	rddreg [dreg:$0x0]  }
0x2: {  	s0 =	rddreg [dreg:$0x1];
	s2 =	simm.s32 $0x0  }
0x3: {  	s3 =	srdreg.scid;
	s1 =	stileid.u32;
	s17 =	simm.s32 $0x400  }
0x4: {  	s18 =	simm.s32 $0x8400;
	s19 =	simm.s32 $0x1;
	s20 =	simm.s32 $0x3  }
0x5: {  	s21 =	simm.s32 $0x2;
	s22 =	simm.s32 $0x4;
	s23 =	simm.s32 $0x0  }
0x6: {  	[smem:$0x7FF] =	sst s2;
	s12 =	sand.u32 $0x1, s3;
	s5 =	sshll.u32 s1, $0x1  }
0x7: {  	s13 =	sadd.s32 $0x400, s4;
	s3 =	sadd.s32 $0x64400, s4;
	s14 =	sadd.s32 $0x805600, s4  }
0x8: {  	s15 =	sshll.u32 s1, $0xD;
	s16 =	sshll.u32 s1, $0x7;
	_ =	strace $0x80000047  }
0x9: {  	s5 =	sor.u32 s12, s5;
	s6 =	ssub.s32 $0x2, s12;
	s30 =	sshll.u32 s12, $0xC  }
0xa: {  	s31 =	sshll.u32 s12, $0x6;
	s29 =	sshll.u32 s5, $0x6;
	s7 =	sshrl.u32 s6, $0x1  }
0xb: {  	s5 =	sshll.u32 s5, $0xC;
	s4 =	sadd.s32 s13, s29;
	s7 =	ssub.s32 s6, s7  }
0xc: {  	s5 =	sadd.s32 s14, s5;
	s14 =	sadd.s32 s15, s14;
	s13 =	sadd.s32 s16, s13  }
0xd: {  	s15 =	simm.s32 $0x5;
	s16 =	simm.s32 $0x200;
	s6 =	sadd.s32 $0x1000, s4  }
0xe: {  	s7 =	smax.u32 s7, $0x1;
	s8 =	sadd.s32 $0x800, s4;
	s9 =	sadd.s32 $0x20000, s5  }
0xf: {  	s10 =	sadd.s32 $0x63800, s4;
	s11 =	sadd.s32 $0x18C0000, s5;
	s14 =	sadd.s32 s30, s14  }
0x10: {  	s12 =	sadd.s32 $0x18E0000, s5;
	s13 =	sadd.s32 s31, s13;
	s14 =	sadd.s32 $0x60000, s14  }
.LBB2_1:
0x11: {  	[tilespmem:s2], [sflag:$0x5] =	stream.linear.gather [hbm4b:s4+s2], $0x200, $0x38;
	[tilespmem:$0x10400] =	vst v63  }
0x12: {  	_ =	swait.ge [sflag:s15], $0x200  }
0x13: {  	[sflag:s15] =	ssyncset.done $0x0  }
0x14: {  	[sflag:s15] =	ssyncadd.s32 $0xFFFFFE00  }
0x15: {  	[tilespmem:s17], [sflag:$0x1] =	stream.indirect.gather [hbm4b:s3+s16], $0x40, s2, s16, $0xb8;
	[tilespmem:$0x10400] =	vst v63  }
0x16: {  	_ = 	snop  }
0x17: {  	[tilespmem:s16], [sflag:$0x5] =	stream.linear.gather [hbm4b:s8+s2], $0x200, $0x38;
	[tilespmem:$0x10400] =	vst v63  }
0x18: {  	_ =	swait.ge [sflag:s15], $0x200  }
0x19: {  	[sflag:s15] =	ssyncset.done $0x0  }
0x1a: {  	[sflag:s15] =	ssyncadd.s32 $0xFFFFFE00  }
0x1b: {  	[tilespmem:s18], [sflag:$0x2] =	stream.indirect.gather [hbm4b:s3+s16], $0x40, s16, s16, $0xb8;
	[tilespmem:$0x10400] =	vst v63  }
0x1c: {  	_ =	swait.ge [sflag:s19], $0x8000  }
0x1d: {  	[sflag:s19] =	ssyncset.done $0x0  }
0x1e: {  	[sflag:s19] =	ssyncadd.s32 $0xFFFF8000  }
0x1f: {  	[hbm4b:s5+s2] =	stream.linear.scatter [tilespmem:s17], [sflag:$0x3], $0x8000, $0x38;
	[tilespmem:$0x10400] =	vst v63  }
0x20: {  	_ =	swait.ge [sflag:s20], $0x8000  }
0x21: {  	[sflag:s20] =	ssyncset.done $0x0  }
0x22: {  	[sflag:s20] =	ssyncadd.s32 $0xFFFF8000  }
0x23: {  	[tilespmem:s2], [sflag:$0x5] =	stream.linear.gather [hbm4b:s6+s2], $0x200, $0x38;
	[tilespmem:$0x10400] =	vst v63  }
0x24: {  	_ =	swait.ge [sflag:s15], $0x200  }
0x25: {  	[sflag:s15] =	ssyncset.done $0x0  }
0x26: {  	[sflag:s15] =	ssyncadd.s32 $0xFFFFFE00  }
0x27: {  	[tilespmem:s17], [sflag:$0x1] =	stream.indirect.gather [hbm4b:s3+s16], $0x40, s2, s16, $0xb8;
	[tilespmem:$0x10400] =	vst v63  }
0x28: {  	_ =	swait.ge [sflag:s21], $0x8000  }
0x29: {  	[sflag:s21] =	ssyncset.done $0x0  }
0x2a: {  	[sflag:s21] =	ssyncadd.s32 $0xFFFF8000  }
0x2b: {  	[hbm4b:s9+s2] =	stream.linear.scatter [tilespmem:s18], [sflag:$0x4], $0x8000, $0x38;
	[tilespmem:$0x10400] =	vst v63  }
0x2c: {  	_ =	swait.ge [sflag:s22], $0x8000  }
0x2d: {  	s24 =	sadd.s32 $0x0, s13;
	[sflag:s22] =	ssyncset.done $0x0  }
0x2e: {  	s25 =	sadd.s32 $0x1800, s24;
	[sflag:s22] =	ssyncadd.s32 $0xFFFF8000  }
0x2f: {  	[tilespmem:s16], [sflag:$0x5] =	stream.linear.gather [hbm4b:s25+s2], $0x200, $0x38;
	[tilespmem:$0x10400] =	vst v63  }
0x30: {  	_ =	swait.ge [sflag:s15], $0x200  }
0x31: {  	[sflag:s15] =	ssyncset.done $0x0  }
0x32: {  	[sflag:s15] =	ssyncadd.s32 $0xFFFFFE00  }
0x33: {  	[tilespmem:s18], [sflag:$0x2] =	stream.indirect.gather [hbm4b:s3+s16], $0x40, s16, s16, $0xb8;
	[tilespmem:$0x10400] =	vst v63  }
0x34: {  	_ =	swait.ge [sflag:s19], $0x8000  }
0x35: {  	[sflag:s19] =	ssyncset.done $0x0  }
0x36: {  	s31 =	sadd.s32 $0xFFFE0000, s14;
	[sflag:s19] =	ssyncadd.s32 $0xFFFF8000  }
0x37: {  	[hbm4b:s31+s2] =	stream.linear.scatter [tilespmem:s17], [sflag:$0x3], $0x8000, $0x38;
	[tilespmem:$0x10400] =	vst v63  }
0x38: {  	_ =	swait.ge [sflag:s20], $0x8000  }
0x39: {  	[sflag:s20] =	ssyncset.done $0x0  }
0x3a: {  	s24 =	sadd.s32 $0x2000, s24;
	[sflag:s20] =	ssyncadd.s32 $0xFFFF8000  }
0x3b: {  	[tilespmem:s2], [sflag:$0x5] =	stream.linear.gather [hbm4b:s24+s2], $0x200, $0x38;
	[tilespmem:$0x10400] =	vst v63  }
0x3c: {  	_ =	swait.ge [sflag:s15], $0x200  }
0x3d: {  	[sflag:s15] =	ssyncset.done $0x0  }
0x3e: {  	[sflag:s15] =	ssyncadd.s32 $0xFFFFFE00  }
0x3f: {  	[tilespmem:s17], [sflag:$0x1] =	stream.indirect.gather [hbm4b:s3+s16], $0x40, s2, s16, $0xb8;
	[tilespmem:$0x10400] =	vst v63  }
0x40: {  	_ =	swait.ge [sflag:s21], $0x8000  }
0x41: {  	s26 =	smov.u32 s14;
	[sflag:s21] =	ssyncset.done $0x0  }
0x42: {  	s25 =	sadd.s32 $0x40000, s14;
	s24 =	simm.s32 $0x1000;
	[sflag:s21] =	ssyncadd.s32 $0xFFFF8000  }
.LBB2_2:
0x43: {  	[hbm4b:s26+s2] =	stream.linear.scatter [tilespmem:s18], [sflag:$0x4], $0x8000, $0x38;
	[tilespmem:$0x10400] =	vst v63  }
0x44: {  	s28 =	smov.u32 s24;
	s26 =	smov.u32 s25  }
0x45: {  	p0 =	sne.s32 s24, $0x61000;
	s24 =	sadd.s32 $0x1000, s24;
	_ =	swait.ge [sflag:s22], $0x8000  }
0x46: {  	s28 =	sadd.s32 s28, s13;
	[sflag:s22] =	ssyncset.done $0x0  }
0x47: {  	s29 =	sadd.s32 $0x1800, s28;
	[sflag:s22] =	ssyncadd.s32 $0xFFFF8000  }
0x48: {  	[tilespmem:s16], [sflag:$0x5] =	stream.linear.gather [hbm4b:s29+s2], $0x200, $0x38;
	[tilespmem:$0x10400] =	vst v63  }
0x49: {  	_ =	swait.ge [sflag:s15], $0x200  }
0x4a: {  	[sflag:s15] =	ssyncset.done $0x0  }
0x4b: {  	[sflag:s15] =	ssyncadd.s32 $0xFFFFFE00  }
0x4c: {  	[tilespmem:s18], [sflag:$0x2] =	stream.indirect.gather [hbm4b:s3+s16], $0x40, s16, s16, $0xb8;
	[tilespmem:$0x10400] =	vst v63  }
0x4d: {  	_ =	swait.ge [sflag:s19], $0x8000  }
0x4e: {  	[sflag:s19] =	ssyncset.done $0x0  }
0x4f: {  	s29 =	sadd.s32 $0xFFFE0000, s25;
	[sflag:s19] =	ssyncadd.s32 $0xFFFF8000  }
0x50: {  	[hbm4b:s29+s2] =	stream.linear.scatter [tilespmem:s17], [sflag:$0x3], $0x8000, $0x38;
	[tilespmem:$0x10400] =	vst v63  }
0x51: {  	_ =	swait.ge [sflag:s20], $0x8000  }
0x52: {  	[sflag:s20] =	ssyncset.done $0x0  }
0x53: {  	s28 =	sadd.s32 $0x2000, s28;
	[sflag:s20] =	ssyncadd.s32 $0xFFFF8000  }
0x54: {  	[tilespmem:s2], [sflag:$0x5] =	stream.linear.gather [hbm4b:s28+s2], $0x200, $0x38;
	[tilespmem:$0x10400] =	vst v63  }
0x55: {  	_ =	swait.ge [sflag:s15], $0x200  }
0x56: {  	[sflag:s15] =	ssyncset.done $0x0  }
.Ltmp0:
0x57: {  	[sflag:s15] =	ssyncadd.s32 $0xFFFFFE00;
	(pc) =	sbr.rel @p0 .LBB2_2-.Ltmp0, $4  }
0x58: {  	[tilespmem:s17], [sflag:$0x1] =	stream.indirect.gather [hbm4b:s3+s16], $0x40, s2, s16, $0xb8;
	[tilespmem:$0x10400] =	vst v63  }
0x59: {  	_ =	swait.ge [sflag:s21], $0x8000  }
0x5a: {  	[sflag:s21] =	ssyncset.done $0x0  }
0x5b: {  	s25 =	sadd.s32 $0x40000, s25;
	[sflag:s21] =	ssyncadd.s32 $0xFFFF8000  }
0x5c: {  	[hbm4b:s26+s2] =	stream.linear.scatter [tilespmem:s18], [sflag:$0x4], $0x8000, $0x38;
	[tilespmem:$0x10400] =	vst v63  }
0x5d: {  	_ =	swait.ge [sflag:s22], $0x8000  }
0x5e: {  	[sflag:s22] =	ssyncset.done $0x0  }
0x5f: {  	[sflag:s22] =	ssyncadd.s32 $0xFFFF8000  }
0x60: {  	[tilespmem:s16], [sflag:$0x5] =	stream.linear.gather [hbm4b:s10+s2], $0x200, $0x38;
	[tilespmem:$0x10400] =	vst v63  }
0x61: {  	_ =	swait.ge [sflag:s15], $0x200  }
0x62: {  	[sflag:s15] =	ssyncset.done $0x0  }
0x63: {  	[sflag:s15] =	ssyncadd.s32 $0xFFFFFE00  }
0x64: {  	[tilespmem:s18], [sflag:$0x2] =	stream.indirect.gather [hbm4b:s3+s16], $0x40, s16, s16, $0xb8;
	[tilespmem:$0x10400] =	vst v63  }
0x65: {  	_ =	swait.ge [sflag:s19], $0x8000  }
0x66: {  	[sflag:s19] =	ssyncset.done $0x0  }
0x67: {  	[sflag:s19] =	ssyncadd.s32 $0xFFFF8000  }
0x68: {  	[hbm4b:s11+s2] =	stream.linear.scatter [tilespmem:s17], [sflag:$0x3], $0x8000, $0x38;
	[tilespmem:$0x10400] =	vst v63  }
0x69: {  	_ =	swait.ge [sflag:s20], $0x8000  }
0x6a: {  	[sflag:s20] =	ssyncset.done $0x0  }
0x6b: {  	[sflag:s20] =	ssyncadd.s32 $0xFFFF8000  }
0x6c: {  	s23 =	sadd.s32 $0x1, s23;
	_ =	swait.ge [sflag:s21], $0x8000  }
0x6d: {  	p0 =	sne.s32 s23, s7;
	[sflag:s21] =	ssyncset.done $0x0  }
.Ltmp1:
0x6e: {  	[sflag:s21] =	ssyncadd.s32 $0xFFFF8000;
	(pc) =	sbr.rel @p0 .LBB2_1-.Ltmp1, $4  }
0x6f: {  	[hbm4b:s12+s2] =	stream.linear.scatter [tilespmem:s18], [sflag:$0x4], $0x8000, $0x38;
	[tilespmem:$0x10400] =	vst v63  }
0x70: {  	_ =	swait.ge [sflag:s22], $0x8000  }
0x71: {  	[sflag:s22] =	ssyncset.done $0x0  }
0x72: {  	[sflag:s22] =	ssyncadd.s32 $0xFFFF8000  }
0x73: {  	_ =	sfence.sel $0x180000  }
0x74: {  	[bflag:$0x0] =	sbarrier.arrive $0xFFFF  }
0x75: {  	p0 =	sne.s32 s1, $0x0;
	_ =	strace $0x90000047  }
0x76: {  	s0 =	sadd.s32 @!p0 $0x100000, s0;
	[bflag:$0x2] =	sbarrier.arrive $0xFFFF  }
0x77: {  	[sflag:s0] =	ssyncadd.tile.s32 @!p0 $0x1;
	_ =	shalt  }
.Lfunc_end2:
_tile_overlayer_lowered:
.L_overlay_start_2:
0x78: {  	(tag) =	ssettag $0x2  }
0x79: {  	s0 =	rddreg [dreg:$0x0];
	s2 =	stileid.u32  }
0x7a: {  	s1 =	rddreg [dreg:$0x1];
	p0 =	sne.s32 s2, $0x0  }
0x7b: {  	s3 =	rddreg [dreg:$0x2];
	[bflag:$0x3] =	sbarrier.arrive $0xFFFF;
	s2 =	simm.s32 @!p0 $0x1C05  }
0x7c: {  	[timem:s3], [sflag:s2] =	dma.local @!p0 [hbm:s0], s1  }
0x7d: {  	s0 =	simm.s32 @!p0 $0x5  }
0x7e: {  	_ =	swait.ge @!p0 [sflag:s0], s1  }
0x7f: {  	s1 =	ssub.s32 @!p0 $0x0, s1;
	[sflag:s0] =	ssyncset.done @!p0 $0x0  }
0x80: {  	[sflag:s0] =	ssyncadd.s32 @!p0 s1  }
0x81: {  	[bflag:$0x3] =	sbarrier.arrive $0xFFFF  }
0x82: {  	_ =	shalt  }

</sc_bundles>
